<compile_context>
chip_gen: v7x
topology: tpu7x:2x2x1
jax: 0.10.2.dev20260603
libtpu: 0.0.44.dev20260713+nightly
codegen_flags: <defaults>
</compile_context>

<pallas_src>
import dataclasses
import functools

import jax
import jax.numpy as jnp
from jax import lax
from jax.experimental import pallas as pl
from jax.experimental.pallas import tpu as pltpu
from jax.experimental.pallas import tpu_sc as plsc

HIDDEN = 128
N_TOTAL = 262144
BS = 131072
N_PULL = N_TOTAL - BS

NC = 2
NS = 16
NW = NC * NS
L = 16

NODES_PAD = 1048576
PER_SC_NODES = NODES_PAD // NS

PUSH_ROWS = BS // HIDDEN
PULL_ROWS = N_PULL // HIDDEN
CHUNK_ROWS = 16
NCHUNK = PUSH_ROWS // CHUNK_ROWS

PT = N_PULL // NW
JR = PT // HIDDEN
W = HIDDEN
NWAVE = PT // W
CW = 64
NCW = (BS // NW) // CW

_mesh = plsc.VectorSubcoreMesh(core_axis_name="c", subcore_axis_name="s")

_cp = pltpu.CompilerParams()
if "needs_layout_passes" in pltpu.CompilerParams.__dataclass_fields__:
    _cp = dataclasses.replace(_cp, needs_layout_passes=False)


@functools.partial(
    pl.kernel,
    out_type=(jax.ShapeDtypeStruct((N_TOTAL, HIDDEN), jnp.float32),
              jax.ShapeDtypeStruct((NC * NODES_PAD,), jnp.int32)),
    mesh=_mesh,
    scratch_types=[
        [pltpu.VMEM((CHUNK_ROWS, HIDDEN), jnp.int32)] * 2,
        pltpu.VMEM((PER_SC_NODES,), jnp.int32),
        pltpu.VMEM((JR, HIDDEN), jnp.int32),
        pltpu.VMEM((JR, HIDDEN), jnp.int32),
        pltpu.SMEM((1, HIDDEN), jnp.int32),
        pltpu.SMEM((1, HIDDEN), jnp.int32),
        pltpu.VMEM_SHARED((NS, 2, HIDDEN), jnp.int32),
        [pltpu.VMEM((W, HIDDEN), jnp.float32)] * 2,
        [pltpu.VMEM((CW, HIDDEN), jnp.float32)] * 2,
        [pltpu.SemaphoreType.DMA] * 2,
        [pltpu.SemaphoreType.DMA] * 2,
        [pltpu.SemaphoreType.DMA] * 2,
        [pltpu.SemaphoreType.DMA] * 2,
        [pltpu.SemaphoreType.DMA] * 2,
        pltpu.SemaphoreType.DMA,
    ],
    compiler_params=_cp,
)
def _fused(push_hbm, pull_hbm, emb_hbm, x_hbm, out_hbm, pos2_hbm,
           idxb, pos_v, pidx_v, j_v, sp_s, sj_s, hop_sh,
           ebufs, cbufs, isems, esems, wsems, crsems, cwsems, jsem):
    sid = lax.axis_index("s")
    cid = lax.axis_index("c")
    wid = sid * NC + cid
    lo = sid * PER_SC_NODES
    hi = lo + PER_SC_NODES
    coff = cid * NODES_PAD
    pull_base = wid * PT
    neg1 = jnp.full((L,), -1, jnp.int32)
    iota = lax.iota(jnp.int32, L)

    @pl.loop(0, PER_SC_NODES // L)
    def _(i):
        pos_v[pl.ds(i * L, L)] = neg1

    pltpu.sync_copy(pull_hbm.at[pl.ds(wid * JR, JR)], pidx_v)

    @pl.loop(0, JR)
    def _(rr):
        for v in range(HIDDEN // L):
            sl = pl.ds(v * L, L)
            pidx_v[rr, sl] = pidx_v[rr, sl] + coff

    def _cslice(w):
        return pl.ds(wid * (BS // NW) + w * CW, CW)

    def _push_slice(c):
        return push_hbm.at[pl.ds(c * CHUNK_ROWS, CHUNK_ROWS)]

    for b in range(2):
        pltpu.async_copy(_push_slice(b), idxb[b], isems[b])

    @pl.loop(0, NCHUNK, step=2)
    def _(cout):
        for b in range(2):
            c = cout + b

            pltpu.make_async_copy(_push_slice(c), idxb[b], isems[b]).wait()

            @pl.loop(0, CHUNK_ROWS)
            def _(r):
                base_j = (c * CHUNK_ROWS + r) * HIDDEN
                for v in range(HIDDEN // L):
                    k = idxb[b][r, pl.ds(v * L, L)]
                    m = (k >= lo) & (k < hi)
                    local = jnp.where(m, k - lo, 0)
                    jvec = base_j + v * L + iota
                    plsc.store_scatter(pos_v, [local], jvec, mask=m)
                    cur = plsc.load_gather(pos_v, [local], mask=m)
                    m2 = m & (cur < jvec)
                    plsc.store_scatter(pos_v, [local], jvec, mask=m2)

            @pl.when(c + 2 < NCHUNK)
            def _():
                pltpu.async_copy(_push_slice(c + 2), idxb[b], isems[b])

    pltpu.sync_copy(pos_v, pos2_hbm.at[pl.ds(coff + lo, PER_SC_NODES)])
    plsc.subcore_barrier()

    jdescs = [
        pltpu.async_copy(pos2_hbm.at[pidx_v.at[gg]], j_v.at[gg], jsem)
        for gg in range(JR)
    ]
    for d in jdescs:
        d.wait()

    def _owslice(w):
        return out_hbm.at[pl.ds(BS + pull_base + w * W, W)]

    @pl.loop(0, NWAVE, step=2)
    def _(wout):
        for b in range(2):
            w = wout + b

            @pl.when(w >= 2)
            def _():
                pltpu.make_async_copy(ebufs[b], _owslice(w - 2),
                                      wsems[b]).wait()

            pltpu.sync_copy(pidx_v.at[pl.ds(w, 1)],
                            hop_sh.at[sid, pl.ds(0, 1)])
            pltpu.sync_copy(j_v.at[pl.ds(w, 1)],
                            hop_sh.at[sid, pl.ds(1, 1)])
            pltpu.sync_copy(hop_sh.at[sid, pl.ds(0, 1)], sp_s)
            pltpu.sync_copy(hop_sh.at[sid, pl.ds(1, 1)], sj_s)

            @pl.loop(0, W)
            def _(i):
                jj = sj_s[0, i]
                dst = ebufs[b].at[pl.ds(i, 1)]

                @pl.when(jj >= 0)
                def _():
                    pltpu.async_copy(x_hbm.at[pl.ds(jj, 1)], dst, esems[b])

                @pl.when(jj < 0)
                def _():
                    pp = sp_s[0, i] - coff
                    pltpu.async_copy(emb_hbm.at[pl.ds(pp, 1)], dst,
                                     esems[b])

            @pl.loop(0, W)
            def _(i):
                pltpu.make_async_copy(emb_hbm.at[pl.ds(0, 1)],
                                      ebufs[b].at[pl.ds(0, 1)],
                                      esems[b]).wait()

            pltpu.async_copy(ebufs[b], _owslice(w), wsems[b])

    for b in range(2):
        pltpu.make_async_copy(ebufs[b], _owslice(NWAVE - 2 + b),
                              wsems[b]).wait()


def kernel(emb, x, n_id, batch_size):
    bs = BS
    offset = (jnp.asarray(batch_size, dtype=n_id.dtype) - bs)
    push_idx = (n_id[:bs] + offset).reshape(PUSH_ROWS, HIDDEN)
    pull_idx = n_id[bs:].reshape(PULL_ROWS, HIDDEN)
    out, _ = _fused(push_idx, pull_idx, emb, x)
    return out

# --- scband reference (transcript-rebuilt; emitter-appended) ---
"""Pipeline reference for scband-scalable-gnn-86139864089356 (READ-ONLY COPY).

The authoritative reference and input builder live on the scoring server;
editing this copy changes nothing except your own understanding.
"""

import jax, jax.numpy as jnp
import numpy as np

NUM_NODES = 1000000
HIDDEN = 128
N_TOTAL = 262144
BATCH = 131072


def setup_inputs(seed: int = 0) -> dict:
    key = jax.random.key(seed)
    k1, k2, k3 = jax.random.split(key, 3)
    emb = jax.random.normal(k1, (NUM_NODES, HIDDEN), dtype=jnp.float32)
    x = jax.random.normal(k2, (N_TOTAL, HIDDEN), dtype=jnp.float32)
    n_id = jax.random.randint(k3, (N_TOTAL,), 0, NUM_NODES, dtype=jnp.int32)
    return {"emb": emb, "x": x, "n_id": n_id, "batch_size": BATCH}


def reference(emb, x, n_id, batch_size):
    # Faithful jax translation of ScalableGNN.push_and_pull (sync path):
    #   history.push(x[:batch_size], n_id[:batch_size])  -> scatter-overwrite
    #   h = history.pull(n_id[batch_size:])              -> gather
    #   return torch.cat([x[:batch_size], h], dim=0)
    bs = BATCH
    push_idx = n_id[:bs] + (jnp.asarray(batch_size, dtype=n_id.dtype) - bs)
    new_emb = emb.at[push_idx].set(x[:bs])
    pull_idx = n_id[bs:]
    h = jnp.take(new_emb, pull_idx, axis=0)
    out = jnp.concatenate([x[:bs], h], axis=0)
    return out

if __name__ == "__main__":
    import jax
    _d = setup_inputs()
    print(jax.jit(kernel)(*tuple(_d.values())))

</pallas_src>

<mosaic_0001>
#map = affine_map<(d0, d1) -> (0, 0)>
#map1 = affine_map<(d0, d1) -> (0)>
module attributes {stable_mosaic.version = 14 : i64} {
  func.func @_fused(%arg0: i32, %arg1: i32, %arg2: memref<1024x128xi32, #tpu.memory_space<hbm>>, %arg3: memref<1024x128xi32, #tpu.memory_space<hbm>>, %arg4: memref<1000000x128xf32, #tpu.memory_space<hbm>>, %arg5: memref<262144x128xf32, #tpu.memory_space<hbm>>, %arg6: memref<262144x128xf32, #tpu.memory_space<hbm>>, %arg7: memref<2097152xi32, #tpu.memory_space<hbm>>, %arg8: memref<16x128xi32, #tpu.memory_space<vmem>>, %arg9: memref<16x128xi32, #tpu.memory_space<vmem>>, %arg10: memref<65536xi32, #tpu.memory_space<vmem>>, %arg11: memref<32x128xi32, #tpu.memory_space<vmem>>, %arg12: memref<32x128xi32, #tpu.memory_space<vmem>>, %arg13: memref<1x128xi32, #tpu.memory_space<smem>>, %arg14: memref<1x128xi32, #tpu.memory_space<smem>>, %arg15: memref<16x2x128xi32, #tpu.memory_space<vmem_shared>>, %arg16: memref<128x128xf32, #tpu.memory_space<vmem>>, %arg17: memref<128x128xf32, #tpu.memory_space<vmem>>, %arg18: memref<64x128xf32, #tpu.memory_space<vmem>>, %arg19: memref<64x128xf32, #tpu.memory_space<vmem>>, %arg20: memref<!tpu.dma_semaphore, #tpu.memory_space<semaphore_mem>>, %arg21: memref<!tpu.dma_semaphore, #tpu.memory_space<semaphore_mem>>, %arg22: memref<!tpu.dma_semaphore, #tpu.memory_space<semaphore_mem>>, %arg23: memref<!tpu.dma_semaphore, #tpu.memory_space<semaphore_mem>>, %arg24: memref<!tpu.dma_semaphore, #tpu.memory_space<semaphore_mem>>, %arg25: memref<!tpu.dma_semaphore, #tpu.memory_space<semaphore_mem>>, %arg26: memref<!tpu.dma_semaphore, #tpu.memory_space<semaphore_mem>>, %arg27: memref<!tpu.dma_semaphore, #tpu.memory_space<semaphore_mem>>, %arg28: memref<!tpu.dma_semaphore, #tpu.memory_space<semaphore_mem>>, %arg29: memref<!tpu.dma_semaphore, #tpu.memory_space<semaphore_mem>>, %arg30: memref<!tpu.dma_semaphore, #tpu.memory_space<semaphore_mem>>) attributes {dimension_semantics = [#tpu.dimension_semantics<core_parallel>, #tpu.dimension_semantics<subcore_parallel>], iteration_bounds = array<i64: 2, 16>, scalar_prefetch = 0 : i64, scratch_operands = 23 : i64, tpu.core_type = #tpu.core_type<sc_vector_subcore>, window_params = [{transform_indices = #map}, {transform_indices = #map}, {transform_indices = #map}, {transform_indices = #map}, {transform_indices = #map}, {transform_indices = #map1}]} {
    %mul3A = arith.constant 2 : i32
    %mul3A_0 = arith.muli %arg1, %mul3A : i32
    %add3A = arith.addi %mul3A_0, %arg0 : i32
    %mul3A_1 = arith.constant 65536 : i32
    %mul3A_2 = arith.muli %arg1, %mul3A_1 : i32
    %add3A_3 = arith.constant 65536 : i32
    %add3A_4 = arith.addi %mul3A_2, %add3A_3 : i32
    %mul3A_5 = arith.constant 1048576 : i32
    %mul3A_6 = arith.muli %arg0, %mul3A_5 : i32
    %mul3A_7 = arith.constant 4096 : i32
    %mul3A_8 = arith.muli %add3A, %mul3A_7 : i32
    %broadcast_in_dim3A = arith.constant -1 : i32
    %broadcast_in_dim3A_9 = vector.broadcast %broadcast_in_dim3A : i32 to vector<16xi32>
    %iota3A = tpu.iota {dimensions = array<i32: 0>} : vector<16xi32>
    %scan3A = arith.constant 0 : i32
    %scan3A_10 = arith.constant 4096 : i32
    %scan3A_11 = arith.addi %scan3A, %scan3A_10 : i32
    %scan3A_12 = arith.constant 1 : i32
    scf.for %scan3A_698 = %scan3A to %scan3A_11 step %scan3A_12  : i32 {
      %mul3A_699 = arith.constant 1 : i32
      %mul3A_700 = arith.muli %scan3A_698, %mul3A_699 : i32
      %add3A_701 = arith.constant 0 : i32
      %add3A_702 = arith.addi %add3A_701, %mul3A_700 : i32
      %mul3A_703 = arith.constant 16 : i32
      %mul3A_704 = arith.muli %add3A_702, %mul3A_703 : i32
      %swap3A = arith.index_cast %mul3A_704 : i32 to index
      %swap3A_705 = tpu.vector_load %arg10[%swap3A] {strides = array<i32>} : memref<65536xi32, #tpu.memory_space<vmem>>, vector<16xi32>,
      tpu.vector_store %arg10[%swap3A], %broadcast_in_dim3A_9 {strides = array<i32>} : memref<65536xi32, #tpu.memory_space<vmem>>, vector<16xi32>,
    }
    %scan3A_13 = arith.constant 4096 : i32
    %mul3A_14 = arith.constant 32 : i32
    %mul3A_15 = arith.muli %add3A, %mul3A_14 : i32
    "tpu.region"() ({
      %run_scoped3A = tpu.sem_alloc : memref<!tpu.dma_semaphore, #tpu.memory_space<semaphore_mem>>
      %dma_start3A_698 = arith.constant 0 : i32
      %dma_start3A_699 = tpu.memref_slice %arg3[%mul3A_15, %dma_start3A_698] : memref<1024x128xi32, #tpu.memory_space<hbm>> -> memref<32x128xi32, #tpu.memory_space<hbm>>
      %dma_start3A_700 = arith.constant 0 : i32
      %dma_start3A_701 = tpu.memref_slice %arg3[%mul3A_15, %dma_start3A_700] : memref<1024x128xi32, #tpu.memory_space<hbm>> -> memref<32x128xi32, #tpu.memory_space<hbm>>
      tpu.enqueue_dma source(%dma_start3A_701 : memref<32x128xi32, #tpu.memory_space<hbm>>) target(%arg11 : memref<32x128xi32, #tpu.memory_space<vmem>>) target_semaphore(%run_scoped3A : memref<!tpu.dma_semaphore, #tpu.memory_space<semaphore_mem>>)
      %dma_wait3A_702 = arith.constant 0 : i32
      %dma_wait3A_703 = tpu.memref_slice %arg3[%mul3A_15, %dma_wait3A_702] : memref<1024x128xi32, #tpu.memory_space<hbm>> -> memref<32x128xi32, #tpu.memory_space<hbm>>
      %dma_wait3A_704 = arith.constant 0 : i32
      %dma_wait3A_705 = tpu.memref_slice %arg3[%mul3A_15, %dma_wait3A_704] : memref<1024x128xi32, #tpu.memory_space<hbm>> -> memref<32x128xi32, #tpu.memory_space<hbm>>
      tpu.wait_dma2 semaphore(%run_scoped3A : memref<!tpu.dma_semaphore, #tpu.memory_space<semaphore_mem>>) src(%dma_wait3A_705 : memref<32x128xi32, #tpu.memory_space<hbm>>) dst(%arg11 : memref<32x128xi32, #tpu.memory_space<vmem>>)
      tpu.yield
    }) : () -> ()
    %scan3A_16 = arith.constant 0 : i32
    %scan3A_17 = arith.constant 32 : i32
    %scan3A_18 = arith.addi %scan3A_16, %scan3A_17 : i32
    %scan3A_19 = arith.constant 1 : i32
    scf.for %scan3A_698 = %scan3A_16 to %scan3A_18 step %scan3A_19  : i32 {
      %mul3A_699 = arith.constant 1 : i32
      %mul3A_700 = arith.muli %scan3A_698, %mul3A_699 : i32
      %add3A_701 = arith.constant 0 : i32
      %add3A_702 = arith.addi %add3A_701, %mul3A_700 : i32
      %get3A = arith.index_cast %add3A_702 : i32 to index
      %get3A_703 = arith.constant 0 : index
      %get3A_704 = tpu.vector_load %arg11[%get3A, %get3A_703] {strides = array<i32>} : memref<32x128xi32, #tpu.memory_space<vmem>>, vector<16xi32>,
      %add3A_705 = vector.broadcast %mul3A_6 : i32 to vector<16xi32>
      %add3A_706 = arith.addi %get3A_704, %add3A_705 : vector<16xi32>
      %swap3A = arith.index_cast %add3A_702 : i32 to index
      %swap3A_707 = arith.constant 0 : index
      %swap3A_708 = tpu.vector_load %arg11[%swap3A, %swap3A_707] {strides = array<i32>} : memref<32x128xi32, #tpu.memory_space<vmem>>, vector<16xi32>,
      tpu.vector_store %arg11[%swap3A, %swap3A_707], %add3A_706 {strides = array<i32>} : memref<32x128xi32, #tpu.memory_space<vmem>>, vector<16xi32>,
      %get3A_709 = arith.index_cast %add3A_702 : i32 to index
      %get3A_710 = arith.constant 16 : index
      %get3A_711 = tpu.vector_load %arg11[%get3A_709, %get3A_710] {strides = array<i32>} : memref<32x128xi32, #tpu.memory_space<vmem>>, vector<16xi32>,
      %add3A_712 = vector.broadcast %mul3A_6 : i32 to vector<16xi32>
      %add3A_713 = arith.addi %get3A_711, %add3A_712 : vector<16xi32>
      %swap3A_714 = arith.index_cast %add3A_702 : i32 to index
      %swap3A_715 = arith.constant 16 : index
      %swap3A_716 = tpu.vector_load %arg11[%swap3A_714, %swap3A_715] {strides = array<i32>} : memref<32x128xi32, #tpu.memory_space<vmem>>, vector<16xi32>,
      tpu.vector_store %arg11[%swap3A_714, %swap3A_715], %add3A_713 {strides = array<i32>} : memref<32x128xi32, #tpu.memory_space<vmem>>, vector<16xi32>,
      %get3A_717 = arith.index_cast %add3A_702 : i32 to index
      %get3A_718 = arith.constant 32 : index
      %get3A_719 = tpu.vector_load %arg11[%get3A_717, %get3A_718] {strides = array<i32>} : memref<32x128xi32, #tpu.memory_space<vmem>>, vector<16xi32>,
      %add3A_720 = vector.broadcast %mul3A_6 : i32 to vector<16xi32>
      %add3A_721 = arith.addi %get3A_719, %add3A_720 : vector<16xi32>
      %swap3A_722 = arith.index_cast %add3A_702 : i32 to index
      %swap3A_723 = arith.constant 32 : index
      %swap3A_724 = tpu.vector_load %arg11[%swap3A_722, %swap3A_723] {strides = array<i32>} : memref<32x128xi32, #tpu.memory_space<vmem>>, vector<16xi32>,
      tpu.vector_store %arg11[%swap3A_722, %swap3A_723], %add3A_721 {strides = array<i32>} : memref<32x128xi32, #tpu.memory_space<vmem>>, vector<16xi32>,
      %get3A_725 = arith.index_cast %add3A_702 : i32 to index
      %get3A_726 = arith.constant 48 : index
      %get3A_727 = tpu.vector_load %arg11[%get3A_725, %get3A_726] {strides = array<i32>} : memref<32x128xi32, #tpu.memory_space<vmem>>, vector<16xi32>,
      %add3A_728 = vector.broadcast %mul3A_6 : i32 to vector<16xi32>
      %add3A_729 = arith.addi %get3A_727, %add3A_728 : vector<16xi32>
      %swap3A_730 = arith.index_cast %add3A_702 : i32 to index
      %swap3A_731 = arith.constant 48 : index
      %swap3A_732 = tpu.vector_load %arg11[%swap3A_730, %swap3A_731] {strides = array<i32>} : memref<32x128xi32, #tpu.memory_space<vmem>>, vector<16xi32>,
      tpu.vector_store %arg11[%swap3A_730, %swap3A_731], %add3A_729 {strides = array<i32>} : memref<32x128xi32, #tpu.memory_space<vmem>>, vector<16xi32>,
      %get3A_733 = arith.index_cast %add3A_702 : i32 to index
      %get3A_734 = arith.constant 64 : index
      %get3A_735 = tpu.vector_load %arg11[%get3A_733, %get3A_734] {strides = array<i32>} : memref<32x128xi32, #tpu.memory_space<vmem>>, vector<16xi32>,
      %add3A_736 = vector.broadcast %mul3A_6 : i32 to vector<16xi32>
      %add3A_737 = arith.addi %get3A_735, %add3A_736 : vector<16xi32>
      %swap3A_738 = arith.index_cast %add3A_702 : i32 to index
      %swap3A_739 = arith.constant 64 : index
      %swap3A_740 = tpu.vector_load %arg11[%swap3A_738, %swap3A_739] {strides = array<i32>} : memref<32x128xi32, #tpu.memory_space<vmem>>, vector<16xi32>,
      tpu.vector_store %arg11[%swap3A_738, %swap3A_739], %add3A_737 {strides = array<i32>} : memref<32x128xi32, #tpu.memory_space<vmem>>, vector<16xi32>,
      %get3A_741 = arith.index_cast %add3A_702 : i32 to index
      %get3A_742 = arith.constant 80 : index
      %get3A_743 = tpu.vector_load %arg11[%get3A_741, %get3A_742] {strides = array<i32>} : memref<32x128xi32, #tpu.memory_space<vmem>>, vector<16xi32>,
      %add3A_744 = vector.broadcast %mul3A_6 : i32 to vector<16xi32>
      %add3A_745 = arith.addi %get3A_743, %add3A_744 : vector<16xi32>
      %swap3A_746 = arith.index_cast %add3A_702 : i32 to index
      %swap3A_747 = arith.constant 80 : index
      %swap3A_748 = tpu.vector_load %arg11[%swap3A_746, %swap3A_747] {strides = array<i32>} : memref<32x128xi32, #tpu.memory_space<vmem>>, vector<16xi32>,
      tpu.vector_store %arg11[%swap3A_746, %swap3A_747], %add3A_745 {strides = array<i32>} : memref<32x128xi32, #tpu.memory_space<vmem>>, vector<16xi32>,
      %get3A_749 = arith.index_cast %add3A_702 : i32 to index
      %get3A_750 = arith.constant 96 : index
      %get3A_751 = tpu.vector_load %arg11[%get3A_749, %get3A_750] {strides = array<i32>} : memref<32x128xi32, #tpu.memory_space<vmem>>, vector<16xi32>,
      %add3A_752 = vector.broadcast %mul3A_6 : i32 to vector<16xi32>
      %add3A_753 = arith.addi %get3A_751, %add3A_752 : vector<16xi32>
      %swap3A_754 = arith.index_cast %add3A_702 : i32 to index
      %swap3A_755 = arith.constant 96 : index
      %swap3A_756 = tpu.vector_load %arg11[%swap3A_754, %swap3A_755] {strides = array<i32>} : memref<32x128xi32, #tpu.memory_space<vmem>>, vector<16xi32>,
      tpu.vector_store %arg11[%swap3A_754, %swap3A_755], %add3A_753 {strides = array<i32>} : memref<32x128xi32, #tpu.memory_space<vmem>>, vector<16xi32>,
      %get3A_757 = arith.index_cast %add3A_702 : i32 to index
      %get3A_758 = arith.constant 112 : index
      %get3A_759 = tpu.vector_load %arg11[%get3A_757, %get3A_758] {strides = array<i32>} : memref<32x128xi32, #tpu.memory_space<vmem>>, vector<16xi32>,
      %add3A_760 = vector.broadcast %mul3A_6 : i32 to vector<16xi32>
      %add3A_761 = arith.addi %get3A_759, %add3A_760 : vector<16xi32>
      %swap3A_762 = arith.index_cast %add3A_702 : i32 to index
      %swap3A_763 = arith.constant 112 : index
      %swap3A_764 = tpu.vector_load %arg11[%swap3A_762, %swap3A_763] {strides = array<i32>} : memref<32x128xi32, #tpu.memory_space<vmem>>, vector<16xi32>,
      tpu.vector_store %arg11[%swap3A_762, %swap3A_763], %add3A_761 {strides = array<i32>} : memref<32x128xi32, #tpu.memory_space<vmem>>, vector<16xi32>,
    }
    %scan3A_20 = arith.constant 32 : i32
    %dma_start3A = arith.constant 0 : i32
    %dma_start3A_21 = arith.constant 0 : i32
    %dma_start3A_22 = tpu.memref_slice %arg2[%dma_start3A, %dma_start3A_21] : memref<1024x128xi32, #tpu.memory_space<hbm>> -> memref<16x128xi32, #tpu.memory_space<hbm>>
    %dma_start3A_23 = arith.constant 0 : i32
    %dma_start3A_24 = arith.constant 0 : i32
    %dma_start3A_25 = tpu.memref_slice %arg2[%dma_start3A_23, %dma_start3A_24] : memref<1024x128xi32, #tpu.memory_space<hbm>> -> memref<16x128xi32, #tpu.memory_space<hbm>>
    tpu.enqueue_dma source(%dma_start3A_25 : memref<16x128xi32, #tpu.memory_space<hbm>>) target(%arg8 : memref<16x128xi32, #tpu.memory_space<vmem>>) target_semaphore(%arg20 : memref<!tpu.dma_semaphore, #tpu.memory_space<semaphore_mem>>)
    %dma_start3A_26 = arith.constant 16 : i32
    %dma_start3A_27 = arith.constant 0 : i32
    %dma_start3A_28 = tpu.memref_slice %arg2[%dma_start3A_26, %dma_start3A_27] : memref<1024x128xi32, #tpu.memory_space<hbm>> -> memref<16x128xi32, #tpu.memory_space<hbm>>
    %dma_start3A_29 = arith.constant 16 : i32
    %dma_start3A_30 = arith.constant 0 : i32
    %dma_start3A_31 = tpu.memref_slice %arg2[%dma_start3A_29, %dma_start3A_30] : memref<1024x128xi32, #tpu.memory_space<hbm>> -> memref<16x128xi32, #tpu.memory_space<hbm>>
    tpu.enqueue_dma source(%dma_start3A_31 : memref<16x128xi32, #tpu.memory_space<hbm>>) target(%arg9 : memref<16x128xi32, #tpu.memory_space<vmem>>) target_semaphore(%arg21 : memref<!tpu.dma_semaphore, #tpu.memory_space<semaphore_mem>>)
    %scan3A_32 = arith.constant 0 : i32
    %scan3A_33 = arith.constant 32 : i32
    %scan3A_34 = arith.addi %scan3A_32, %scan3A_33 : i32
    %scan3A_35 = arith.constant 1 : i32
    scf.for %scan3A_698 = %scan3A_32 to %scan3A_34 step %scan3A_35  : i32 {
      %mul3A_699 = arith.constant 2 : i32
      %mul3A_700 = arith.muli %scan3A_698, %mul3A_699 : i32
      %add3A_701 = arith.constant 0 : i32
      %add3A_702 = arith.addi %add3A_701, %mul3A_700 : i32
      %add3A_703 = arith.constant 0 : i32
      %add3A_704 = arith.addi %add3A_702, %add3A_703 : i32
      %mul3A_705 = arith.constant 16 : i32
      %mul3A_706 = arith.muli %add3A_704, %mul3A_705 : i32
      %dma_wait3A_707 = arith.constant 0 : i32
      %dma_wait3A_708 = tpu.memref_slice %arg2[%mul3A_706, %dma_wait3A_707] : memref<1024x128xi32, #tpu.memory_space<hbm>> -> memref<16x128xi32, #tpu.memory_space<hbm>>
      %dma_wait3A_709 = arith.constant 0 : i32
      %dma_wait3A_710 = tpu.memref_slice %arg2[%mul3A_706, %dma_wait3A_709] : memref<1024x128xi32, #tpu.memory_space<hbm>> -> memref<16x128xi32, #tpu.memory_space<hbm>>
      tpu.wait_dma2 semaphore(%arg20 : memref<!tpu.dma_semaphore, #tpu.memory_space<semaphore_mem>>) src(%dma_wait3A_710 : memref<16x128xi32, #tpu.memory_space<hbm>>) dst(%arg8 : memref<16x128xi32, #tpu.memory_space<vmem>>)
      %scan3A_711 = arith.constant 0 : i32
      %scan3A_712 = arith.constant 16 : i32
      %scan3A_713 = arith.addi %scan3A_711, %scan3A_712 : i32
      %scan3A_714 = arith.constant 1 : i32
      scf.for %scan3A_740 = %scan3A_711 to %scan3A_713 step %scan3A_714  : i32 {
        %mul3A_741 = arith.constant 1 : i32
        %mul3A_742 = arith.muli %scan3A_740, %mul3A_741 : i32
        %add3A_743 = arith.constant 0 : i32
        %add3A_744 = arith.addi %add3A_743, %mul3A_742 : i32
        %mul3A_745 = arith.constant 16 : i32
        %mul3A_746 = arith.muli %add3A_704, %mul3A_745 : i32
        %add3A_747 = arith.addi %mul3A_746, %add3A_744 : i32
        %mul3A_748 = arith.constant 128 : i32
        %mul3A_749 = arith.muli %add3A_747, %mul3A_748 : i32
        %get3A = arith.index_cast %add3A_744 : i32 to index
        %get3A_750 = arith.constant 0 : index
        %get3A_751 = tpu.vector_load %arg8[%get3A, %get3A_750] {strides = array<i32>} : memref<16x128xi32, #tpu.memory_space<vmem>>, vector<16xi32>,
        %ge3A = vector.broadcast %mul3A_2 : i32 to vector<16xi32>
        %ge3A_752 = arith.cmpi sge, %get3A_751, %ge3A : vector<16xi32>
        %lt3A_753 = vector.broadcast %add3A_4 : i32 to vector<16xi32>
        %lt3A_754 = arith.cmpi slt, %get3A_751, %lt3A_753 : vector<16xi32>
        %and3A = arith.andi %ge3A_752, %lt3A_754 : vector<16xi1>
        %sub3A = vector.broadcast %mul3A_2 : i32 to vector<16xi32>
        %sub3A_755 = arith.subi %get3A_751, %sub3A : vector<16xi32>
        %jit3A = arith.constant 0 : i32
        %broadcast_in_dim3A_756 = vector.broadcast %jit3A : i32 to vector<16xi32>
        %select_n3A = arith.select %and3A, %sub3A_755, %broadcast_in_dim3A_756 : vector<16xi1>, vector<16xi32>
        %add3A_757 = arith.constant 0 : i32
        %add3A_758 = arith.addi %mul3A_749, %add3A_757 : i32
        %add3A_759 = vector.broadcast %add3A_758 : i32 to vector<16xi32>
        %add3A_760 = arith.addi %add3A_759, %iota3A : vector<16xi32>
        tpu.vector_store_idx %arg10[%select_n3A], %add3A_760 masked %and3A : memref<65536xi32, #tpu.memory_space<vmem>>[vector<16xi32>], vector<16xi32>, vector<16xi1>
        %gather3A = tpu.vector_load_idx %arg10[%select_n3A] masked %and3A : memref<65536xi32, #tpu.memory_space<vmem>>[vector<16xi32>], vector<16xi32>, vector<16xi1>
        %lt3A_761 = arith.cmpi slt, %gather3A, %add3A_760 : vector<16xi32>
        %and3A_762 = arith.andi %and3A, %lt3A_761 : vector<16xi1>
        tpu.vector_store_idx %arg10[%select_n3A], %add3A_760 masked %and3A_762 : memref<65536xi32, #tpu.memory_space<vmem>>[vector<16xi32>], vector<16xi32>, vector<16xi1>
        %get3A_763 = arith.index_cast %add3A_744 : i32 to index
        %get3A_764 = arith.constant 16 : index
        %get3A_765 = tpu.vector_load %arg8[%get3A_763, %get3A_764] {strides = array<i32>} : memref<16x128xi32, #tpu.memory_space<vmem>>, vector<16xi32>,
        %ge3A_766 = vector.broadcast %mul3A_2 : i32 to vector<16xi32>
        %ge3A_767 = arith.cmpi sge, %get3A_765, %ge3A_766 : vector<16xi32>
        %lt3A_768 = vector.broadcast %add3A_4 : i32 to vector<16xi32>
        %lt3A_769 = arith.cmpi slt, %get3A_765, %lt3A_768 : vector<16xi32>
        %and3A_770 = arith.andi %ge3A_767, %lt3A_769 : vector<16xi1>
        %sub3A_771 = vector.broadcast %mul3A_2 : i32 to vector<16xi32>
        %sub3A_772 = arith.subi %get3A_765, %sub3A_771 : vector<16xi32>
        %jit3A_773 = arith.constant 0 : i32
        %broadcast_in_dim3A_774 = vector.broadcast %jit3A_773 : i32 to vector<16xi32>
        %select_n3A_775 = arith.select %and3A_770, %sub3A_772, %broadcast_in_dim3A_774 : vector<16xi1>, vector<16xi32>
        %add3A_776 = arith.constant 16 : i32
        %add3A_777 = arith.addi %mul3A_749, %add3A_776 : i32
        %add3A_778 = vector.broadcast %add3A_777 : i32 to vector<16xi32>
        %add3A_779 = arith.addi %add3A_778, %iota3A : vector<16xi32>
        tpu.vector_store_idx %arg10[%select_n3A_775], %add3A_779 masked %and3A_770 : memref<65536xi32, #tpu.memory_space<vmem>>[vector<16xi32>], vector<16xi32>, vector<16xi1>
        %gather3A_780 = tpu.vector_load_idx %arg10[%select_n3A_775] masked %and3A_770 : memref<65536xi32, #tpu.memory_space<vmem>>[vector<16xi32>], vector<16xi32>, vector<16xi1>
        %lt3A_781 = arith.cmpi slt, %gather3A_780, %add3A_779 : vector<16xi32>
        %and3A_782 = arith.andi %and3A_770, %lt3A_781 : vector<16xi1>
        tpu.vector_store_idx %arg10[%select_n3A_775], %add3A_779 masked %and3A_782 : memref<65536xi32, #tpu.memory_space<vmem>>[vector<16xi32>], vector<16xi32>, vector<16xi1>
        %get3A_783 = arith.index_cast %add3A_744 : i32 to index
        %get3A_784 = arith.constant 32 : index
        %get3A_785 = tpu.vector_load %arg8[%get3A_783, %get3A_784] {strides = array<i32>} : memref<16x128xi32, #tpu.memory_space<vmem>>, vector<16xi32>,
        %ge3A_786 = vector.broadcast %mul3A_2 : i32 to vector<16xi32>
        %ge3A_787 = arith.cmpi sge, %get3A_785, %ge3A_786 : vector<16xi32>
        %lt3A_788 = vector.broadcast %add3A_4 : i32 to vector<16xi32>
        %lt3A_789 = arith.cmpi slt, %get3A_785, %lt3A_788 : vector<16xi32>
        %and3A_790 = arith.andi %ge3A_787, %lt3A_789 : vector<16xi1>
        %sub3A_791 = vector.broadcast %mul3A_2 : i32 to vector<16xi32>
        %sub3A_792 = arith.subi %get3A_785, %sub3A_791 : vector<16xi32>
        %jit3A_793 = arith.constant 0 : i32
        %broadcast_in_dim3A_794 = vector.broadcast %jit3A_793 : i32 to vector<16xi32>
        %select_n3A_795 = arith.select %and3A_790, %sub3A_792, %broadcast_in_dim3A_794 : vector<16xi1>, vector<16xi32>
        %add3A_796 = arith.constant 32 : i32
        %add3A_797 = arith.addi %mul3A_749, %add3A_796 : i32
        %add3A_798 = vector.broadcast %add3A_797 : i32 to vector<16xi32>
        %add3A_799 = arith.addi %add3A_798, %iota3A : vector<16xi32>
        tpu.vector_store_idx %arg10[%select_n3A_795], %add3A_799 masked %and3A_790 : memref<65536xi32, #tpu.memory_space<vmem>>[vector<16xi32>], vector<16xi32>, vector<16xi1>
        %gather3A_800 = tpu.vector_load_idx %arg10[%select_n3A_795] masked %and3A_790 : memref<65536xi32, #tpu.memory_space<vmem>>[vector<16xi32>], vector<16xi32>, vector<16xi1>
        %lt3A_801 = arith.cmpi slt, %gather3A_800, %add3A_799 : vector<16xi32>
        %and3A_802 = arith.andi %and3A_790, %lt3A_801 : vector<16xi1>
        tpu.vector_store_idx %arg10[%select_n3A_795], %add3A_799 masked %and3A_802 : memref<65536xi32, #tpu.memory_space<vmem>>[vector<16xi32>], vector<16xi32>, vector<16xi1>
        %get3A_803 = arith.index_cast %add3A_744 : i32 to index
        %get3A_804 = arith.constant 48 : index
        %get3A_805 = tpu.vector_load %arg8[%get3A_803, %get3A_804] {strides = array<i32>} : memref<16x128xi32, #tpu.memory_space<vmem>>, vector<16xi32>,
        %ge3A_806 = vector.broadcast %mul3A_2 : i32 to vector<16xi32>
        %ge3A_807 = arith.cmpi sge, %get3A_805, %ge3A_806 : vector<16xi32>
        %lt3A_808 = vector.broadcast %add3A_4 : i32 to vector<16xi32>
        %lt3A_809 = arith.cmpi slt, %get3A_805, %lt3A_808 : vector<16xi32>
        %and3A_810 = arith.andi %ge3A_807, %lt3A_809 : vector<16xi1>
        %sub3A_811 = vector.broadcast %mul3A_2 : i32 to vector<16xi32>
        %sub3A_812 = arith.subi %get3A_805, %sub3A_811 : vector<16xi32>
        %jit3A_813 = arith.constant 0 : i32
        %broadcast_in_dim3A_814 = vector.broadcast %jit3A_813 : i32 to vector<16xi32>
        %select_n3A_815 = arith.select %and3A_810, %sub3A_812, %broadcast_in_dim3A_814 : vector<16xi1>, vector<16xi32>
        %add3A_816 = arith.constant 48 : i32
        %add3A_817 = arith.addi %mul3A_749, %add3A_816 : i32
        %add3A_818 = vector.broadcast %add3A_817 : i32 to vector<16xi32>
        %add3A_819 = arith.addi %add3A_818, %iota3A : vector<16xi32>
        tpu.vector_store_idx %arg10[%select_n3A_815], %add3A_819 masked %and3A_810 : memref<65536xi32, #tpu.memory_space<vmem>>[vector<16xi32>], vector<16xi32>, vector<16xi1>
        %gather3A_820 = tpu.vector_load_idx %arg10[%select_n3A_815] masked %and3A_810 : memref<65536xi32, #tpu.memory_space<vmem>>[vector<16xi32>], vector<16xi32>, vector<16xi1>
        %lt3A_821 = arith.cmpi slt, %gather3A_820, %add3A_819 : vector<16xi32>
        %and3A_822 = arith.andi %and3A_810, %lt3A_821 : vector<16xi1>
        tpu.vector_store_idx %arg10[%select_n3A_815], %add3A_819 masked %and3A_822 : memref<65536xi32, #tpu.memory_space<vmem>>[vector<16xi32>], vector<16xi32>, vector<16xi1>
        %get3A_823 = arith.index_cast %add3A_744 : i32 to index
        %get3A_824 = arith.constant 64 : index
        %get3A_825 = tpu.vector_load %arg8[%get3A_823, %get3A_824] {strides = array<i32>} : memref<16x128xi32, #tpu.memory_space<vmem>>, vector<16xi32>,
        %ge3A_826 = vector.broadcast %mul3A_2 : i32 to vector<16xi32>
        %ge3A_827 = arith.cmpi sge, %get3A_825, %ge3A_826 : vector<16xi32>
        %lt3A_828 = vector.broadcast %add3A_4 : i32 to vector<16xi32>
        %lt3A_829 = arith.cmpi slt, %get3A_825, %lt3A_828 : vector<16xi32>
        %and3A_830 = arith.andi %ge3A_827, %lt3A_829 : vector<16xi1>
        %sub3A_831 = vector.broadcast %mul3A_2 : i32 to vector<16xi32>
        %sub3A_832 = arith.subi %get3A_825, %sub3A_831 : vector<16xi32>
        %jit3A_833 = arith.constant 0 : i32
        %broadcast_in_dim3A_834 = vector.broadcast %jit3A_833 : i32 to vector<16xi32>
        %select_n3A_835 = arith.select %and3A_830, %sub3A_832, %broadcast_in_dim3A_834 : vector<16xi1>, vector<16xi32>
        %add3A_836 = arith.constant 64 : i32
        %add3A_837 = arith.addi %mul3A_749, %add3A_836 : i32
        %add3A_838 = vector.broadcast %add3A_837 : i32 to vector<16xi32>
        %add3A_839 = arith.addi %add3A_838, %iota3A : vector<16xi32>
        tpu.vector_store_idx %arg10[%select_n3A_835], %add3A_839 masked %and3A_830 : memref<65536xi32, #tpu.memory_space<vmem>>[vector<16xi32>], vector<16xi32>, vector<16xi1>
        %gather3A_840 = tpu.vector_load_idx %arg10[%select_n3A_835] masked %and3A_830 : memref<65536xi32, #tpu.memory_space<vmem>>[vector<16xi32>], vector<16xi32>, vector<16xi1>
        %lt3A_841 = arith.cmpi slt, %gather3A_840, %add3A_839 : vector<16xi32>
        %and3A_842 = arith.andi %and3A_830, %lt3A_841 : vector<16xi1>
        tpu.vector_store_idx %arg10[%select_n3A_835], %add3A_839 masked %and3A_842 : memref<65536xi32, #tpu.memory_space<vmem>>[vector<16xi32>], vector<16xi32>, vector<16xi1>
        %get3A_843 = arith.index_cast %add3A_744 : i32 to index
        %get3A_844 = arith.constant 80 : index
        %get3A_845 = tpu.vector_load %arg8[%get3A_843, %get3A_844] {strides = array<i32>} : memref<16x128xi32, #tpu.memory_space<vmem>>, vector<16xi32>,
        %ge3A_846 = vector.broadcast %mul3A_2 : i32 to vector<16xi32>
        %ge3A_847 = arith.cmpi sge, %get3A_845, %ge3A_846 : vector<16xi32>
        %lt3A_848 = vector.broadcast %add3A_4 : i32 to vector<16xi32>
        %lt3A_849 = arith.cmpi slt, %get3A_845, %lt3A_848 : vector<16xi32>
        %and3A_850 = arith.andi %ge3A_847, %lt3A_849 : vector<16xi1>
        %sub3A_851 = vector.broadcast %mul3A_2 : i32 to vector<16xi32>
        %sub3A_852 = arith.subi %get3A_845, %sub3A_851 : vector<16xi32>
        %jit3A_853 = arith.constant 0 : i32
        %broadcast_in_dim3A_854 = vector.broadcast %jit3A_853 : i32 to vector<16xi32>
        %select_n3A_855 = arith.select %and3A_850, %sub3A_852, %broadcast_in_dim3A_854 : vector<16xi1>, vector<16xi32>
        %add3A_856 = arith.constant 80 : i32
        %add3A_857 = arith.addi %mul3A_749, %add3A_856 : i32
        %add3A_858 = vector.broadcast %add3A_857 : i32 to vector<16xi32>
        %add3A_859 = arith.addi %add3A_858, %iota3A : vector<16xi32>
        tpu.vector_store_idx %arg10[%select_n3A_855], %add3A_859 masked %and3A_850 : memref<65536xi32, #tpu.memory_space<vmem>>[vector<16xi32>], vector<16xi32>, vector<16xi1>
        %gather3A_860 = tpu.vector_load_idx %arg10[%select_n3A_855] masked %and3A_850 : memref<65536xi32, #tpu.memory_space<vmem>>[vector<16xi32>], vector<16xi32>, vector<16xi1>
        %lt3A_861 = arith.cmpi slt, %gather3A_860, %add3A_859 : vector<16xi32>
        %and3A_862 = arith.andi %and3A_850, %lt3A_861 : vector<16xi1>
        tpu.vector_store_idx %arg10[%select_n3A_855], %add3A_859 masked %and3A_862 : memref<65536xi32, #tpu.memory_space<vmem>>[vector<16xi32>], vector<16xi32>, vector<16xi1>
        %get3A_863 = arith.index_cast %add3A_744 : i32 to index
        %get3A_864 = arith.constant 96 : index
        %get3A_865 = tpu.vector_load %arg8[%get3A_863, %get3A_864] {strides = array<i32>} : memref<16x128xi32, #tpu.memory_space<vmem>>, vector<16xi32>,
        %ge3A_866 = vector.broadcast %mul3A_2 : i32 to vector<16xi32>
        %ge3A_867 = arith.cmpi sge, %get3A_865, %ge3A_866 : vector<16xi32>
        %lt3A_868 = vector.broadcast %add3A_4 : i32 to vector<16xi32>
        %lt3A_869 = arith.cmpi slt, %get3A_865, %lt3A_868 : vector<16xi32>
        %and3A_870 = arith.andi %ge3A_867, %lt3A_869 : vector<16xi1>
        %sub3A_871 = vector.broadcast %mul3A_2 : i32 to vector<16xi32>
        %sub3A_872 = arith.subi %get3A_865, %sub3A_871 : vector<16xi32>
        %jit3A_873 = arith.constant 0 : i32
        %broadcast_in_dim3A_874 = vector.broadcast %jit3A_873 : i32 to vector<16xi32>
        %select_n3A_875 = arith.select %and3A_870, %sub3A_872, %broadcast_in_dim3A_874 : vector<16xi1>, vector<16xi32>
        %add3A_876 = arith.constant 96 : i32
        %add3A_877 = arith.addi %mul3A_749, %add3A_876 : i32
        %add3A_878 = vector.broadcast %add3A_877 : i32 to vector<16xi32>
        %add3A_879 = arith.addi %add3A_878, %iota3A : vector<16xi32>
        tpu.vector_store_idx %arg10[%select_n3A_875], %add3A_879 masked %and3A_870 : memref<65536xi32, #tpu.memory_space<vmem>>[vector<16xi32>], vector<16xi32>, vector<16xi1>
        %gather3A_880 = tpu.vector_load_idx %arg10[%select_n3A_875] masked %and3A_870 : memref<65536xi32, #tpu.memory_space<vmem>>[vector<16xi32>], vector<16xi32>, vector<16xi1>
        %lt3A_881 = arith.cmpi slt, %gather3A_880, %add3A_879 : vector<16xi32>
        %and3A_882 = arith.andi %and3A_870, %lt3A_881 : vector<16xi1>
        tpu.vector_store_idx %arg10[%select_n3A_875], %add3A_879 masked %and3A_882 : memref<65536xi32, #tpu.memory_space<vmem>>[vector<16xi32>], vector<16xi32>, vector<16xi1>
        %get3A_883 = arith.index_cast %add3A_744 : i32 to index
        %get3A_884 = arith.constant 112 : index
        %get3A_885 = tpu.vector_load %arg8[%get3A_883, %get3A_884] {strides = array<i32>} : memref<16x128xi32, #tpu.memory_space<vmem>>, vector<16xi32>,
        %ge3A_886 = vector.broadcast %mul3A_2 : i32 to vector<16xi32>
        %ge3A_887 = arith.cmpi sge, %get3A_885, %ge3A_886 : vector<16xi32>
        %lt3A_888 = vector.broadcast %add3A_4 : i32 to vector<16xi32>
        %lt3A_889 = arith.cmpi slt, %get3A_885, %lt3A_888 : vector<16xi32>
        %and3A_890 = arith.andi %ge3A_887, %lt3A_889 : vector<16xi1>
        %sub3A_891 = vector.broadcast %mul3A_2 : i32 to vector<16xi32>
        %sub3A_892 = arith.subi %get3A_885, %sub3A_891 : vector<16xi32>
        %jit3A_893 = arith.constant 0 : i32
        %broadcast_in_dim3A_894 = vector.broadcast %jit3A_893 : i32 to vector<16xi32>
        %select_n3A_895 = arith.select %and3A_890, %sub3A_892, %broadcast_in_dim3A_894 : vector<16xi1>, vector<16xi32>
        %add3A_896 = arith.constant 112 : i32
        %add3A_897 = arith.addi %mul3A_749, %add3A_896 : i32
        %add3A_898 = vector.broadcast %add3A_897 : i32 to vector<16xi32>
        %add3A_899 = arith.addi %add3A_898, %iota3A : vector<16xi32>
        tpu.vector_store_idx %arg10[%select_n3A_895], %add3A_899 masked %and3A_890 : memref<65536xi32, #tpu.memory_space<vmem>>[vector<16xi32>], vector<16xi32>, vector<16xi1>
        %gather3A_900 = tpu.vector_load_idx %arg10[%select_n3A_895] masked %and3A_890 : memref<65536xi32, #tpu.memory_space<vmem>>[vector<16xi32>], vector<16xi32>, vector<16xi1>
        %lt3A_901 = arith.cmpi slt, %gather3A_900, %add3A_899 : vector<16xi32>
        %and3A_902 = arith.andi %and3A_890, %lt3A_901 : vector<16xi1>
        tpu.vector_store_idx %arg10[%select_n3A_895], %add3A_899 masked %and3A_902 : memref<65536xi32, #tpu.memory_space<vmem>>[vector<16xi32>], vector<16xi32>, vector<16xi1>
      }
      %scan3A_715 = arith.constant 16 : i32
      %add3A_716 = arith.constant 2 : i32
      %add3A_717 = arith.addi %add3A_704, %add3A_716 : i32
      %lt3A = arith.constant 64 : i32
      %lt3A_718 = arith.cmpi slt, %add3A_717, %lt3A : i32
      %convert_element_type3A = arith.extui %lt3A_718 : i1 to i32
      %cond3A = arith.constant 0 : i32
      %cond3A_719 = arith.cmpi ne, %convert_element_type3A, %cond3A : i32
      scf.if %cond3A_719 {
        %add3A_740 = arith.constant 2 : i32
        %add3A_741 = arith.addi %add3A_704, %add3A_740 : i32
        %mul3A_742 = arith.constant 16 : i32
        %mul3A_743 = arith.muli %add3A_741, %mul3A_742 : i32
        %dma_start3A_744 = arith.constant 0 : i32
        %dma_start3A_745 = tpu.memref_slice %arg2[%mul3A_743, %dma_start3A_744] : memref<1024x128xi32, #tpu.memory_space<hbm>> -> memref<16x128xi32, #tpu.memory_space<hbm>>
        %dma_start3A_746 = arith.constant 0 : i32
        %dma_start3A_747 = tpu.memref_slice %arg2[%mul3A_743, %dma_start3A_746] : memref<1024x128xi32, #tpu.memory_space<hbm>> -> memref<16x128xi32, #tpu.memory_space<hbm>>
        tpu.enqueue_dma source(%dma_start3A_747 : memref<16x128xi32, #tpu.memory_space<hbm>>) target(%arg8 : memref<16x128xi32, #tpu.memory_space<vmem>>) target_semaphore(%arg20 : memref<!tpu.dma_semaphore, #tpu.memory_space<semaphore_mem>>)
      } else {
      }
      %add3A_720 = arith.constant 1 : i32
      %add3A_721 = arith.addi %add3A_702, %add3A_720 : i32
      %mul3A_722 = arith.constant 16 : i32
      %mul3A_723 = arith.muli %add3A_721, %mul3A_722 : i32
      %dma_wait3A_724 = arith.constant 0 : i32
      %dma_wait3A_725 = tpu.memref_slice %arg2[%mul3A_723, %dma_wait3A_724] : memref<1024x128xi32, #tpu.memory_space<hbm>> -> memref<16x128xi32, #tpu.memory_space<hbm>>
      %dma_wait3A_726 = arith.constant 0 : i32
      %dma_wait3A_727 = tpu.memref_slice %arg2[%mul3A_723, %dma_wait3A_726] : memref<1024x128xi32, #tpu.memory_space<hbm>> -> memref<16x128xi32, #tpu.memory_space<hbm>>
      tpu.wait_dma2 semaphore(%arg21 : memref<!tpu.dma_semaphore, #tpu.memory_space<semaphore_mem>>) src(%dma_wait3A_727 : memref<16x128xi32, #tpu.memory_space<hbm>>) dst(%arg9 : memref<16x128xi32, #tpu.memory_space<vmem>>)
      %scan3A_728 = arith.constant 0 : i32
      %scan3A_729 = arith.constant 16 : i32
      %scan3A_730 = arith.addi %scan3A_728, %scan3A_729 : i32
      %scan3A_731 = arith.constant 1 : i32
      scf.for %scan3A_740 = %scan3A_728 to %scan3A_730 step %scan3A_731  : i32 {
        %mul3A_741 = arith.constant 1 : i32
        %mul3A_742 = arith.muli %scan3A_740, %mul3A_741 : i32
        %add3A_743 = arith.constant 0 : i32
        %add3A_744 = arith.addi %add3A_743, %mul3A_742 : i32
        %mul3A_745 = arith.constant 16 : i32
        %mul3A_746 = arith.muli %add3A_721, %mul3A_745 : i32
        %add3A_747 = arith.addi %mul3A_746, %add3A_744 : i32
        %mul3A_748 = arith.constant 128 : i32
        %mul3A_749 = arith.muli %add3A_747, %mul3A_748 : i32
        %get3A = arith.index_cast %add3A_744 : i32 to index
        %get3A_750 = arith.constant 0 : index
        %get3A_751 = tpu.vector_load %arg9[%get3A, %get3A_750] {strides = array<i32>} : memref<16x128xi32, #tpu.memory_space<vmem>>, vector<16xi32>,
        %ge3A = vector.broadcast %mul3A_2 : i32 to vector<16xi32>
        %ge3A_752 = arith.cmpi sge, %get3A_751, %ge3A : vector<16xi32>
        %lt3A_753 = vector.broadcast %add3A_4 : i32 to vector<16xi32>
        %lt3A_754 = arith.cmpi slt, %get3A_751, %lt3A_753 : vector<16xi32>
        %and3A = arith.andi %ge3A_752, %lt3A_754 : vector<16xi1>
        %sub3A = vector.broadcast %mul3A_2 : i32 to vector<16xi32>
        %sub3A_755 = arith.subi %get3A_751, %sub3A : vector<16xi32>
        %jit3A = arith.constant 0 : i32
        %broadcast_in_dim3A_756 = vector.broadcast %jit3A : i32 to vector<16xi32>
        %select_n3A = arith.select %and3A, %sub3A_755, %broadcast_in_dim3A_756 : vector<16xi1>, vector<16xi32>
        %add3A_757 = arith.constant 0 : i32
        %add3A_758 = arith.addi %mul3A_749, %add3A_757 : i32
        %add3A_759 = vector.broadcast %add3A_758 : i32 to vector<16xi32>
        %add3A_760 = arith.addi %add3A_759, %iota3A : vector<16xi32>
        tpu.vector_store_idx %arg10[%select_n3A], %add3A_760 masked %and3A : memref<65536xi32, #tpu.memory_space<vmem>>[vector<16xi32>], vector<16xi32>, vector<16xi1>
        %gather3A = tpu.vector_load_idx %arg10[%select_n3A] masked %and3A : memref<65536xi32, #tpu.memory_space<vmem>>[vector<16xi32>], vector<16xi32>, vector<16xi1>
        %lt3A_761 = arith.cmpi slt, %gather3A, %add3A_760 : vector<16xi32>
        %and3A_762 = arith.andi %and3A, %lt3A_761 : vector<16xi1>
        tpu.vector_store_idx %arg10[%select_n3A], %add3A_760 masked %and3A_762 : memref<65536xi32, #tpu.memory_space<vmem>>[vector<16xi32>], vector<16xi32>, vector<16xi1>
        %get3A_763 = arith.index_cast %add3A_744 : i32 to index
        %get3A_764 = arith.constant 16 : index
        %get3A_765 = tpu.vector_load %arg9[%get3A_763, %get3A_764] {strides = array<i32>} : memref<16x128xi32, #tpu.memory_space<vmem>>, vector<16xi32>,
        %ge3A_766 = vector.broadcast %mul3A_2 : i32 to vector<16xi32>
        %ge3A_767 = arith.cmpi sge, %get3A_765, %ge3A_766 : vector<16xi32>
        %lt3A_768 = vector.broadcast %add3A_4 : i32 to vector<16xi32>
        %lt3A_769 = arith.cmpi slt, %get3A_765, %lt3A_768 : vector<16xi32>
        %and3A_770 = arith.andi %ge3A_767, %lt3A_769 : vector<16xi1>
        %sub3A_771 = vector.broadcast %mul3A_2 : i32 to vector<16xi32>
        %sub3A_772 = arith.subi %get3A_765, %sub3A_771 : vector<16xi32>
        %jit3A_773 = arith.constant 0 : i32
        %broadcast_in_dim3A_774 = vector.broadcast %jit3A_773 : i32 to vector<16xi32>
        %select_n3A_775 = arith.select %and3A_770, %sub3A_772, %broadcast_in_dim3A_774 : vector<16xi1>, vector<16xi32>
        %add3A_776 = arith.constant 16 : i32
        %add3A_777 = arith.addi %mul3A_749, %add3A_776 : i32
        %add3A_778 = vector.broadcast %add3A_777 : i32 to vector<16xi32>
        %add3A_779 = arith.addi %add3A_778, %iota3A : vector<16xi32>
        tpu.vector_store_idx %arg10[%select_n3A_775], %add3A_779 masked %and3A_770 : memref<65536xi32, #tpu.memory_space<vmem>>[vector<16xi32>], vector<16xi32>, vector<16xi1>
        %gather3A_780 = tpu.vector_load_idx %arg10[%select_n3A_775] masked %and3A_770 : memref<65536xi32, #tpu.memory_space<vmem>>[vector<16xi32>], vector<16xi32>, vector<16xi1>
        %lt3A_781 = arith.cmpi slt, %gather3A_780, %add3A_779 : vector<16xi32>
        %and3A_782 = arith.andi %and3A_770, %lt3A_781 : vector<16xi1>
        tpu.vector_store_idx %arg10[%select_n3A_775], %add3A_779 masked %and3A_782 : memref<65536xi32, #tpu.memory_space<vmem>>[vector<16xi32>], vector<16xi32>, vector<16xi1>
        %get3A_783 = arith.index_cast %add3A_744 : i32 to index
        %get3A_784 = arith.constant 32 : index
        %get3A_785 = tpu.vector_load %arg9[%get3A_783, %get3A_784] {strides = array<i32>} : memref<16x128xi32, #tpu.memory_space<vmem>>, vector<16xi32>,
        %ge3A_786 = vector.broadcast %mul3A_2 : i32 to vector<16xi32>
        %ge3A_787 = arith.cmpi sge, %get3A_785, %ge3A_786 : vector<16xi32>
        %lt3A_788 = vector.broadcast %add3A_4 : i32 to vector<16xi32>
        %lt3A_789 = arith.cmpi slt, %get3A_785, %lt3A_788 : vector<16xi32>
        %and3A_790 = arith.andi %ge3A_787, %lt3A_789 : vector<16xi1>
        %sub3A_791 = vector.broadcast %mul3A_2 : i32 to vector<16xi32>
        %sub3A_792 = arith.subi %get3A_785, %sub3A_791 : vector<16xi32>
        %jit3A_793 = arith.constant 0 : i32
        %broadcast_in_dim3A_794 = vector.broadcast %jit3A_793 : i32 to vector<16xi32>
        %select_n3A_795 = arith.select %and3A_790, %sub3A_792, %broadcast_in_dim3A_794 : vector<16xi1>, vector<16xi32>
        %add3A_796 = arith.constant 32 : i32
        %add3A_797 = arith.addi %mul3A_749, %add3A_796 : i32
        %add3A_798 = vector.broadcast %add3A_797 : i32 to vector<16xi32>
        %add3A_799 = arith.addi %add3A_798, %iota3A : vector<16xi32>
        tpu.vector_store_idx %arg10[%select_n3A_795], %add3A_799 masked %and3A_790 : memref<65536xi32, #tpu.memory_space<vmem>>[vector<16xi32>], vector<16xi32>, vector<16xi1>
        %gather3A_800 = tpu.vector_load_idx %arg10[%select_n3A_795] masked %and3A_790 : memref<65536xi32, #tpu.memory_space<vmem>>[vector<16xi32>], vector<16xi32>, vector<16xi1>
        %lt3A_801 = arith.cmpi slt, %gather3A_800, %add3A_799 : vector<16xi32>
        %and3A_802 = arith.andi %and3A_790, %lt3A_801 : vector<16xi1>
        tpu.vector_store_idx %arg10[%select_n3A_795], %add3A_799 masked %and3A_802 : memref<65536xi32, #tpu.memory_space<vmem>>[vector<16xi32>], vector<16xi32>, vector<16xi1>
        %get3A_803 = arith.index_cast %add3A_744 : i32 to index
        %get3A_804 = arith.constant 48 : index
        %get3A_805 = tpu.vector_load %arg9[%get3A_803, %get3A_804] {strides = array<i32>} : memref<16x128xi32, #tpu.memory_space<vmem>>, vector<16xi32>,
        %ge3A_806 = vector.broadcast %mul3A_2 : i32 to vector<16xi32>
        %ge3A_807 = arith.cmpi sge, %get3A_805, %ge3A_806 : vector<16xi32>
        %lt3A_808 = vector.broadcast %add3A_4 : i32 to vector<16xi32>
        %lt3A_809 = arith.cmpi slt, %get3A_805, %lt3A_808 : vector<16xi32>
        %and3A_810 = arith.andi %ge3A_807, %lt3A_809 : vector<16xi1>
        %sub3A_811 = vector.broadcast %mul3A_2 : i32 to vector<16xi32>
        %sub3A_812 = arith.subi %get3A_805, %sub3A_811 : vector<16xi32>
        %jit3A_813 = arith.constant 0 : i32
        %broadcast_in_dim3A_814 = vector.broadcast %jit3A_813 : i32 to vector<16xi32>
        %select_n3A_815 = arith.select %and3A_810, %sub3A_812, %broadcast_in_dim3A_814 : vector<16xi1>, vector<16xi32>
        %add3A_816 = arith.constant 48 : i32
        %add3A_817 = arith.addi %mul3A_749, %add3A_816 : i32
        %add3A_818 = vector.broadcast %add3A_817 : i32 to vector<16xi32>
        %add3A_819 = arith.addi %add3A_818, %iota3A : vector<16xi32>
        tpu.vector_store_idx %arg10[%select_n3A_815], %add3A_819 masked %and3A_810 : memref<65536xi32, #tpu.memory_space<vmem>>[vector<16xi32>], vector<16xi32>, vector<16xi1>
        %gather3A_820 = tpu.vector_load_idx %arg10[%select_n3A_815] masked %and3A_810 : memref<65536xi32, #tpu.memory_space<vmem>>[vector<16xi32>], vector<16xi32>, vector<16xi1>
        %lt3A_821 = arith.cmpi slt, %gather3A_820, %add3A_819 : vector<16xi32>
        %and3A_822 = arith.andi %and3A_810, %lt3A_821 : vector<16xi1>
        tpu.vector_store_idx %arg10[%select_n3A_815], %add3A_819 masked %and3A_822 : memref<65536xi32, #tpu.memory_space<vmem>>[vector<16xi32>], vector<16xi32>, vector<16xi1>
        %get3A_823 = arith.index_cast %add3A_744 : i32 to index
        %get3A_824 = arith.constant 64 : index
        %get3A_825 = tpu.vector_load %arg9[%get3A_823, %get3A_824] {strides = array<i32>} : memref<16x128xi32, #tpu.memory_space<vmem>>, vector<16xi32>,
        %ge3A_826 = vector.broadcast %mul3A_2 : i32 to vector<16xi32>
        %ge3A_827 = arith.cmpi sge, %get3A_825, %ge3A_826 : vector<16xi32>
        %lt3A_828 = vector.broadcast %add3A_4 : i32 to vector<16xi32>
        %lt3A_829 = arith.cmpi slt, %get3A_825, %lt3A_828 : vector<16xi32>
        %and3A_830 = arith.andi %ge3A_827, %lt3A_829 : vector<16xi1>
        %sub3A_831 = vector.broadcast %mul3A_2 : i32 to vector<16xi32>
        %sub3A_832 = arith.subi %get3A_825, %sub3A_831 : vector<16xi32>
        %jit3A_833 = arith.constant 0 : i32
        %broadcast_in_dim3A_834 = vector.broadcast %jit3A_833 : i32 to vector<16xi32>
        %select_n3A_835 = arith.select %and3A_830, %sub3A_832, %broadcast_in_dim3A_834 : vector<16xi1>, vector<16xi32>
        %add3A_836 = arith.constant 64 : i32
        %add3A_837 = arith.addi %mul3A_749, %add3A_836 : i32
        %add3A_838 = vector.broadcast %add3A_837 : i32 to vector<16xi32>
        %add3A_839 = arith.addi %add3A_838, %iota3A : vector<16xi32>
        tpu.vector_store_idx %arg10[%select_n3A_835], %add3A_839 masked %and3A_830 : memref<65536xi32, #tpu.memory_space<vmem>>[vector<16xi32>], vector<16xi32>, vector<16xi1>
        %gather3A_840 = tpu.vector_load_idx %arg10[%select_n3A_835] masked %and3A_830 : memref<65536xi32, #tpu.memory_space<vmem>>[vector<16xi32>], vector<16xi32>, vector<16xi1>
        %lt3A_841 = arith.cmpi slt, %gather3A_840, %add3A_839 : vector<16xi32>
        %and3A_842 = arith.andi %and3A_830, %lt3A_841 : vector<16xi1>
        tpu.vector_store_idx %arg10[%select_n3A_835], %add3A_839 masked %and3A_842 : memref<65536xi32, #tpu.memory_space<vmem>>[vector<16xi32>], vector<16xi32>, vector<16xi1>
        %get3A_843 = arith.index_cast %add3A_744 : i32 to index
        %get3A_844 = arith.constant 80 : index
        %get3A_845 = tpu.vector_load %arg9[%get3A_843, %get3A_844] {strides = array<i32>} : memref<16x128xi32, #tpu.memory_space<vmem>>, vector<16xi32>,
        %ge3A_846 = vector.broadcast %mul3A_2 : i32 to vector<16xi32>
        %ge3A_847 = arith.cmpi sge, %get3A_845, %ge3A_846 : vector<16xi32>
        %lt3A_848 = vector.broadcast %add3A_4 : i32 to vector<16xi32>
        %lt3A_849 = arith.cmpi slt, %get3A_845, %lt3A_848 : vector<16xi32>
        %and3A_850 = arith.andi %ge3A_847, %lt3A_849 : vector<16xi1>
        %sub3A_851 = vector.broadcast %mul3A_2 : i32 to vector<16xi32>
        %sub3A_852 = arith.subi %get3A_845, %sub3A_851 : vector<16xi32>
        %jit3A_853 = arith.constant 0 : i32
        %broadcast_in_dim3A_854 = vector.broadcast %jit3A_853 : i32 to vector<16xi32>
        %select_n3A_855 = arith.select %and3A_850, %sub3A_852, %broadcast_in_dim3A_854 : vector<16xi1>, vector<16xi32>
        %add3A_856 = arith.constant 80 : i32
        %add3A_857 = arith.addi %mul3A_749, %add3A_856 : i32
        %add3A_858 = vector.broadcast %add3A_857 : i32 to vector<16xi32>
        %add3A_859 = arith.addi %add3A_858, %iota3A : vector<16xi32>
        tpu.vector_store_idx %arg10[%select_n3A_855], %add3A_859 masked %and3A_850 : memref<65536xi32, #tpu.memory_space<vmem>>[vector<16xi32>], vector<16xi32>, vector<16xi1>
        %gather3A_860 = tpu.vector_load_idx %arg10[%select_n3A_855] masked %and3A_850 : memref<65536xi32, #tpu.memory_space<vmem>>[vector<16xi32>], vector<16xi32>, vector<16xi1>
        %lt3A_861 = arith.cmpi slt, %gather3A_860, %add3A_859 : vector<16xi32>
        %and3A_862 = arith.andi %and3A_850, %lt3A_861 : vector<16xi1>
        tpu.vector_store_idx %arg10[%select_n3A_855], %add3A_859 masked %and3A_862 : memref<65536xi32, #tpu.memory_space<vmem>>[vector<16xi32>], vector<16xi32>, vector<16xi1>
        %get3A_863 = arith.index_cast %add3A_744 : i32 to index
        %get3A_864 = arith.constant 96 : index
        %get3A_865 = tpu.vector_load %arg9[%get3A_863, %get3A_864] {strides = array<i32>} : memref<16x128xi32, #tpu.memory_space<vmem>>, vector<16xi32>,
        %ge3A_866 = vector.broadcast %mul3A_2 : i32 to vector<16xi32>
        %ge3A_867 = arith.cmpi sge, %get3A_865, %ge3A_866 : vector<16xi32>
        %lt3A_868 = vector.broadcast %add3A_4 : i32 to vector<16xi32>
        %lt3A_869 = arith.cmpi slt, %get3A_865, %lt3A_868 : vector<16xi32>
        %and3A_870 = arith.andi %ge3A_867, %lt3A_869 : vector<16xi1>
        %sub3A_871 = vector.broadcast %mul3A_2 : i32 to vector<16xi32>
        %sub3A_872 = arith.subi %get3A_865, %sub3A_871 : vector<16xi32>
        %jit3A_873 = arith.constant 0 : i32
        %broadcast_in_dim3A_874 = vector.broadcast %jit3A_873 : i32 to vector<16xi32>
        %select_n3A_875 = arith.select %and3A_870, %sub3A_872, %broadcast_in_dim3A_874 : vector<16xi1>, vector<16xi32>
        %add3A_876 = arith.constant 96 : i32
        %add3A_877 = arith.addi %mul3A_749, %add3A_876 : i32
        %add3A_878 = vector.broadcast %add3A_877 : i32 to vector<16xi32>
        %add3A_879 = arith.addi %add3A_878, %iota3A : vector<16xi32>
        tpu.vector_store_idx %arg10[%select_n3A_875], %add3A_879 masked %and3A_870 : memref<65536xi32, #tpu.memory_space<vmem>>[vector<16xi32>], vector<16xi32>, vector<16xi1>
        %gather3A_880 = tpu.vector_load_idx %arg10[%select_n3A_875] masked %and3A_870 : memref<65536xi32, #tpu.memory_space<vmem>>[vector<16xi32>], vector<16xi32>, vector<16xi1>
        %lt3A_881 = arith.cmpi slt, %gather3A_880, %add3A_879 : vector<16xi32>
        %and3A_882 = arith.andi %and3A_870, %lt3A_881 : vector<16xi1>
        tpu.vector_store_idx %arg10[%select_n3A_875], %add3A_879 masked %and3A_882 : memref<65536xi32, #tpu.memory_space<vmem>>[vector<16xi32>], vector<16xi32>, vector<16xi1>
        %get3A_883 = arith.index_cast %add3A_744 : i32 to index
        %get3A_884 = arith.constant 112 : index
        %get3A_885 = tpu.vector_load %arg9[%get3A_883, %get3A_884] {strides = array<i32>} : memref<16x128xi32, #tpu.memory_space<vmem>>, vector<16xi32>,
        %ge3A_886 = vector.broadcast %mul3A_2 : i32 to vector<16xi32>
        %ge3A_887 = arith.cmpi sge, %get3A_885, %ge3A_886 : vector<16xi32>
        %lt3A_888 = vector.broadcast %add3A_4 : i32 to vector<16xi32>
        %lt3A_889 = arith.cmpi slt, %get3A_885, %lt3A_888 : vector<16xi32>
        %and3A_890 = arith.andi %ge3A_887, %lt3A_889 : vector<16xi1>
        %sub3A_891 = vector.broadcast %mul3A_2 : i32 to vector<16xi32>
        %sub3A_892 = arith.subi %get3A_885, %sub3A_891 : vector<16xi32>
        %jit3A_893 = arith.constant 0 : i32
        %broadcast_in_dim3A_894 = vector.broadcast %jit3A_893 : i32 to vector<16xi32>
        %select_n3A_895 = arith.select %and3A_890, %sub3A_892, %broadcast_in_dim3A_894 : vector<16xi1>, vector<16xi32>
        %add3A_896 = arith.constant 112 : i32
        %add3A_897 = arith.addi %mul3A_749, %add3A_896 : i32
        %add3A_898 = vector.broadcast %add3A_897 : i32 to vector<16xi32>
        %add3A_899 = arith.addi %add3A_898, %iota3A : vector<16xi32>
        tpu.vector_store_idx %arg10[%select_n3A_895], %add3A_899 masked %and3A_890 : memref<65536xi32, #tpu.memory_space<vmem>>[vector<16xi32>], vector<16xi32>, vector<16xi1>
        %gather3A_900 = tpu.vector_load_idx %arg10[%select_n3A_895] masked %and3A_890 : memref<65536xi32, #tpu.memory_space<vmem>>[vector<16xi32>], vector<16xi32>, vector<16xi1>
        %lt3A_901 = arith.cmpi slt, %gather3A_900, %add3A_899 : vector<16xi32>
        %and3A_902 = arith.andi %and3A_890, %lt3A_901 : vector<16xi1>
        tpu.vector_store_idx %arg10[%select_n3A_895], %add3A_899 masked %and3A_902 : memref<65536xi32, #tpu.memory_space<vmem>>[vector<16xi32>], vector<16xi32>, vector<16xi1>
      }
      %scan3A_732 = arith.constant 16 : i32
      %add3A_733 = arith.constant 2 : i32
      %add3A_734 = arith.addi %add3A_721, %add3A_733 : i32
      %lt3A_735 = arith.constant 64 : i32
      %lt3A_736 = arith.cmpi slt, %add3A_734, %lt3A_735 : i32
      %convert_element_type3A_737 = arith.extui %lt3A_736 : i1 to i32
      %cond3A_738 = arith.constant 0 : i32
      %cond3A_739 = arith.cmpi ne, %convert_element_type3A_737, %cond3A_738 : i32
      scf.if %cond3A_739 {
        %add3A_740 = arith.constant 2 : i32
        %add3A_741 = arith.addi %add3A_721, %add3A_740 : i32
        %mul3A_742 = arith.constant 16 : i32
        %mul3A_743 = arith.muli %add3A_741, %mul3A_742 : i32
        %dma_start3A_744 = arith.constant 0 : i32
        %dma_start3A_745 = tpu.memref_slice %arg2[%mul3A_743, %dma_start3A_744] : memref<1024x128xi32, #tpu.memory_space<hbm>> -> memref<16x128xi32, #tpu.memory_space<hbm>>
        %dma_start3A_746 = arith.constant 0 : i32
        %dma_start3A_747 = tpu.memref_slice %arg2[%mul3A_743, %dma_start3A_746] : memref<1024x128xi32, #tpu.memory_space<hbm>> -> memref<16x128xi32, #tpu.memory_space<hbm>>
        tpu.enqueue_dma source(%dma_start3A_747 : memref<16x128xi32, #tpu.memory_space<hbm>>) target(%arg9 : memref<16x128xi32, #tpu.memory_space<vmem>>) target_semaphore(%arg21 : memref<!tpu.dma_semaphore, #tpu.memory_space<semaphore_mem>>)
      } else {
      }
    }
    %scan3A_36 = arith.constant 32 : i32
    %add3A_37 = arith.addi %mul3A_6, %mul3A_2 : i32
    "tpu.region"() ({
      %run_scoped3A = tpu.sem_alloc : memref<!tpu.dma_semaphore, #tpu.memory_space<semaphore_mem>>
      %dma_start3A_698 = tpu.memref_slice %arg7[%add3A_37] : memref<2097152xi32, #tpu.memory_space<hbm>> -> memref<65536xi32, #tpu.memory_space<hbm>>
      %dma_start3A_699 = tpu.memref_slice %arg7[%add3A_37] : memref<2097152xi32, #tpu.memory_space<hbm>> -> memref<65536xi32, #tpu.memory_space<hbm>>
      tpu.enqueue_dma source(%arg10 : memref<65536xi32, #tpu.memory_space<vmem>>) target(%dma_start3A_699 : memref<65536xi32, #tpu.memory_space<hbm>>) target_semaphore(%run_scoped3A : memref<!tpu.dma_semaphore, #tpu.memory_space<semaphore_mem>>)
      %dma_wait3A_700 = tpu.memref_slice %arg7[%add3A_37] : memref<2097152xi32, #tpu.memory_space<hbm>> -> memref<65536xi32, #tpu.memory_space<hbm>>
      %dma_wait3A_701 = tpu.memref_slice %arg7[%add3A_37] : memref<2097152xi32, #tpu.memory_space<hbm>> -> memref<65536xi32, #tpu.memory_space<hbm>>
      tpu.wait_dma2 semaphore(%run_scoped3A : memref<!tpu.dma_semaphore, #tpu.memory_space<semaphore_mem>>) src(%arg10 : memref<65536xi32, #tpu.memory_space<vmem>>) dst(%dma_wait3A_701 : memref<65536xi32, #tpu.memory_space<hbm>>)
      tpu.yield
    }) : () -> ()
    %barrier3A = arith.constant 0 : index
    tpu.barrier barrier_id(%barrier3A)
    %dma_start3A_38 = arith.constant 0 : i32
    %dma_start3A_39 = arith.constant 0 : i32
    %dma_start3A_40 = arith.constant 0 : i32
    %dma_start3A_41 = tpu.memref_slice %arg12[%dma_start3A_39, %dma_start3A_40] : memref<32x128xi32, #tpu.memory_space<vmem>> -> memref<1x128xi32, #tpu.memory_space<vmem>>
    %dma_start3A_42 = tpu.memref_squeeze %dma_start3A_41 : memref<1x128xi32, #tpu.memory_space<vmem>> -> memref<128xi32, #tpu.memory_space<vmem>>
    %dma_start3A_43 = arith.constant 0 : i32
    %dma_start3A_44 = tpu.memref_slice %arg11[%dma_start3A_38, %dma_start3A_43] : memref<32x128xi32, #tpu.memory_space<vmem>> -> memref<1x128xi32, #tpu.memory_space<vmem>>
    %dma_start3A_45 = tpu.memref_squeeze %dma_start3A_44 : memref<1x128xi32, #tpu.memory_space<vmem>> -> memref<128xi32, #tpu.memory_space<vmem>>
    %dma_start3A_46 = arith.constant 0 : i32
    %dma_start3A_47 = tpu.memref_slice %arg7[%dma_start3A_46] : memref<2097152xi32, #tpu.memory_space<hbm>> -> memref<2097152xi32, #tpu.memory_space<hbm>>
    tpu.enqueue_indirect_dma source(%dma_start3A_47 : memref<2097152xi32, #tpu.memory_space<hbm>>) target(%dma_start3A_42 : memref<128xi32, #tpu.memory_space<vmem>>) offsets(%dma_start3A_45 : memref<128xi32, #tpu.memory_space<vmem>>) semaphore(%arg30 : memref<!tpu.dma_semaphore, #tpu.memory_space<semaphore_mem>>)
    %dma_start3A_48 = arith.constant 1 : i32
    %dma_start3A_49 = arith.constant 1 : i32
    %dma_start3A_50 = arith.constant 0 : i32
    %dma_start3A_51 = tpu.memref_slice %arg12[%dma_start3A_49, %dma_start3A_50] : memref<32x128xi32, #tpu.memory_space<vmem>> -> memref<1x128xi32, #tpu.memory_space<vmem>>
    %dma_start3A_52 = tpu.memref_squeeze %dma_start3A_51 : memref<1x128xi32, #tpu.memory_space<vmem>> -> memref<128xi32, #tpu.memory_space<vmem>>
    %dma_start3A_53 = arith.constant 0 : i32
    %dma_start3A_54 = tpu.memref_slice %arg11[%dma_start3A_48, %dma_start3A_53] : memref<32x128xi32, #tpu.memory_space<vmem>> -> memref<1x128xi32, #tpu.memory_space<vmem>>
    %dma_start3A_55 = tpu.memref_squeeze %dma_start3A_54 : memref<1x128xi32, #tpu.memory_space<vmem>> -> memref<128xi32, #tpu.memory_space<vmem>>
    %dma_start3A_56 = arith.constant 0 : i32
    %dma_start3A_57 = tpu.memref_slice %arg7[%dma_start3A_56] : memref<2097152xi32, #tpu.memory_space<hbm>> -> memref<2097152xi32, #tpu.memory_space<hbm>>
    tpu.enqueue_indirect_dma source(%dma_start3A_57 : memref<2097152xi32, #tpu.memory_space<hbm>>) target(%dma_start3A_52 : memref<128xi32, #tpu.memory_space<vmem>>) offsets(%dma_start3A_55 : memref<128xi32, #tpu.memory_space<vmem>>) semaphore(%arg30 : memref<!tpu.dma_semaphore, #tpu.memory_space<semaphore_mem>>)
    %dma_start3A_58 = arith.constant 2 : i32
    %dma_start3A_59 = arith.constant 2 : i32
    %dma_start3A_60 = arith.constant 0 : i32
    %dma_start3A_61 = tpu.memref_slice %arg12[%dma_start3A_59, %dma_start3A_60] : memref<32x128xi32, #tpu.memory_space<vmem>> -> memref<1x128xi32, #tpu.memory_space<vmem>>
    %dma_start3A_62 = tpu.memref_squeeze %dma_start3A_61 : memref<1x128xi32, #tpu.memory_space<vmem>> -> memref<128xi32, #tpu.memory_space<vmem>>
    %dma_start3A_63 = arith.constant 0 : i32
    %dma_start3A_64 = tpu.memref_slice %arg11[%dma_start3A_58, %dma_start3A_63] : memref<32x128xi32, #tpu.memory_space<vmem>> -> memref<1x128xi32, #tpu.memory_space<vmem>>
    %dma_start3A_65 = tpu.memref_squeeze %dma_start3A_64 : memref<1x128xi32, #tpu.memory_space<vmem>> -> memref<128xi32, #tpu.memory_space<vmem>>
    %dma_start3A_66 = arith.constant 0 : i32
    %dma_start3A_67 = tpu.memref_slice %arg7[%dma_start3A_66] : memref<2097152xi32, #tpu.memory_space<hbm>> -> memref<2097152xi32, #tpu.memory_space<hbm>>
    tpu.enqueue_indirect_dma source(%dma_start3A_67 : memref<2097152xi32, #tpu.memory_space<hbm>>) target(%dma_start3A_62 : memref<128xi32, #tpu.memory_space<vmem>>) offsets(%dma_start3A_65 : memref<128xi32, #tpu.memory_space<vmem>>) semaphore(%arg30 : memref<!tpu.dma_semaphore, #tpu.memory_space<semaphore_mem>>)
    %dma_start3A_68 = arith.constant 3 : i32
    %dma_start3A_69 = arith.constant 3 : i32
    %dma_start3A_70 = arith.constant 0 : i32
    %dma_start3A_71 = tpu.memref_slice %arg12[%dma_start3A_69, %dma_start3A_70] : memref<32x128xi32, #tpu.memory_space<vmem>> -> memref<1x128xi32, #tpu.memory_space<vmem>>
    %dma_start3A_72 = tpu.memref_squeeze %dma_start3A_71 : memref<1x128xi32, #tpu.memory_space<vmem>> -> memref<128xi32, #tpu.memory_space<vmem>>
    %dma_start3A_73 = arith.constant 0 : i32
    %dma_start3A_74 = tpu.memref_slice %arg11[%dma_start3A_68, %dma_start3A_73] : memref<32x128xi32, #tpu.memory_space<vmem>> -> memref<1x128xi32, #tpu.memory_space<vmem>>
    %dma_start3A_75 = tpu.memref_squeeze %dma_start3A_74 : memref<1x128xi32, #tpu.memory_space<vmem>> -> memref<128xi32, #tpu.memory_space<vmem>>
    %dma_start3A_76 = arith.constant 0 : i32
    %dma_start3A_77 = tpu.memref_slice %arg7[%dma_start3A_76] : memref<2097152xi32, #tpu.memory_space<hbm>> -> memref<2097152xi32, #tpu.memory_space<hbm>>
    tpu.enqueue_indirect_dma source(%dma_start3A_77 : memref<2097152xi32, #tpu.memory_space<hbm>>) target(%dma_start3A_72 : memref<128xi32, #tpu.memory_space<vmem>>) offsets(%dma_start3A_75 : memref<128xi32, #tpu.memory_space<vmem>>) semaphore(%arg30 : memref<!tpu.dma_semaphore, #tpu.memory_space<semaphore_mem>>)
    %dma_start3A_78 = arith.constant 4 : i32
    %dma_start3A_79 = arith.constant 4 : i32
    %dma_start3A_80 = arith.constant 0 : i32
    %dma_start3A_81 = tpu.memref_slice %arg12[%dma_start3A_79, %dma_start3A_80] : memref<32x128xi32, #tpu.memory_space<vmem>> -> memref<1x128xi32, #tpu.memory_space<vmem>>
    %dma_start3A_82 = tpu.memref_squeeze %dma_start3A_81 : memref<1x128xi32, #tpu.memory_space<vmem>> -> memref<128xi32, #tpu.memory_space<vmem>>
    %dma_start3A_83 = arith.constant 0 : i32
    %dma_start3A_84 = tpu.memref_slice %arg11[%dma_start3A_78, %dma_start3A_83] : memref<32x128xi32, #tpu.memory_space<vmem>> -> memref<1x128xi32, #tpu.memory_space<vmem>>
    %dma_start3A_85 = tpu.memref_squeeze %dma_start3A_84 : memref<1x128xi32, #tpu.memory_space<vmem>> -> memref<128xi32, #tpu.memory_space<vmem>>
    %dma_start3A_86 = arith.constant 0 : i32
    %dma_start3A_87 = tpu.memref_slice %arg7[%dma_start3A_86] : memref<2097152xi32, #tpu.memory_space<hbm>> -> memref<2097152xi32, #tpu.memory_space<hbm>>
    tpu.enqueue_indirect_dma source(%dma_start3A_87 : memref<2097152xi32, #tpu.memory_space<hbm>>) target(%dma_start3A_82 : memref<128xi32, #tpu.memory_space<vmem>>) offsets(%dma_start3A_85 : memref<128xi32, #tpu.memory_space<vmem>>) semaphore(%arg30 : memref<!tpu.dma_semaphore, #tpu.memory_space<semaphore_mem>>)
    %dma_start3A_88 = arith.constant 5 : i32
    %dma_start3A_89 = arith.constant 5 : i32
    %dma_start3A_90 = arith.constant 0 : i32
    %dma_start3A_91 = tpu.memref_slice %arg12[%dma_start3A_89, %dma_start3A_90] : memref<32x128xi32, #tpu.memory_space<vmem>> -> memref<1x128xi32, #tpu.memory_space<vmem>>
    %dma_start3A_92 = tpu.memref_squeeze %dma_start3A_91 : memref<1x128xi32, #tpu.memory_space<vmem>> -> memref<128xi32, #tpu.memory_space<vmem>>
    %dma_start3A_93 = arith.constant 0 : i32
    %dma_start3A_94 = tpu.memref_slice %arg11[%dma_start3A_88, %dma_start3A_93] : memref<32x128xi32, #tpu.memory_space<vmem>> -> memref<1x128xi32, #tpu.memory_space<vmem>>
    %dma_start3A_95 = tpu.memref_squeeze %dma_start3A_94 : memref<1x128xi32, #tpu.memory_space<vmem>> -> memref<128xi32, #tpu.memory_space<vmem>>
    %dma_start3A_96 = arith.constant 0 : i32
    %dma_start3A_97 = tpu.memref_slice %arg7[%dma_start3A_96] : memref<2097152xi32, #tpu.memory_space<hbm>> -> memref<2097152xi32, #tpu.memory_space<hbm>>
    tpu.enqueue_indirect_dma source(%dma_start3A_97 : memref<2097152xi32, #tpu.memory_space<hbm>>) target(%dma_start3A_92 : memref<128xi32, #tpu.memory_space<vmem>>) offsets(%dma_start3A_95 : memref<128xi32, #tpu.memory_space<vmem>>) semaphore(%arg30 : memref<!tpu.dma_semaphore, #tpu.memory_space<semaphore_mem>>)
    %dma_start3A_98 = arith.constant 6 : i32
    %dma_start3A_99 = arith.constant 6 : i32
    %dma_start3A_100 = arith.constant 0 : i32
    %dma_start3A_101 = tpu.memref_slice %arg12[%dma_start3A_99, %dma_start3A_100] : memref<32x128xi32, #tpu.memory_space<vmem>> -> memref<1x128xi32, #tpu.memory_space<vmem>>
    %dma_start3A_102 = tpu.memref_squeeze %dma_start3A_101 : memref<1x128xi32, #tpu.memory_space<vmem>> -> memref<128xi32, #tpu.memory_space<vmem>>
    %dma_start3A_103 = arith.constant 0 : i32
    %dma_start3A_104 = tpu.memref_slice %arg11[%dma_start3A_98, %dma_start3A_103] : memref<32x128xi32, #tpu.memory_space<vmem>> -> memref<1x128xi32, #tpu.memory_space<vmem>>
    %dma_start3A_105 = tpu.memref_squeeze %dma_start3A_104 : memref<1x128xi32, #tpu.memory_space<vmem>> -> memref<128xi32, #tpu.memory_space<vmem>>
    %dma_start3A_106 = arith.constant 0 : i32
    %dma_start3A_107 = tpu.memref_slice %arg7[%dma_start3A_106] : memref<2097152xi32, #tpu.memory_space<hbm>> -> memref<2097152xi32, #tpu.memory_space<hbm>>
    tpu.enqueue_indirect_dma source(%dma_start3A_107 : memref<2097152xi32, #tpu.memory_space<hbm>>) target(%dma_start3A_102 : memref<128xi32, #tpu.memory_space<vmem>>) offsets(%dma_start3A_105 : memref<128xi32, #tpu.memory_space<vmem>>) semaphore(%arg30 : memref<!tpu.dma_semaphore, #tpu.memory_space<semaphore_mem>>)
    %dma_start3A_108 = arith.constant 7 : i32
    %dma_start3A_109 = arith.constant 7 : i32
    %dma_start3A_110 = arith.constant 0 : i32
    %dma_start3A_111 = tpu.memref_slice %arg12[%dma_start3A_109, %dma_start3A_110] : memref<32x128xi32, #tpu.memory_space<vmem>> -> memref<1x128xi32, #tpu.memory_space<vmem>>
    %dma_start3A_112 = tpu.memref_squeeze %dma_start3A_111 : memref<1x128xi32, #tpu.memory_space<vmem>> -> memref<128xi32, #tpu.memory_space<vmem>>
    %dma_start3A_113 = arith.constant 0 : i32
    %dma_start3A_114 = tpu.memref_slice %arg11[%dma_start3A_108, %dma_start3A_113] : memref<32x128xi32, #tpu.memory_space<vmem>> -> memref<1x128xi32, #tpu.memory_space<vmem>>
    %dma_start3A_115 = tpu.memref_squeeze %dma_start3A_114 : memref<1x128xi32, #tpu.memory_space<vmem>> -> memref<128xi32, #tpu.memory_space<vmem>>
    %dma_start3A_116 = arith.constant 0 : i32
    %dma_start3A_117 = tpu.memref_slice %arg7[%dma_start3A_116] : memref<2097152xi32, #tpu.memory_space<hbm>> -> memref<2097152xi32, #tpu.memory_space<hbm>>
    tpu.enqueue_indirect_dma source(%dma_start3A_117 : memref<2097152xi32, #tpu.memory_space<hbm>>) target(%dma_start3A_112 : memref<128xi32, #tpu.memory_space<vmem>>) offsets(%dma_start3A_115 : memref<128xi32, #tpu.memory_space<vmem>>) semaphore(%arg30 : memref<!tpu.dma_semaphore, #tpu.memory_space<semaphore_mem>>)
    %dma_start3A_118 = arith.constant 8 : i32
    %dma_start3A_119 = arith.constant 8 : i32
    %dma_start3A_120 = arith.constant 0 : i32
    %dma_start3A_121 = tpu.memref_slice %arg12[%dma_start3A_119, %dma_start3A_120] : memref<32x128xi32, #tpu.memory_space<vmem>> -> memref<1x128xi32, #tpu.memory_space<vmem>>
    %dma_start3A_122 = tpu.memref_squeeze %dma_start3A_121 : memref<1x128xi32, #tpu.memory_space<vmem>> -> memref<128xi32, #tpu.memory_space<vmem>>
    %dma_start3A_123 = arith.constant 0 : i32
    %dma_start3A_124 = tpu.memref_slice %arg11[%dma_start3A_118, %dma_start3A_123] : memref<32x128xi32, #tpu.memory_space<vmem>> -> memref<1x128xi32, #tpu.memory_space<vmem>>
    %dma_start3A_125 = tpu.memref_squeeze %dma_start3A_124 : memref<1x128xi32, #tpu.memory_space<vmem>> -> memref<128xi32, #tpu.memory_space<vmem>>
    %dma_start3A_126 = arith.constant 0 : i32
    %dma_start3A_127 = tpu.memref_slice %arg7[%dma_start3A_126] : memref<2097152xi32, #tpu.memory_space<hbm>> -> memref<2097152xi32, #tpu.memory_space<hbm>>
    tpu.enqueue_indirect_dma source(%dma_start3A_127 : memref<2097152xi32, #tpu.memory_space<hbm>>) target(%dma_start3A_122 : memref<128xi32, #tpu.memory_space<vmem>>) offsets(%dma_start3A_125 : memref<128xi32, #tpu.memory_space<vmem>>) semaphore(%arg30 : memref<!tpu.dma_semaphore, #tpu.memory_space<semaphore_mem>>)
    %dma_start3A_128 = arith.constant 9 : i32
    %dma_start3A_129 = arith.constant 9 : i32
    %dma_start3A_130 = arith.constant 0 : i32
    %dma_start3A_131 = tpu.memref_slice %arg12[%dma_start3A_129, %dma_start3A_130] : memref<32x128xi32, #tpu.memory_space<vmem>> -> memref<1x128xi32, #tpu.memory_space<vmem>>
    %dma_start3A_132 = tpu.memref_squeeze %dma_start3A_131 : memref<1x128xi32, #tpu.memory_space<vmem>> -> memref<128xi32, #tpu.memory_space<vmem>>
    %dma_start3A_133 = arith.constant 0 : i32
    %dma_start3A_134 = tpu.memref_slice %arg11[%dma_start3A_128, %dma_start3A_133] : memref<32x128xi32, #tpu.memory_space<vmem>> -> memref<1x128xi32, #tpu.memory_space<vmem>>
    %dma_start3A_135 = tpu.memref_squeeze %dma_start3A_134 : memref<1x128xi32, #tpu.memory_space<vmem>> -> memref<128xi32, #tpu.memory_space<vmem>>
    %dma_start3A_136 = arith.constant 0 : i32
    %dma_start3A_137 = tpu.memref_slice %arg7[%dma_start3A_136] : memref<2097152xi32, #tpu.memory_space<hbm>> -> memref<2097152xi32, #tpu.memory_space<hbm>>
    tpu.enqueue_indirect_dma source(%dma_start3A_137 : memref<2097152xi32, #tpu.memory_space<hbm>>) target(%dma_start3A_132 : memref<128xi32, #tpu.memory_space<vmem>>) offsets(%dma_start3A_135 : memref<128xi32, #tpu.memory_space<vmem>>) semaphore(%arg30 : memref<!tpu.dma_semaphore, #tpu.memory_space<semaphore_mem>>)
    %dma_start3A_138 = arith.constant 10 : i32
    %dma_start3A_139 = arith.constant 10 : i32
    %dma_start3A_140 = arith.constant 0 : i32
    %dma_start3A_141 = tpu.memref_slice %arg12[%dma_start3A_139, %dma_start3A_140] : memref<32x128xi32, #tpu.memory_space<vmem>> -> memref<1x128xi32, #tpu.memory_space<vmem>>
    %dma_start3A_142 = tpu.memref_squeeze %dma_start3A_141 : memref<1x128xi32, #tpu.memory_space<vmem>> -> memref<128xi32, #tpu.memory_space<vmem>>
    %dma_start3A_143 = arith.constant 0 : i32
    %dma_start3A_144 = tpu.memref_slice %arg11[%dma_start3A_138, %dma_start3A_143] : memref<32x128xi32, #tpu.memory_space<vmem>> -> memref<1x128xi32, #tpu.memory_space<vmem>>
    %dma_start3A_145 = tpu.memref_squeeze %dma_start3A_144 : memref<1x128xi32, #tpu.memory_space<vmem>> -> memref<128xi32, #tpu.memory_space<vmem>>
    %dma_start3A_146 = arith.constant 0 : i32
    %dma_start3A_147 = tpu.memref_slice %arg7[%dma_start3A_146] : memref<2097152xi32, #tpu.memory_space<hbm>> -> memref<2097152xi32, #tpu.memory_space<hbm>>
    tpu.enqueue_indirect_dma source(%dma_start3A_147 : memref<2097152xi32, #tpu.memory_space<hbm>>) target(%dma_start3A_142 : memref<128xi32, #tpu.memory_space<vmem>>) offsets(%dma_start3A_145 : memref<128xi32, #tpu.memory_space<vmem>>) semaphore(%arg30 : memref<!tpu.dma_semaphore, #tpu.memory_space<semaphore_mem>>)
    %dma_start3A_148 = arith.constant 11 : i32
    %dma_start3A_149 = arith.constant 11 : i32
    %dma_start3A_150 = arith.constant 0 : i32
    %dma_start3A_151 = tpu.memref_slice %arg12[%dma_start3A_149, %dma_start3A_150] : memref<32x128xi32, #tpu.memory_space<vmem>> -> memref<1x128xi32, #tpu.memory_space<vmem>>
    %dma_start3A_152 = tpu.memref_squeeze %dma_start3A_151 : memref<1x128xi32, #tpu.memory_space<vmem>> -> memref<128xi32, #tpu.memory_space<vmem>>
    %dma_start3A_153 = arith.constant 0 : i32
    %dma_start3A_154 = tpu.memref_slice %arg11[%dma_start3A_148, %dma_start3A_153] : memref<32x128xi32, #tpu.memory_space<vmem>> -> memref<1x128xi32, #tpu.memory_space<vmem>>
    %dma_start3A_155 = tpu.memref_squeeze %dma_start3A_154 : memref<1x128xi32, #tpu.memory_space<vmem>> -> memref<128xi32, #tpu.memory_space<vmem>>
    %dma_start3A_156 = arith.constant 0 : i32
    %dma_start3A_157 = tpu.memref_slice %arg7[%dma_start3A_156] : memref<2097152xi32, #tpu.memory_space<hbm>> -> memref<2097152xi32, #tpu.memory_space<hbm>>
    tpu.enqueue_indirect_dma source(%dma_start3A_157 : memref<2097152xi32, #tpu.memory_space<hbm>>) target(%dma_start3A_152 : memref<128xi32, #tpu.memory_space<vmem>>) offsets(%dma_start3A_155 : memref<128xi32, #tpu.memory_space<vmem>>) semaphore(%arg30 : memref<!tpu.dma_semaphore, #tpu.memory_space<semaphore_mem>>)
    %dma_start3A_158 = arith.constant 12 : i32
    %dma_start3A_159 = arith.constant 12 : i32
    %dma_start3A_160 = arith.constant 0 : i32
    %dma_start3A_161 = tpu.memref_slice %arg12[%dma_start3A_159, %dma_start3A_160] : memref<32x128xi32, #tpu.memory_space<vmem>> -> memref<1x128xi32, #tpu.memory_space<vmem>>
    %dma_start3A_162 = tpu.memref_squeeze %dma_start3A_161 : memref<1x128xi32, #tpu.memory_space<vmem>> -> memref<128xi32, #tpu.memory_space<vmem>>
    %dma_start3A_163 = arith.constant 0 : i32
    %dma_start3A_164 = tpu.memref_slice %arg11[%dma_start3A_158, %dma_start3A_163] : memref<32x128xi32, #tpu.memory_space<vmem>> -> memref<1x128xi32, #tpu.memory_space<vmem>>
    %dma_start3A_165 = tpu.memref_squeeze %dma_start3A_164 : memref<1x128xi32, #tpu.memory_space<vmem>> -> memref<128xi32, #tpu.memory_space<vmem>>
    %dma_start3A_166 = arith.constant 0 : i32
    %dma_start3A_167 = tpu.memref_slice %arg7[%dma_start3A_166] : memref<2097152xi32, #tpu.memory_space<hbm>> -> memref<2097152xi32, #tpu.memory_space<hbm>>
    tpu.enqueue_indirect_dma source(%dma_start3A_167 : memref<2097152xi32, #tpu.memory_space<hbm>>) target(%dma_start3A_162 : memref<128xi32, #tpu.memory_space<vmem>>) offsets(%dma_start3A_165 : memref<128xi32, #tpu.memory_space<vmem>>) semaphore(%arg30 : memref<!tpu.dma_semaphore, #tpu.memory_space<semaphore_mem>>)
    %dma_start3A_168 = arith.constant 13 : i32
    %dma_start3A_169 = arith.constant 13 : i32
    %dma_start3A_170 = arith.constant 0 : i32
    %dma_start3A_171 = tpu.memref_slice %arg12[%dma_start3A_169, %dma_start3A_170] : memref<32x128xi32, #tpu.memory_space<vmem>> -> memref<1x128xi32, #tpu.memory_space<vmem>>
    %dma_start3A_172 = tpu.memref_squeeze %dma_start3A_171 : memref<1x128xi32, #tpu.memory_space<vmem>> -> memref<128xi32, #tpu.memory_space<vmem>>
    %dma_start3A_173 = arith.constant 0 : i32
    %dma_start3A_174 = tpu.memref_slice %arg11[%dma_start3A_168, %dma_start3A_173] : memref<32x128xi32, #tpu.memory_space<vmem>> -> memref<1x128xi32, #tpu.memory_space<vmem>>
    %dma_start3A_175 = tpu.memref_squeeze %dma_start3A_174 : memref<1x128xi32, #tpu.memory_space<vmem>> -> memref<128xi32, #tpu.memory_space<vmem>>
    %dma_start3A_176 = arith.constant 0 : i32
    %dma_start3A_177 = tpu.memref_slice %arg7[%dma_start3A_176] : memref<2097152xi32, #tpu.memory_space<hbm>> -> memref<2097152xi32, #tpu.memory_space<hbm>>
    tpu.enqueue_indirect_dma source(%dma_start3A_177 : memref<2097152xi32, #tpu.memory_space<hbm>>) target(%dma_start3A_172 : memref<128xi32, #tpu.memory_space<vmem>>) offsets(%dma_start3A_175 : memref<128xi32, #tpu.memory_space<vmem>>) semaphore(%arg30 : memref<!tpu.dma_semaphore, #tpu.memory_space<semaphore_mem>>)
    %dma_start3A_178 = arith.constant 14 : i32
    %dma_start3A_179 = arith.constant 14 : i32
    %dma_start3A_180 = arith.constant 0 : i32
    %dma_start3A_181 = tpu.memref_slice %arg12[%dma_start3A_179, %dma_start3A_180] : memref<32x128xi32, #tpu.memory_space<vmem>> -> memref<1x128xi32, #tpu.memory_space<vmem>>
    %dma_start3A_182 = tpu.memref_squeeze %dma_start3A_181 : memref<1x128xi32, #tpu.memory_space<vmem>> -> memref<128xi32, #tpu.memory_space<vmem>>
    %dma_start3A_183 = arith.constant 0 : i32
    %dma_start3A_184 = tpu.memref_slice %arg11[%dma_start3A_178, %dma_start3A_183] : memref<32x128xi32, #tpu.memory_space<vmem>> -> memref<1x128xi32, #tpu.memory_space<vmem>>
    %dma_start3A_185 = tpu.memref_squeeze %dma_start3A_184 : memref<1x128xi32, #tpu.memory_space<vmem>> -> memref<128xi32, #tpu.memory_space<vmem>>
    %dma_start3A_186 = arith.constant 0 : i32
    %dma_start3A_187 = tpu.memref_slice %arg7[%dma_start3A_186] : memref<2097152xi32, #tpu.memory_space<hbm>> -> memref<2097152xi32, #tpu.memory_space<hbm>>
    tpu.enqueue_indirect_dma source(%dma_start3A_187 : memref<2097152xi32, #tpu.memory_space<hbm>>) target(%dma_start3A_182 : memref<128xi32, #tpu.memory_space<vmem>>) offsets(%dma_start3A_185 : memref<128xi32, #tpu.memory_space<vmem>>) semaphore(%arg30 : memref<!tpu.dma_semaphore, #tpu.memory_space<semaphore_mem>>)
    %dma_start3A_188 = arith.constant 15 : i32
    %dma_start3A_189 = arith.constant 15 : i32
    %dma_start3A_190 = arith.constant 0 : i32
    %dma_start3A_191 = tpu.memref_slice %arg12[%dma_start3A_189, %dma_start3A_190] : memref<32x128xi32, #tpu.memory_space<vmem>> -> memref<1x128xi32, #tpu.memory_space<vmem>>
    %dma_start3A_192 = tpu.memref_squeeze %dma_start3A_191 : memref<1x128xi32, #tpu.memory_space<vmem>> -> memref<128xi32, #tpu.memory_space<vmem>>
    %dma_start3A_193 = arith.constant 0 : i32
    %dma_start3A_194 = tpu.memref_slice %arg11[%dma_start3A_188, %dma_start3A_193] : memref<32x128xi32, #tpu.memory_space<vmem>> -> memref<1x128xi32, #tpu.memory_space<vmem>>
    %dma_start3A_195 = tpu.memref_squeeze %dma_start3A_194 : memref<1x128xi32, #tpu.memory_space<vmem>> -> memref<128xi32, #tpu.memory_space<vmem>>
    %dma_start3A_196 = arith.constant 0 : i32
    %dma_start3A_197 = tpu.memref_slice %arg7[%dma_start3A_196] : memref<2097152xi32, #tpu.memory_space<hbm>> -> memref<2097152xi32, #tpu.memory_space<hbm>>
    tpu.enqueue_indirect_dma source(%dma_start3A_197 : memref<2097152xi32, #tpu.memory_space<hbm>>) target(%dma_start3A_192 : memref<128xi32, #tpu.memory_space<vmem>>) offsets(%dma_start3A_195 : memref<128xi32, #tpu.memory_space<vmem>>) semaphore(%arg30 : memref<!tpu.dma_semaphore, #tpu.memory_space<semaphore_mem>>)
    %dma_start3A_198 = arith.constant 16 : i32
    %dma_start3A_199 = arith.constant 16 : i32
    %dma_start3A_200 = arith.constant 0 : i32
    %dma_start3A_201 = tpu.memref_slice %arg12[%dma_start3A_199, %dma_start3A_200] : memref<32x128xi32, #tpu.memory_space<vmem>> -> memref<1x128xi32, #tpu.memory_space<vmem>>
    %dma_start3A_202 = tpu.memref_squeeze %dma_start3A_201 : memref<1x128xi32, #tpu.memory_space<vmem>> -> memref<128xi32, #tpu.memory_space<vmem>>
    %dma_start3A_203 = arith.constant 0 : i32
    %dma_start3A_204 = tpu.memref_slice %arg11[%dma_start3A_198, %dma_start3A_203] : memref<32x128xi32, #tpu.memory_space<vmem>> -> memref<1x128xi32, #tpu.memory_space<vmem>>
    %dma_start3A_205 = tpu.memref_squeeze %dma_start3A_204 : memref<1x128xi32, #tpu.memory_space<vmem>> -> memref<128xi32, #tpu.memory_space<vmem>>
    %dma_start3A_206 = arith.constant 0 : i32
    %dma_start3A_207 = tpu.memref_slice %arg7[%dma_start3A_206] : memref<2097152xi32, #tpu.memory_space<hbm>> -> memref<2097152xi32, #tpu.memory_space<hbm>>
    tpu.enqueue_indirect_dma source(%dma_start3A_207 : memref<2097152xi32, #tpu.memory_space<hbm>>) target(%dma_start3A_202 : memref<128xi32, #tpu.memory_space<vmem>>) offsets(%dma_start3A_205 : memref<128xi32, #tpu.memory_space<vmem>>) semaphore(%arg30 : memref<!tpu.dma_semaphore, #tpu.memory_space<semaphore_mem>>)
    %dma_start3A_208 = arith.constant 17 : i32
    %dma_start3A_209 = arith.constant 17 : i32
    %dma_start3A_210 = arith.constant 0 : i32
    %dma_start3A_211 = tpu.memref_slice %arg12[%dma_start3A_209, %dma_start3A_210] : memref<32x128xi32, #tpu.memory_space<vmem>> -> memref<1x128xi32, #tpu.memory_space<vmem>>
    %dma_start3A_212 = tpu.memref_squeeze %dma_start3A_211 : memref<1x128xi32, #tpu.memory_space<vmem>> -> memref<128xi32, #tpu.memory_space<vmem>>
    %dma_start3A_213 = arith.constant 0 : i32
    %dma_start3A_214 = tpu.memref_slice %arg11[%dma_start3A_208, %dma_start3A_213] : memref<32x128xi32, #tpu.memory_space<vmem>> -> memref<1x128xi32, #tpu.memory_space<vmem>>
    %dma_start3A_215 = tpu.memref_squeeze %dma_start3A_214 : memref<1x128xi32, #tpu.memory_space<vmem>> -> memref<128xi32, #tpu.memory_space<vmem>>
    %dma_start3A_216 = arith.constant 0 : i32
    %dma_start3A_217 = tpu.memref_slice %arg7[%dma_start3A_216] : memref<2097152xi32, #tpu.memory_space<hbm>> -> memref<2097152xi32, #tpu.memory_space<hbm>>
    tpu.enqueue_indirect_dma source(%dma_start3A_217 : memref<2097152xi32, #tpu.memory_space<hbm>>) target(%dma_start3A_212 : memref<128xi32, #tpu.memory_space<vmem>>) offsets(%dma_start3A_215 : memref<128xi32, #tpu.memory_space<vmem>>) semaphore(%arg30 : memref<!tpu.dma_semaphore, #tpu.memory_space<semaphore_mem>>)
    %dma_start3A_218 = arith.constant 18 : i32
    %dma_start3A_219 = arith.constant 18 : i32
    %dma_start3A_220 = arith.constant 0 : i32
    %dma_start3A_221 = tpu.memref_slice %arg12[%dma_start3A_219, %dma_start3A_220] : memref<32x128xi32, #tpu.memory_space<vmem>> -> memref<1x128xi32, #tpu.memory_space<vmem>>
    %dma_start3A_222 = tpu.memref_squeeze %dma_start3A_221 : memref<1x128xi32, #tpu.memory_space<vmem>> -> memref<128xi32, #tpu.memory_space<vmem>>
    %dma_start3A_223 = arith.constant 0 : i32
    %dma_start3A_224 = tpu.memref_slice %arg11[%dma_start3A_218, %dma_start3A_223] : memref<32x128xi32, #tpu.memory_space<vmem>> -> memref<1x128xi32, #tpu.memory_space<vmem>>
    %dma_start3A_225 = tpu.memref_squeeze %dma_start3A_224 : memref<1x128xi32, #tpu.memory_space<vmem>> -> memref<128xi32, #tpu.memory_space<vmem>>
    %dma_start3A_226 = arith.constant 0 : i32
    %dma_start3A_227 = tpu.memref_slice %arg7[%dma_start3A_226] : memref<2097152xi32, #tpu.memory_space<hbm>> -> memref<2097152xi32, #tpu.memory_space<hbm>>
    tpu.enqueue_indirect_dma source(%dma_start3A_227 : memref<2097152xi32, #tpu.memory_space<hbm>>) target(%dma_start3A_222 : memref<128xi32, #tpu.memory_space<vmem>>) offsets(%dma_start3A_225 : memref<128xi32, #tpu.memory_space<vmem>>) semaphore(%arg30 : memref<!tpu.dma_semaphore, #tpu.memory_space<semaphore_mem>>)
    %dma_start3A_228 = arith.constant 19 : i32
    %dma_start3A_229 = arith.constant 19 : i32
    %dma_start3A_230 = arith.constant 0 : i32
    %dma_start3A_231 = tpu.memref_slice %arg12[%dma_start3A_229, %dma_start3A_230] : memref<32x128xi32, #tpu.memory_space<vmem>> -> memref<1x128xi32, #tpu.memory_space<vmem>>
    %dma_start3A_232 = tpu.memref_squeeze %dma_start3A_231 : memref<1x128xi32, #tpu.memory_space<vmem>> -> memref<128xi32, #tpu.memory_space<vmem>>
    %dma_start3A_233 = arith.constant 0 : i32
    %dma_start3A_234 = tpu.memref_slice %arg11[%dma_start3A_228, %dma_start3A_233] : memref<32x128xi32, #tpu.memory_space<vmem>> -> memref<1x128xi32, #tpu.memory_space<vmem>>
    %dma_start3A_235 = tpu.memref_squeeze %dma_start3A_234 : memref<1x128xi32, #tpu.memory_space<vmem>> -> memref<128xi32, #tpu.memory_space<vmem>>
    %dma_start3A_236 = arith.constant 0 : i32
    %dma_start3A_237 = tpu.memref_slice %arg7[%dma_start3A_236] : memref<2097152xi32, #tpu.memory_space<hbm>> -> memref<2097152xi32, #tpu.memory_space<hbm>>
    tpu.enqueue_indirect_dma source(%dma_start3A_237 : memref<2097152xi32, #tpu.memory_space<hbm>>) target(%dma_start3A_232 : memref<128xi32, #tpu.memory_space<vmem>>) offsets(%dma_start3A_235 : memref<128xi32, #tpu.memory_space<vmem>>) semaphore(%arg30 : memref<!tpu.dma_semaphore, #tpu.memory_space<semaphore_mem>>)
    %dma_start3A_238 = arith.constant 20 : i32
    %dma_start3A_239 = arith.constant 20 : i32
    %dma_start3A_240 = arith.constant 0 : i32
    %dma_start3A_241 = tpu.memref_slice %arg12[%dma_start3A_239, %dma_start3A_240] : memref<32x128xi32, #tpu.memory_space<vmem>> -> memref<1x128xi32, #tpu.memory_space<vmem>>
    %dma_start3A_242 = tpu.memref_squeeze %dma_start3A_241 : memref<1x128xi32, #tpu.memory_space<vmem>> -> memref<128xi32, #tpu.memory_space<vmem>>
    %dma_start3A_243 = arith.constant 0 : i32
    %dma_start3A_244 = tpu.memref_slice %arg11[%dma_start3A_238, %dma_start3A_243] : memref<32x128xi32, #tpu.memory_space<vmem>> -> memref<1x128xi32, #tpu.memory_space<vmem>>
    %dma_start3A_245 = tpu.memref_squeeze %dma_start3A_244 : memref<1x128xi32, #tpu.memory_space<vmem>> -> memref<128xi32, #tpu.memory_space<vmem>>
    %dma_start3A_246 = arith.constant 0 : i32
    %dma_start3A_247 = tpu.memref_slice %arg7[%dma_start3A_246] : memref<2097152xi32, #tpu.memory_space<hbm>> -> memref<2097152xi32, #tpu.memory_space<hbm>>
    tpu.enqueue_indirect_dma source(%dma_start3A_247 : memref<2097152xi32, #tpu.memory_space<hbm>>) target(%dma_start3A_242 : memref<128xi32, #tpu.memory_space<vmem>>) offsets(%dma_start3A_245 : memref<128xi32, #tpu.memory_space<vmem>>) semaphore(%arg30 : memref<!tpu.dma_semaphore, #tpu.memory_space<semaphore_mem>>)
    %dma_start3A_248 = arith.constant 21 : i32
    %dma_start3A_249 = arith.constant 21 : i32
    %dma_start3A_250 = arith.constant 0 : i32
    %dma_start3A_251 = tpu.memref_slice %arg12[%dma_start3A_249, %dma_start3A_250] : memref<32x128xi32, #tpu.memory_space<vmem>> -> memref<1x128xi32, #tpu.memory_space<vmem>>
    %dma_start3A_252 = tpu.memref_squeeze %dma_start3A_251 : memref<1x128xi32, #tpu.memory_space<vmem>> -> memref<128xi32, #tpu.memory_space<vmem>>
    %dma_start3A_253 = arith.constant 0 : i32
    %dma_start3A_254 = tpu.memref_slice %arg11[%dma_start3A_248, %dma_start3A_253] : memref<32x128xi32, #tpu.memory_space<vmem>> -> memref<1x128xi32, #tpu.memory_space<vmem>>
    %dma_start3A_255 = tpu.memref_squeeze %dma_start3A_254 : memref<1x128xi32, #tpu.memory_space<vmem>> -> memref<128xi32, #tpu.memory_space<vmem>>
    %dma_start3A_256 = arith.constant 0 : i32
    %dma_start3A_257 = tpu.memref_slice %arg7[%dma_start3A_256] : memref<2097152xi32, #tpu.memory_space<hbm>> -> memref<2097152xi32, #tpu.memory_space<hbm>>
    tpu.enqueue_indirect_dma source(%dma_start3A_257 : memref<2097152xi32, #tpu.memory_space<hbm>>) target(%dma_start3A_252 : memref<128xi32, #tpu.memory_space<vmem>>) offsets(%dma_start3A_255 : memref<128xi32, #tpu.memory_space<vmem>>) semaphore(%arg30 : memref<!tpu.dma_semaphore, #tpu.memory_space<semaphore_mem>>)
    %dma_start3A_258 = arith.constant 22 : i32
    %dma_start3A_259 = arith.constant 22 : i32
    %dma_start3A_260 = arith.constant 0 : i32
    %dma_start3A_261 = tpu.memref_slice %arg12[%dma_start3A_259, %dma_start3A_260] : memref<32x128xi32, #tpu.memory_space<vmem>> -> memref<1x128xi32, #tpu.memory_space<vmem>>
    %dma_start3A_262 = tpu.memref_squeeze %dma_start3A_261 : memref<1x128xi32, #tpu.memory_space<vmem>> -> memref<128xi32, #tpu.memory_space<vmem>>
    %dma_start3A_263 = arith.constant 0 : i32
    %dma_start3A_264 = tpu.memref_slice %arg11[%dma_start3A_258, %dma_start3A_263] : memref<32x128xi32, #tpu.memory_space<vmem>> -> memref<1x128xi32, #tpu.memory_space<vmem>>
    %dma_start3A_265 = tpu.memref_squeeze %dma_start3A_264 : memref<1x128xi32, #tpu.memory_space<vmem>> -> memref<128xi32, #tpu.memory_space<vmem>>
    %dma_start3A_266 = arith.constant 0 : i32
    %dma_start3A_267 = tpu.memref_slice %arg7[%dma_start3A_266] : memref<2097152xi32, #tpu.memory_space<hbm>> -> memref<2097152xi32, #tpu.memory_space<hbm>>
    tpu.enqueue_indirect_dma source(%dma_start3A_267 : memref<2097152xi32, #tpu.memory_space<hbm>>) target(%dma_start3A_262 : memref<128xi32, #tpu.memory_space<vmem>>) offsets(%dma_start3A_265 : memref<128xi32, #tpu.memory_space<vmem>>) semaphore(%arg30 : memref<!tpu.dma_semaphore, #tpu.memory_space<semaphore_mem>>)
    %dma_start3A_268 = arith.constant 23 : i32
    %dma_start3A_269 = arith.constant 23 : i32
    %dma_start3A_270 = arith.constant 0 : i32
    %dma_start3A_271 = tpu.memref_slice %arg12[%dma_start3A_269, %dma_start3A_270] : memref<32x128xi32, #tpu.memory_space<vmem>> -> memref<1x128xi32, #tpu.memory_space<vmem>>
    %dma_start3A_272 = tpu.memref_squeeze %dma_start3A_271 : memref<1x128xi32, #tpu.memory_space<vmem>> -> memref<128xi32, #tpu.memory_space<vmem>>
    %dma_start3A_273 = arith.constant 0 : i32
    %dma_start3A_274 = tpu.memref_slice %arg11[%dma_start3A_268, %dma_start3A_273] : memref<32x128xi32, #tpu.memory_space<vmem>> -> memref<1x128xi32, #tpu.memory_space<vmem>>
    %dma_start3A_275 = tpu.memref_squeeze %dma_start3A_274 : memref<1x128xi32, #tpu.memory_space<vmem>> -> memref<128xi32, #tpu.memory_space<vmem>>
    %dma_start3A_276 = arith.constant 0 : i32
    %dma_start3A_277 = tpu.memref_slice %arg7[%dma_start3A_276] : memref<2097152xi32, #tpu.memory_space<hbm>> -> memref<2097152xi32, #tpu.memory_space<hbm>>
    tpu.enqueue_indirect_dma source(%dma_start3A_277 : memref<2097152xi32, #tpu.memory_space<hbm>>) target(%dma_start3A_272 : memref<128xi32, #tpu.memory_space<vmem>>) offsets(%dma_start3A_275 : memref<128xi32, #tpu.memory_space<vmem>>) semaphore(%arg30 : memref<!tpu.dma_semaphore, #tpu.memory_space<semaphore_mem>>)
    %dma_start3A_278 = arith.constant 24 : i32
    %dma_start3A_279 = arith.constant 24 : i32
    %dma_start3A_280 = arith.constant 0 : i32
    %dma_start3A_281 = tpu.memref_slice %arg12[%dma_start3A_279, %dma_start3A_280] : memref<32x128xi32, #tpu.memory_space<vmem>> -> memref<1x128xi32, #tpu.memory_space<vmem>>
    %dma_start3A_282 = tpu.memref_squeeze %dma_start3A_281 : memref<1x128xi32, #tpu.memory_space<vmem>> -> memref<128xi32, #tpu.memory_space<vmem>>
    %dma_start3A_283 = arith.constant 0 : i32
    %dma_start3A_284 = tpu.memref_slice %arg11[%dma_start3A_278, %dma_start3A_283] : memref<32x128xi32, #tpu.memory_space<vmem>> -> memref<1x128xi32, #tpu.memory_space<vmem>>
    %dma_start3A_285 = tpu.memref_squeeze %dma_start3A_284 : memref<1x128xi32, #tpu.memory_space<vmem>> -> memref<128xi32, #tpu.memory_space<vmem>>
    %dma_start3A_286 = arith.constant 0 : i32
    %dma_start3A_287 = tpu.memref_slice %arg7[%dma_start3A_286] : memref<2097152xi32, #tpu.memory_space<hbm>> -> memref<2097152xi32, #tpu.memory_space<hbm>>
    tpu.enqueue_indirect_dma source(%dma_start3A_287 : memref<2097152xi32, #tpu.memory_space<hbm>>) target(%dma_start3A_282 : memref<128xi32, #tpu.memory_space<vmem>>) offsets(%dma_start3A_285 : memref<128xi32, #tpu.memory_space<vmem>>) semaphore(%arg30 : memref<!tpu.dma_semaphore, #tpu.memory_space<semaphore_mem>>)
    %dma_start3A_288 = arith.constant 25 : i32
    %dma_start3A_289 = arith.constant 25 : i32
    %dma_start3A_290 = arith.constant 0 : i32
    %dma_start3A_291 = tpu.memref_slice %arg12[%dma_start3A_289, %dma_start3A_290] : memref<32x128xi32, #tpu.memory_space<vmem>> -> memref<1x128xi32, #tpu.memory_space<vmem>>
    %dma_start3A_292 = tpu.memref_squeeze %dma_start3A_291 : memref<1x128xi32, #tpu.memory_space<vmem>> -> memref<128xi32, #tpu.memory_space<vmem>>
    %dma_start3A_293 = arith.constant 0 : i32
    %dma_start3A_294 = tpu.memref_slice %arg11[%dma_start3A_288, %dma_start3A_293] : memref<32x128xi32, #tpu.memory_space<vmem>> -> memref<1x128xi32, #tpu.memory_space<vmem>>
    %dma_start3A_295 = tpu.memref_squeeze %dma_start3A_294 : memref<1x128xi32, #tpu.memory_space<vmem>> -> memref<128xi32, #tpu.memory_space<vmem>>
    %dma_start3A_296 = arith.constant 0 : i32
    %dma_start3A_297 = tpu.memref_slice %arg7[%dma_start3A_296] : memref<2097152xi32, #tpu.memory_space<hbm>> -> memref<2097152xi32, #tpu.memory_space<hbm>>
    tpu.enqueue_indirect_dma source(%dma_start3A_297 : memref<2097152xi32, #tpu.memory_space<hbm>>) target(%dma_start3A_292 : memref<128xi32, #tpu.memory_space<vmem>>) offsets(%dma_start3A_295 : memref<128xi32, #tpu.memory_space<vmem>>) semaphore(%arg30 : memref<!tpu.dma_semaphore, #tpu.memory_space<semaphore_mem>>)
    %dma_start3A_298 = arith.constant 26 : i32
    %dma_start3A_299 = arith.constant 26 : i32
    %dma_start3A_300 = arith.constant 0 : i32
    %dma_start3A_301 = tpu.memref_slice %arg12[%dma_start3A_299, %dma_start3A_300] : memref<32x128xi32, #tpu.memory_space<vmem>> -> memref<1x128xi32, #tpu.memory_space<vmem>>
    %dma_start3A_302 = tpu.memref_squeeze %dma_start3A_301 : memref<1x128xi32, #tpu.memory_space<vmem>> -> memref<128xi32, #tpu.memory_space<vmem>>
    %dma_start3A_303 = arith.constant 0 : i32
    %dma_start3A_304 = tpu.memref_slice %arg11[%dma_start3A_298, %dma_start3A_303] : memref<32x128xi32, #tpu.memory_space<vmem>> -> memref<1x128xi32, #tpu.memory_space<vmem>>
    %dma_start3A_305 = tpu.memref_squeeze %dma_start3A_304 : memref<1x128xi32, #tpu.memory_space<vmem>> -> memref<128xi32, #tpu.memory_space<vmem>>
    %dma_start3A_306 = arith.constant 0 : i32
    %dma_start3A_307 = tpu.memref_slice %arg7[%dma_start3A_306] : memref<2097152xi32, #tpu.memory_space<hbm>> -> memref<2097152xi32, #tpu.memory_space<hbm>>
    tpu.enqueue_indirect_dma source(%dma_start3A_307 : memref<2097152xi32, #tpu.memory_space<hbm>>) target(%dma_start3A_302 : memref<128xi32, #tpu.memory_space<vmem>>) offsets(%dma_start3A_305 : memref<128xi32, #tpu.memory_space<vmem>>) semaphore(%arg30 : memref<!tpu.dma_semaphore, #tpu.memory_space<semaphore_mem>>)
    %dma_start3A_308 = arith.constant 27 : i32
    %dma_start3A_309 = arith.constant 27 : i32
    %dma_start3A_310 = arith.constant 0 : i32
    %dma_start3A_311 = tpu.memref_slice %arg12[%dma_start3A_309, %dma_start3A_310] : memref<32x128xi32, #tpu.memory_space<vmem>> -> memref<1x128xi32, #tpu.memory_space<vmem>>
    %dma_start3A_312 = tpu.memref_squeeze %dma_start3A_311 : memref<1x128xi32, #tpu.memory_space<vmem>> -> memref<128xi32, #tpu.memory_space<vmem>>
    %dma_start3A_313 = arith.constant 0 : i32
    %dma_start3A_314 = tpu.memref_slice %arg11[%dma_start3A_308, %dma_start3A_313] : memref<32x128xi32, #tpu.memory_space<vmem>> -> memref<1x128xi32, #tpu.memory_space<vmem>>
    %dma_start3A_315 = tpu.memref_squeeze %dma_start3A_314 : memref<1x128xi32, #tpu.memory_space<vmem>> -> memref<128xi32, #tpu.memory_space<vmem>>
    %dma_start3A_316 = arith.constant 0 : i32
    %dma_start3A_317 = tpu.memref_slice %arg7[%dma_start3A_316] : memref<2097152xi32, #tpu.memory_space<hbm>> -> memref<2097152xi32, #tpu.memory_space<hbm>>
    tpu.enqueue_indirect_dma source(%dma_start3A_317 : memref<2097152xi32, #tpu.memory_space<hbm>>) target(%dma_start3A_312 : memref<128xi32, #tpu.memory_space<vmem>>) offsets(%dma_start3A_315 : memref<128xi32, #tpu.memory_space<vmem>>) semaphore(%arg30 : memref<!tpu.dma_semaphore, #tpu.memory_space<semaphore_mem>>)
    %dma_start3A_318 = arith.constant 28 : i32
    %dma_start3A_319 = arith.constant 28 : i32
    %dma_start3A_320 = arith.constant 0 : i32
    %dma_start3A_321 = tpu.memref_slice %arg12[%dma_start3A_319, %dma_start3A_320] : memref<32x128xi32, #tpu.memory_space<vmem>> -> memref<1x128xi32, #tpu.memory_space<vmem>>
    %dma_start3A_322 = tpu.memref_squeeze %dma_start3A_321 : memref<1x128xi32, #tpu.memory_space<vmem>> -> memref<128xi32, #tpu.memory_space<vmem>>
    %dma_start3A_323 = arith.constant 0 : i32
    %dma_start3A_324 = tpu.memref_slice %arg11[%dma_start3A_318, %dma_start3A_323] : memref<32x128xi32, #tpu.memory_space<vmem>> -> memref<1x128xi32, #tpu.memory_space<vmem>>
    %dma_start3A_325 = tpu.memref_squeeze %dma_start3A_324 : memref<1x128xi32, #tpu.memory_space<vmem>> -> memref<128xi32, #tpu.memory_space<vmem>>
    %dma_start3A_326 = arith.constant 0 : i32
    %dma_start3A_327 = tpu.memref_slice %arg7[%dma_start3A_326] : memref<2097152xi32, #tpu.memory_space<hbm>> -> memref<2097152xi32, #tpu.memory_space<hbm>>
    tpu.enqueue_indirect_dma source(%dma_start3A_327 : memref<2097152xi32, #tpu.memory_space<hbm>>) target(%dma_start3A_322 : memref<128xi32, #tpu.memory_space<vmem>>) offsets(%dma_start3A_325 : memref<128xi32, #tpu.memory_space<vmem>>) semaphore(%arg30 : memref<!tpu.dma_semaphore, #tpu.memory_space<semaphore_mem>>)
    %dma_start3A_328 = arith.constant 29 : i32
    %dma_start3A_329 = arith.constant 29 : i32
    %dma_start3A_330 = arith.constant 0 : i32
    %dma_start3A_331 = tpu.memref_slice %arg12[%dma_start3A_329, %dma_start3A_330] : memref<32x128xi32, #tpu.memory_space<vmem>> -> memref<1x128xi32, #tpu.memory_space<vmem>>
    %dma_start3A_332 = tpu.memref_squeeze %dma_start3A_331 : memref<1x128xi32, #tpu.memory_space<vmem>> -> memref<128xi32, #tpu.memory_space<vmem>>
    %dma_start3A_333 = arith.constant 0 : i32
    %dma_start3A_334 = tpu.memref_slice %arg11[%dma_start3A_328, %dma_start3A_333] : memref<32x128xi32, #tpu.memory_space<vmem>> -> memref<1x128xi32, #tpu.memory_space<vmem>>
    %dma_start3A_335 = tpu.memref_squeeze %dma_start3A_334 : memref<1x128xi32, #tpu.memory_space<vmem>> -> memref<128xi32, #tpu.memory_space<vmem>>
    %dma_start3A_336 = arith.constant 0 : i32
    %dma_start3A_337 = tpu.memref_slice %arg7[%dma_start3A_336] : memref<2097152xi32, #tpu.memory_space<hbm>> -> memref<2097152xi32, #tpu.memory_space<hbm>>
    tpu.enqueue_indirect_dma source(%dma_start3A_337 : memref<2097152xi32, #tpu.memory_space<hbm>>) target(%dma_start3A_332 : memref<128xi32, #tpu.memory_space<vmem>>) offsets(%dma_start3A_335 : memref<128xi32, #tpu.memory_space<vmem>>) semaphore(%arg30 : memref<!tpu.dma_semaphore, #tpu.memory_space<semaphore_mem>>)
    %dma_start3A_338 = arith.constant 30 : i32
    %dma_start3A_339 = arith.constant 30 : i32
    %dma_start3A_340 = arith.constant 0 : i32
    %dma_start3A_341 = tpu.memref_slice %arg12[%dma_start3A_339, %dma_start3A_340] : memref<32x128xi32, #tpu.memory_space<vmem>> -> memref<1x128xi32, #tpu.memory_space<vmem>>
    %dma_start3A_342 = tpu.memref_squeeze %dma_start3A_341 : memref<1x128xi32, #tpu.memory_space<vmem>> -> memref<128xi32, #tpu.memory_space<vmem>>
    %dma_start3A_343 = arith.constant 0 : i32
    %dma_start3A_344 = tpu.memref_slice %arg11[%dma_start3A_338, %dma_start3A_343] : memref<32x128xi32, #tpu.memory_space<vmem>> -> memref<1x128xi32, #tpu.memory_space<vmem>>
    %dma_start3A_345 = tpu.memref_squeeze %dma_start3A_344 : memref<1x128xi32, #tpu.memory_space<vmem>> -> memref<128xi32, #tpu.memory_space<vmem>>
    %dma_start3A_346 = arith.constant 0 : i32
    %dma_start3A_347 = tpu.memref_slice %arg7[%dma_start3A_346] : memref<2097152xi32, #tpu.memory_space<hbm>> -> memref<2097152xi32, #tpu.memory_space<hbm>>
    tpu.enqueue_indirect_dma source(%dma_start3A_347 : memref<2097152xi32, #tpu.memory_space<hbm>>) target(%dma_start3A_342 : memref<128xi32, #tpu.memory_space<vmem>>) offsets(%dma_start3A_345 : memref<128xi32, #tpu.memory_space<vmem>>) semaphore(%arg30 : memref<!tpu.dma_semaphore, #tpu.memory_space<semaphore_mem>>)
    %dma_start3A_348 = arith.constant 31 : i32
    %dma_start3A_349 = arith.constant 31 : i32
    %dma_start3A_350 = arith.constant 0 : i32
    %dma_start3A_351 = tpu.memref_slice %arg12[%dma_start3A_349, %dma_start3A_350] : memref<32x128xi32, #tpu.memory_space<vmem>> -> memref<1x128xi32, #tpu.memory_space<vmem>>
    %dma_start3A_352 = tpu.memref_squeeze %dma_start3A_351 : memref<1x128xi32, #tpu.memory_space<vmem>> -> memref<128xi32, #tpu.memory_space<vmem>>
    %dma_start3A_353 = arith.constant 0 : i32
    %dma_start3A_354 = tpu.memref_slice %arg11[%dma_start3A_348, %dma_start3A_353] : memref<32x128xi32, #tpu.memory_space<vmem>> -> memref<1x128xi32, #tpu.memory_space<vmem>>
    %dma_start3A_355 = tpu.memref_squeeze %dma_start3A_354 : memref<1x128xi32, #tpu.memory_space<vmem>> -> memref<128xi32, #tpu.memory_space<vmem>>
    %dma_start3A_356 = arith.constant 0 : i32
    %dma_start3A_357 = tpu.memref_slice %arg7[%dma_start3A_356] : memref<2097152xi32, #tpu.memory_space<hbm>> -> memref<2097152xi32, #tpu.memory_space<hbm>>
    tpu.enqueue_indirect_dma source(%dma_start3A_357 : memref<2097152xi32, #tpu.memory_space<hbm>>) target(%dma_start3A_352 : memref<128xi32, #tpu.memory_space<vmem>>) offsets(%dma_start3A_355 : memref<128xi32, #tpu.memory_space<vmem>>) semaphore(%arg30 : memref<!tpu.dma_semaphore, #tpu.memory_space<semaphore_mem>>)
    %dma_wait3A = arith.constant 0 : i32
    %dma_wait3A_358 = arith.constant 0 : i32
    %dma_wait3A_359 = arith.constant 0 : i32
    %dma_wait3A_360 = tpu.memref_slice %arg12[%dma_wait3A_358, %dma_wait3A_359] : memref<32x128xi32, #tpu.memory_space<vmem>> -> memref<1x128xi32, #tpu.memory_space<vmem>>
    %dma_wait3A_361 = tpu.memref_squeeze %dma_wait3A_360 : memref<1x128xi32, #tpu.memory_space<vmem>> -> memref<128xi32, #tpu.memory_space<vmem>>
    %dma_wait3A_362 = arith.constant 0 : i32
    %dma_wait3A_363 = tpu.memref_slice %arg11[%dma_wait3A, %dma_wait3A_362] : memref<32x128xi32, #tpu.memory_space<vmem>> -> memref<1x128xi32, #tpu.memory_space<vmem>>
    %dma_wait3A_364 = tpu.memref_squeeze %dma_wait3A_363 : memref<1x128xi32, #tpu.memory_space<vmem>> -> memref<128xi32, #tpu.memory_space<vmem>>
    %dma_wait3A_365 = arith.constant 0 : i32
    %dma_wait3A_366 = tpu.memref_slice %arg7[%dma_wait3A_365] : memref<2097152xi32, #tpu.memory_space<hbm>> -> memref<2097152xi32, #tpu.memory_space<hbm>>
    tpu.wait_indirect_dma semaphore(%arg30 : memref<!tpu.dma_semaphore, #tpu.memory_space<semaphore_mem>>) src(%dma_wait3A_366 : memref<2097152xi32, #tpu.memory_space<hbm>>) dst(%dma_wait3A_361 : memref<128xi32, #tpu.memory_space<vmem>>)
    %dma_wait3A_367 = arith.constant 1 : i32
    %dma_wait3A_368 = arith.constant 1 : i32
    %dma_wait3A_369 = arith.constant 0 : i32
    %dma_wait3A_370 = tpu.memref_slice %arg12[%dma_wait3A_368, %dma_wait3A_369] : memref<32x128xi32, #tpu.memory_space<vmem>> -> memref<1x128xi32, #tpu.memory_space<vmem>>
    %dma_wait3A_371 = tpu.memref_squeeze %dma_wait3A_370 : memref<1x128xi32, #tpu.memory_space<vmem>> -> memref<128xi32, #tpu.memory_space<vmem>>
    %dma_wait3A_372 = arith.constant 0 : i32
    %dma_wait3A_373 = tpu.memref_slice %arg11[%dma_wait3A_367, %dma_wait3A_372] : memref<32x128xi32, #tpu.memory_space<vmem>> -> memref<1x128xi32, #tpu.memory_space<vmem>>
    %dma_wait3A_374 = tpu.memref_squeeze %dma_wait3A_373 : memref<1x128xi32, #tpu.memory_space<vmem>> -> memref<128xi32, #tpu.memory_space<vmem>>
    %dma_wait3A_375 = arith.constant 0 : i32
    %dma_wait3A_376 = tpu.memref_slice %arg7[%dma_wait3A_375] : memref<2097152xi32, #tpu.memory_space<hbm>> -> memref<2097152xi32, #tpu.memory_space<hbm>>
    tpu.wait_indirect_dma semaphore(%arg30 : memref<!tpu.dma_semaphore, #tpu.memory_space<semaphore_mem>>) src(%dma_wait3A_376 : memref<2097152xi32, #tpu.memory_space<hbm>>) dst(%dma_wait3A_371 : memref<128xi32, #tpu.memory_space<vmem>>)
    %dma_wait3A_377 = arith.constant 2 : i32
    %dma_wait3A_378 = arith.constant 2 : i32
    %dma_wait3A_379 = arith.constant 0 : i32
    %dma_wait3A_380 = tpu.memref_slice %arg12[%dma_wait3A_378, %dma_wait3A_379] : memref<32x128xi32, #tpu.memory_space<vmem>> -> memref<1x128xi32, #tpu.memory_space<vmem>>
    %dma_wait3A_381 = tpu.memref_squeeze %dma_wait3A_380 : memref<1x128xi32, #tpu.memory_space<vmem>> -> memref<128xi32, #tpu.memory_space<vmem>>
    %dma_wait3A_382 = arith.constant 0 : i32
    %dma_wait3A_383 = tpu.memref_slice %arg11[%dma_wait3A_377, %dma_wait3A_382] : memref<32x128xi32, #tpu.memory_space<vmem>> -> memref<1x128xi32, #tpu.memory_space<vmem>>
    %dma_wait3A_384 = tpu.memref_squeeze %dma_wait3A_383 : memref<1x128xi32, #tpu.memory_space<vmem>> -> memref<128xi32, #tpu.memory_space<vmem>>
    %dma_wait3A_385 = arith.constant 0 : i32
    %dma_wait3A_386 = tpu.memref_slice %arg7[%dma_wait3A_385] : memref<2097152xi32, #tpu.memory_space<hbm>> -> memref<2097152xi32, #tpu.memory_space<hbm>>
    tpu.wait_indirect_dma semaphore(%arg30 : memref<!tpu.dma_semaphore, #tpu.memory_space<semaphore_mem>>) src(%dma_wait3A_386 : memref<2097152xi32, #tpu.memory_space<hbm>>) dst(%dma_wait3A_381 : memref<128xi32, #tpu.memory_space<vmem>>)
    %dma_wait3A_387 = arith.constant 3 : i32
    %dma_wait3A_388 = arith.constant 3 : i32
    %dma_wait3A_389 = arith.constant 0 : i32
    %dma_wait3A_390 = tpu.memref_slice %arg12[%dma_wait3A_388, %dma_wait3A_389] : memref<32x128xi32, #tpu.memory_space<vmem>> -> memref<1x128xi32, #tpu.memory_space<vmem>>
    %dma_wait3A_391 = tpu.memref_squeeze %dma_wait3A_390 : memref<1x128xi32, #tpu.memory_space<vmem>> -> memref<128xi32, #tpu.memory_space<vmem>>
    %dma_wait3A_392 = arith.constant 0 : i32
    %dma_wait3A_393 = tpu.memref_slice %arg11[%dma_wait3A_387, %dma_wait3A_392] : memref<32x128xi32, #tpu.memory_space<vmem>> -> memref<1x128xi32, #tpu.memory_space<vmem>>
    %dma_wait3A_394 = tpu.memref_squeeze %dma_wait3A_393 : memref<1x128xi32, #tpu.memory_space<vmem>> -> memref<128xi32, #tpu.memory_space<vmem>>
    %dma_wait3A_395 = arith.constant 0 : i32
    %dma_wait3A_396 = tpu.memref_slice %arg7[%dma_wait3A_395] : memref<2097152xi32, #tpu.memory_space<hbm>> -> memref<2097152xi32, #tpu.memory_space<hbm>>
    tpu.wait_indirect_dma semaphore(%arg30 : memref<!tpu.dma_semaphore, #tpu.memory_space<semaphore_mem>>) src(%dma_wait3A_396 : memref<2097152xi32, #tpu.memory_space<hbm>>) dst(%dma_wait3A_391 : memref<128xi32, #tpu.memory_space<vmem>>)
    %dma_wait3A_397 = arith.constant 4 : i32
    %dma_wait3A_398 = arith.constant 4 : i32
    %dma_wait3A_399 = arith.constant 0 : i32
    %dma_wait3A_400 = tpu.memref_slice %arg12[%dma_wait3A_398, %dma_wait3A_399] : memref<32x128xi32, #tpu.memory_space<vmem>> -> memref<1x128xi32, #tpu.memory_space<vmem>>
    %dma_wait3A_401 = tpu.memref_squeeze %dma_wait3A_400 : memref<1x128xi32, #tpu.memory_space<vmem>> -> memref<128xi32, #tpu.memory_space<vmem>>
    %dma_wait3A_402 = arith.constant 0 : i32
    %dma_wait3A_403 = tpu.memref_slice %arg11[%dma_wait3A_397, %dma_wait3A_402] : memref<32x128xi32, #tpu.memory_space<vmem>> -> memref<1x128xi32, #tpu.memory_space<vmem>>
    %dma_wait3A_404 = tpu.memref_squeeze %dma_wait3A_403 : memref<1x128xi32, #tpu.memory_space<vmem>> -> memref<128xi32, #tpu.memory_space<vmem>>
    %dma_wait3A_405 = arith.constant 0 : i32
    %dma_wait3A_406 = tpu.memref_slice %arg7[%dma_wait3A_405] : memref<2097152xi32, #tpu.memory_space<hbm>> -> memref<2097152xi32, #tpu.memory_space<hbm>>
    tpu.wait_indirect_dma semaphore(%arg30 : memref<!tpu.dma_semaphore, #tpu.memory_space<semaphore_mem>>) src(%dma_wait3A_406 : memref<2097152xi32, #tpu.memory_space<hbm>>) dst(%dma_wait3A_401 : memref<128xi32, #tpu.memory_space<vmem>>)
    %dma_wait3A_407 = arith.constant 5 : i32
    %dma_wait3A_408 = arith.constant 5 : i32
    %dma_wait3A_409 = arith.constant 0 : i32
    %dma_wait3A_410 = tpu.memref_slice %arg12[%dma_wait3A_408, %dma_wait3A_409] : memref<32x128xi32, #tpu.memory_space<vmem>> -> memref<1x128xi32, #tpu.memory_space<vmem>>
    %dma_wait3A_411 = tpu.memref_squeeze %dma_wait3A_410 : memref<1x128xi32, #tpu.memory_space<vmem>> -> memref<128xi32, #tpu.memory_space<vmem>>
    %dma_wait3A_412 = arith.constant 0 : i32
    %dma_wait3A_413 = tpu.memref_slice %arg11[%dma_wait3A_407, %dma_wait3A_412] : memref<32x128xi32, #tpu.memory_space<vmem>> -> memref<1x128xi32, #tpu.memory_space<vmem>>
    %dma_wait3A_414 = tpu.memref_squeeze %dma_wait3A_413 : memref<1x128xi32, #tpu.memory_space<vmem>> -> memref<128xi32, #tpu.memory_space<vmem>>
    %dma_wait3A_415 = arith.constant 0 : i32
    %dma_wait3A_416 = tpu.memref_slice %arg7[%dma_wait3A_415] : memref<2097152xi32, #tpu.memory_space<hbm>> -> memref<2097152xi32, #tpu.memory_space<hbm>>
    tpu.wait_indirect_dma semaphore(%arg30 : memref<!tpu.dma_semaphore, #tpu.memory_space<semaphore_mem>>) src(%dma_wait3A_416 : memref<2097152xi32, #tpu.memory_space<hbm>>) dst(%dma_wait3A_411 : memref<128xi32, #tpu.memory_space<vmem>>)
    %dma_wait3A_417 = arith.constant 6 : i32
    %dma_wait3A_418 = arith.constant 6 : i32
    %dma_wait3A_419 = arith.constant 0 : i32
    %dma_wait3A_420 = tpu.memref_slice %arg12[%dma_wait3A_418, %dma_wait3A_419] : memref<32x128xi32, #tpu.memory_space<vmem>> -> memref<1x128xi32, #tpu.memory_space<vmem>>
    %dma_wait3A_421 = tpu.memref_squeeze %dma_wait3A_420 : memref<1x128xi32, #tpu.memory_space<vmem>> -> memref<128xi32, #tpu.memory_space<vmem>>
    %dma_wait3A_422 = arith.constant 0 : i32
    %dma_wait3A_423 = tpu.memref_slice %arg11[%dma_wait3A_417, %dma_wait3A_422] : memref<32x128xi32, #tpu.memory_space<vmem>> -> memref<1x128xi32, #tpu.memory_space<vmem>>
    %dma_wait3A_424 = tpu.memref_squeeze %dma_wait3A_423 : memref<1x128xi32, #tpu.memory_space<vmem>> -> memref<128xi32, #tpu.memory_space<vmem>>
    %dma_wait3A_425 = arith.constant 0 : i32
    %dma_wait3A_426 = tpu.memref_slice %arg7[%dma_wait3A_425] : memref<2097152xi32, #tpu.memory_space<hbm>> -> memref<2097152xi32, #tpu.memory_space<hbm>>
    tpu.wait_indirect_dma semaphore(%arg30 : memref<!tpu.dma_semaphore, #tpu.memory_space<semaphore_mem>>) src(%dma_wait3A_426 : memref<2097152xi32, #tpu.memory_space<hbm>>) dst(%dma_wait3A_421 : memref<128xi32, #tpu.memory_space<vmem>>)
    %dma_wait3A_427 = arith.constant 7 : i32
    %dma_wait3A_428 = arith.constant 7 : i32
    %dma_wait3A_429 = arith.constant 0 : i32
    %dma_wait3A_430 = tpu.memref_slice %arg12[%dma_wait3A_428, %dma_wait3A_429] : memref<32x128xi32, #tpu.memory_space<vmem>> -> memref<1x128xi32, #tpu.memory_space<vmem>>
    %dma_wait3A_431 = tpu.memref_squeeze %dma_wait3A_430 : memref<1x128xi32, #tpu.memory_space<vmem>> -> memref<128xi32, #tpu.memory_space<vmem>>
    %dma_wait3A_432 = arith.constant 0 : i32
    %dma_wait3A_433 = tpu.memref_slice %arg11[%dma_wait3A_427, %dma_wait3A_432] : memref<32x128xi32, #tpu.memory_space<vmem>> -> memref<1x128xi32, #tpu.memory_space<vmem>>
    %dma_wait3A_434 = tpu.memref_squeeze %dma_wait3A_433 : memref<1x128xi32, #tpu.memory_space<vmem>> -> memref<128xi32, #tpu.memory_space<vmem>>
    %dma_wait3A_435 = arith.constant 0 : i32
    %dma_wait3A_436 = tpu.memref_slice %arg7[%dma_wait3A_435] : memref<2097152xi32, #tpu.memory_space<hbm>> -> memref<2097152xi32, #tpu.memory_space<hbm>>
    tpu.wait_indirect_dma semaphore(%arg30 : memref<!tpu.dma_semaphore, #tpu.memory_space<semaphore_mem>>) src(%dma_wait3A_436 : memref<2097152xi32, #tpu.memory_space<hbm>>) dst(%dma_wait3A_431 : memref<128xi32, #tpu.memory_space<vmem>>)
    %dma_wait3A_437 = arith.constant 8 : i32
    %dma_wait3A_438 = arith.constant 8 : i32
    %dma_wait3A_439 = arith.constant 0 : i32
    %dma_wait3A_440 = tpu.memref_slice %arg12[%dma_wait3A_438, %dma_wait3A_439] : memref<32x128xi32, #tpu.memory_space<vmem>> -> memref<1x128xi32, #tpu.memory_space<vmem>>
    %dma_wait3A_441 = tpu.memref_squeeze %dma_wait3A_440 : memref<1x128xi32, #tpu.memory_space<vmem>> -> memref<128xi32, #tpu.memory_space<vmem>>
    %dma_wait3A_442 = arith.constant 0 : i32
    %dma_wait3A_443 = tpu.memref_slice %arg11[%dma_wait3A_437, %dma_wait3A_442] : memref<32x128xi32, #tpu.memory_space<vmem>> -> memref<1x128xi32, #tpu.memory_space<vmem>>
    %dma_wait3A_444 = tpu.memref_squeeze %dma_wait3A_443 : memref<1x128xi32, #tpu.memory_space<vmem>> -> memref<128xi32, #tpu.memory_space<vmem>>
    %dma_wait3A_445 = arith.constant 0 : i32
    %dma_wait3A_446 = tpu.memref_slice %arg7[%dma_wait3A_445] : memref<2097152xi32, #tpu.memory_space<hbm>> -> memref<2097152xi32, #tpu.memory_space<hbm>>
    tpu.wait_indirect_dma semaphore(%arg30 : memref<!tpu.dma_semaphore, #tpu.memory_space<semaphore_mem>>) src(%dma_wait3A_446 : memref<2097152xi32, #tpu.memory_space<hbm>>) dst(%dma_wait3A_441 : memref<128xi32, #tpu.memory_space<vmem>>)
    %dma_wait3A_447 = arith.constant 9 : i32
    %dma_wait3A_448 = arith.constant 9 : i32
    %dma_wait3A_449 = arith.constant 0 : i32
    %dma_wait3A_450 = tpu.memref_slice %arg12[%dma_wait3A_448, %dma_wait3A_449] : memref<32x128xi32, #tpu.memory_space<vmem>> -> memref<1x128xi32, #tpu.memory_space<vmem>>
    %dma_wait3A_451 = tpu.memref_squeeze %dma_wait3A_450 : memref<1x128xi32, #tpu.memory_space<vmem>> -> memref<128xi32, #tpu.memory_space<vmem>>
    %dma_wait3A_452 = arith.constant 0 : i32
    %dma_wait3A_453 = tpu.memref_slice %arg11[%dma_wait3A_447, %dma_wait3A_452] : memref<32x128xi32, #tpu.memory_space<vmem>> -> memref<1x128xi32, #tpu.memory_space<vmem>>
    %dma_wait3A_454 = tpu.memref_squeeze %dma_wait3A_453 : memref<1x128xi32, #tpu.memory_space<vmem>> -> memref<128xi32, #tpu.memory_space<vmem>>
    %dma_wait3A_455 = arith.constant 0 : i32
    %dma_wait3A_456 = tpu.memref_slice %arg7[%dma_wait3A_455] : memref<2097152xi32, #tpu.memory_space<hbm>> -> memref<2097152xi32, #tpu.memory_space<hbm>>
    tpu.wait_indirect_dma semaphore(%arg30 : memref<!tpu.dma_semaphore, #tpu.memory_space<semaphore_mem>>) src(%dma_wait3A_456 : memref<2097152xi32, #tpu.memory_space<hbm>>) dst(%dma_wait3A_451 : memref<128xi32, #tpu.memory_space<vmem>>)
    %dma_wait3A_457 = arith.constant 10 : i32
    %dma_wait3A_458 = arith.constant 10 : i32
    %dma_wait3A_459 = arith.constant 0 : i32
    %dma_wait3A_460 = tpu.memref_slice %arg12[%dma_wait3A_458, %dma_wait3A_459] : memref<32x128xi32, #tpu.memory_space<vmem>> -> memref<1x128xi32, #tpu.memory_space<vmem>>
    %dma_wait3A_461 = tpu.memref_squeeze %dma_wait3A_460 : memref<1x128xi32, #tpu.memory_space<vmem>> -> memref<128xi32, #tpu.memory_space<vmem>>
    %dma_wait3A_462 = arith.constant 0 : i32
    %dma_wait3A_463 = tpu.memref_slice %arg11[%dma_wait3A_457, %dma_wait3A_462] : memref<32x128xi32, #tpu.memory_space<vmem>> -> memref<1x128xi32, #tpu.memory_space<vmem>>
    %dma_wait3A_464 = tpu.memref_squeeze %dma_wait3A_463 : memref<1x128xi32, #tpu.memory_space<vmem>> -> memref<128xi32, #tpu.memory_space<vmem>>
    %dma_wait3A_465 = arith.constant 0 : i32
    %dma_wait3A_466 = tpu.memref_slice %arg7[%dma_wait3A_465] : memref<2097152xi32, #tpu.memory_space<hbm>> -> memref<2097152xi32, #tpu.memory_space<hbm>>
    tpu.wait_indirect_dma semaphore(%arg30 : memref<!tpu.dma_semaphore, #tpu.memory_space<semaphore_mem>>) src(%dma_wait3A_466 : memref<2097152xi32, #tpu.memory_space<hbm>>) dst(%dma_wait3A_461 : memref<128xi32, #tpu.memory_space<vmem>>)
    %dma_wait3A_467 = arith.constant 11 : i32
    %dma_wait3A_468 = arith.constant 11 : i32
    %dma_wait3A_469 = arith.constant 0 : i32
    %dma_wait3A_470 = tpu.memref_slice %arg12[%dma_wait3A_468, %dma_wait3A_469] : memref<32x128xi32, #tpu.memory_space<vmem>> -> memref<1x128xi32, #tpu.memory_space<vmem>>
    %dma_wait3A_471 = tpu.memref_squeeze %dma_wait3A_470 : memref<1x128xi32, #tpu.memory_space<vmem>> -> memref<128xi32, #tpu.memory_space<vmem>>
    %dma_wait3A_472 = arith.constant 0 : i32
    %dma_wait3A_473 = tpu.memref_slice %arg11[%dma_wait3A_467, %dma_wait3A_472] : memref<32x128xi32, #tpu.memory_space<vmem>> -> memref<1x128xi32, #tpu.memory_space<vmem>>
    %dma_wait3A_474 = tpu.memref_squeeze %dma_wait3A_473 : memref<1x128xi32, #tpu.memory_space<vmem>> -> memref<128xi32, #tpu.memory_space<vmem>>
    %dma_wait3A_475 = arith.constant 0 : i32
    %dma_wait3A_476 = tpu.memref_slice %arg7[%dma_wait3A_475] : memref<2097152xi32, #tpu.memory_space<hbm>> -> memref<2097152xi32, #tpu.memory_space<hbm>>
    tpu.wait_indirect_dma semaphore(%arg30 : memref<!tpu.dma_semaphore, #tpu.memory_space<semaphore_mem>>) src(%dma_wait3A_476 : memref<2097152xi32, #tpu.memory_space<hbm>>) dst(%dma_wait3A_471 : memref<128xi32, #tpu.memory_space<vmem>>)
    %dma_wait3A_477 = arith.constant 12 : i32
    %dma_wait3A_478 = arith.constant 12 : i32
    %dma_wait3A_479 = arith.constant 0 : i32
    %dma_wait3A_480 = tpu.memref_slice %arg12[%dma_wait3A_478, %dma_wait3A_479] : memref<32x128xi32, #tpu.memory_space<vmem>> -> memref<1x128xi32, #tpu.memory_space<vmem>>
    %dma_wait3A_481 = tpu.memref_squeeze %dma_wait3A_480 : memref<1x128xi32, #tpu.memory_space<vmem>> -> memref<128xi32, #tpu.memory_space<vmem>>
    %dma_wait3A_482 = arith.constant 0 : i32
    %dma_wait3A_483 = tpu.memref_slice %arg11[%dma_wait3A_477, %dma_wait3A_482] : memref<32x128xi32, #tpu.memory_space<vmem>> -> memref<1x128xi32, #tpu.memory_space<vmem>>
    %dma_wait3A_484 = tpu.memref_squeeze %dma_wait3A_483 : memref<1x128xi32, #tpu.memory_space<vmem>> -> memref<128xi32, #tpu.memory_space<vmem>>
    %dma_wait3A_485 = arith.constant 0 : i32
    %dma_wait3A_486 = tpu.memref_slice %arg7[%dma_wait3A_485] : memref<2097152xi32, #tpu.memory_space<hbm>> -> memref<2097152xi32, #tpu.memory_space<hbm>>
    tpu.wait_indirect_dma semaphore(%arg30 : memref<!tpu.dma_semaphore, #tpu.memory_space<semaphore_mem>>) src(%dma_wait3A_486 : memref<2097152xi32, #tpu.memory_space<hbm>>) dst(%dma_wait3A_481 : memref<128xi32, #tpu.memory_space<vmem>>)
    %dma_wait3A_487 = arith.constant 13 : i32
    %dma_wait3A_488 = arith.constant 13 : i32
    %dma_wait3A_489 = arith.constant 0 : i32
    %dma_wait3A_490 = tpu.memref_slice %arg12[%dma_wait3A_488, %dma_wait3A_489] : memref<32x128xi32, #tpu.memory_space<vmem>> -> memref<1x128xi32, #tpu.memory_space<vmem>>
    %dma_wait3A_491 = tpu.memref_squeeze %dma_wait3A_490 : memref<1x128xi32, #tpu.memory_space<vmem>> -> memref<128xi32, #tpu.memory_space<vmem>>
    %dma_wait3A_492 = arith.constant 0 : i32
    %dma_wait3A_493 = tpu.memref_slice %arg11[%dma_wait3A_487, %dma_wait3A_492] : memref<32x128xi32, #tpu.memory_space<vmem>> -> memref<1x128xi32, #tpu.memory_space<vmem>>
    %dma_wait3A_494 = tpu.memref_squeeze %dma_wait3A_493 : memref<1x128xi32, #tpu.memory_space<vmem>> -> memref<128xi32, #tpu.memory_space<vmem>>
    %dma_wait3A_495 = arith.constant 0 : i32
    %dma_wait3A_496 = tpu.memref_slice %arg7[%dma_wait3A_495] : memref<2097152xi32, #tpu.memory_space<hbm>> -> memref<2097152xi32, #tpu.memory_space<hbm>>
    tpu.wait_indirect_dma semaphore(%arg30 : memref<!tpu.dma_semaphore, #tpu.memory_space<semaphore_mem>>) src(%dma_wait3A_496 : memref<2097152xi32, #tpu.memory_space<hbm>>) dst(%dma_wait3A_491 : memref<128xi32, #tpu.memory_space<vmem>>)
    %dma_wait3A_497 = arith.constant 14 : i32
    %dma_wait3A_498 = arith.constant 14 : i32
    %dma_wait3A_499 = arith.constant 0 : i32
    %dma_wait3A_500 = tpu.memref_slice %arg12[%dma_wait3A_498, %dma_wait3A_499] : memref<32x128xi32, #tpu.memory_space<vmem>> -> memref<1x128xi32, #tpu.memory_space<vmem>>
    %dma_wait3A_501 = tpu.memref_squeeze %dma_wait3A_500 : memref<1x128xi32, #tpu.memory_space<vmem>> -> memref<128xi32, #tpu.memory_space<vmem>>
    %dma_wait3A_502 = arith.constant 0 : i32
    %dma_wait3A_503 = tpu.memref_slice %arg11[%dma_wait3A_497, %dma_wait3A_502] : memref<32x128xi32, #tpu.memory_space<vmem>> -> memref<1x128xi32, #tpu.memory_space<vmem>>
    %dma_wait3A_504 = tpu.memref_squeeze %dma_wait3A_503 : memref<1x128xi32, #tpu.memory_space<vmem>> -> memref<128xi32, #tpu.memory_space<vmem>>
    %dma_wait3A_505 = arith.constant 0 : i32
    %dma_wait3A_506 = tpu.memref_slice %arg7[%dma_wait3A_505] : memref<2097152xi32, #tpu.memory_space<hbm>> -> memref<2097152xi32, #tpu.memory_space<hbm>>
    tpu.wait_indirect_dma semaphore(%arg30 : memref<!tpu.dma_semaphore, #tpu.memory_space<semaphore_mem>>) src(%dma_wait3A_506 : memref<2097152xi32, #tpu.memory_space<hbm>>) dst(%dma_wait3A_501 : memref<128xi32, #tpu.memory_space<vmem>>)
    %dma_wait3A_507 = arith.constant 15 : i32
    %dma_wait3A_508 = arith.constant 15 : i32
    %dma_wait3A_509 = arith.constant 0 : i32
    %dma_wait3A_510 = tpu.memref_slice %arg12[%dma_wait3A_508, %dma_wait3A_509] : memref<32x128xi32, #tpu.memory_space<vmem>> -> memref<1x128xi32, #tpu.memory_space<vmem>>
    %dma_wait3A_511 = tpu.memref_squeeze %dma_wait3A_510 : memref<1x128xi32, #tpu.memory_space<vmem>> -> memref<128xi32, #tpu.memory_space<vmem>>
    %dma_wait3A_512 = arith.constant 0 : i32
    %dma_wait3A_513 = tpu.memref_slice %arg11[%dma_wait3A_507, %dma_wait3A_512] : memref<32x128xi32, #tpu.memory_space<vmem>> -> memref<1x128xi32, #tpu.memory_space<vmem>>
    %dma_wait3A_514 = tpu.memref_squeeze %dma_wait3A_513 : memref<1x128xi32, #tpu.memory_space<vmem>> -> memref<128xi32, #tpu.memory_space<vmem>>
    %dma_wait3A_515 = arith.constant 0 : i32
    %dma_wait3A_516 = tpu.memref_slice %arg7[%dma_wait3A_515] : memref<2097152xi32, #tpu.memory_space<hbm>> -> memref<2097152xi32, #tpu.memory_space<hbm>>
    tpu.wait_indirect_dma semaphore(%arg30 : memref<!tpu.dma_semaphore, #tpu.memory_space<semaphore_mem>>) src(%dma_wait3A_516 : memref<2097152xi32, #tpu.memory_space<hbm>>) dst(%dma_wait3A_511 : memref<128xi32, #tpu.memory_space<vmem>>)
    %dma_wait3A_517 = arith.constant 16 : i32
    %dma_wait3A_518 = arith.constant 16 : i32
    %dma_wait3A_519 = arith.constant 0 : i32
    %dma_wait3A_520 = tpu.memref_slice %arg12[%dma_wait3A_518, %dma_wait3A_519] : memref<32x128xi32, #tpu.memory_space<vmem>> -> memref<1x128xi32, #tpu.memory_space<vmem>>
    %dma_wait3A_521 = tpu.memref_squeeze %dma_wait3A_520 : memref<1x128xi32, #tpu.memory_space<vmem>> -> memref<128xi32, #tpu.memory_space<vmem>>
    %dma_wait3A_522 = arith.constant 0 : i32
    %dma_wait3A_523 = tpu.memref_slice %arg11[%dma_wait3A_517, %dma_wait3A_522] : memref<32x128xi32, #tpu.memory_space<vmem>> -> memref<1x128xi32, #tpu.memory_space<vmem>>
    %dma_wait3A_524 = tpu.memref_squeeze %dma_wait3A_523 : memref<1x128xi32, #tpu.memory_space<vmem>> -> memref<128xi32, #tpu.memory_space<vmem>>
    %dma_wait3A_525 = arith.constant 0 : i32
    %dma_wait3A_526 = tpu.memref_slice %arg7[%dma_wait3A_525] : memref<2097152xi32, #tpu.memory_space<hbm>> -> memref<2097152xi32, #tpu.memory_space<hbm>>
    tpu.wait_indirect_dma semaphore(%arg30 : memref<!tpu.dma_semaphore, #tpu.memory_space<semaphore_mem>>) src(%dma_wait3A_526 : memref<2097152xi32, #tpu.memory_space<hbm>>) dst(%dma_wait3A_521 : memref<128xi32, #tpu.memory_space<vmem>>)
    %dma_wait3A_527 = arith.constant 17 : i32
    %dma_wait3A_528 = arith.constant 17 : i32
    %dma_wait3A_529 = arith.constant 0 : i32
    %dma_wait3A_530 = tpu.memref_slice %arg12[%dma_wait3A_528, %dma_wait3A_529] : memref<32x128xi32, #tpu.memory_space<vmem>> -> memref<1x128xi32, #tpu.memory_space<vmem>>
    %dma_wait3A_531 = tpu.memref_squeeze %dma_wait3A_530 : memref<1x128xi32, #tpu.memory_space<vmem>> -> memref<128xi32, #tpu.memory_space<vmem>>
    %dma_wait3A_532 = arith.constant 0 : i32
    %dma_wait3A_533 = tpu.memref_slice %arg11[%dma_wait3A_527, %dma_wait3A_532] : memref<32x128xi32, #tpu.memory_space<vmem>> -> memref<1x128xi32, #tpu.memory_space<vmem>>
    %dma_wait3A_534 = tpu.memref_squeeze %dma_wait3A_533 : memref<1x128xi32, #tpu.memory_space<vmem>> -> memref<128xi32, #tpu.memory_space<vmem>>
    %dma_wait3A_535 = arith.constant 0 : i32
    %dma_wait3A_536 = tpu.memref_slice %arg7[%dma_wait3A_535] : memref<2097152xi32, #tpu.memory_space<hbm>> -> memref<2097152xi32, #tpu.memory_space<hbm>>
    tpu.wait_indirect_dma semaphore(%arg30 : memref<!tpu.dma_semaphore, #tpu.memory_space<semaphore_mem>>) src(%dma_wait3A_536 : memref<2097152xi32, #tpu.memory_space<hbm>>) dst(%dma_wait3A_531 : memref<128xi32, #tpu.memory_space<vmem>>)
    %dma_wait3A_537 = arith.constant 18 : i32
    %dma_wait3A_538 = arith.constant 18 : i32
    %dma_wait3A_539 = arith.constant 0 : i32
    %dma_wait3A_540 = tpu.memref_slice %arg12[%dma_wait3A_538, %dma_wait3A_539] : memref<32x128xi32, #tpu.memory_space<vmem>> -> memref<1x128xi32, #tpu.memory_space<vmem>>
    %dma_wait3A_541 = tpu.memref_squeeze %dma_wait3A_540 : memref<1x128xi32, #tpu.memory_space<vmem>> -> memref<128xi32, #tpu.memory_space<vmem>>
    %dma_wait3A_542 = arith.constant 0 : i32
    %dma_wait3A_543 = tpu.memref_slice %arg11[%dma_wait3A_537, %dma_wait3A_542] : memref<32x128xi32, #tpu.memory_space<vmem>> -> memref<1x128xi32, #tpu.memory_space<vmem>>
    %dma_wait3A_544 = tpu.memref_squeeze %dma_wait3A_543 : memref<1x128xi32, #tpu.memory_space<vmem>> -> memref<128xi32, #tpu.memory_space<vmem>>
    %dma_wait3A_545 = arith.constant 0 : i32
    %dma_wait3A_546 = tpu.memref_slice %arg7[%dma_wait3A_545] : memref<2097152xi32, #tpu.memory_space<hbm>> -> memref<2097152xi32, #tpu.memory_space<hbm>>
    tpu.wait_indirect_dma semaphore(%arg30 : memref<!tpu.dma_semaphore, #tpu.memory_space<semaphore_mem>>) src(%dma_wait3A_546 : memref<2097152xi32, #tpu.memory_space<hbm>>) dst(%dma_wait3A_541 : memref<128xi32, #tpu.memory_space<vmem>>)
    %dma_wait3A_547 = arith.constant 19 : i32
    %dma_wait3A_548 = arith.constant 19 : i32
    %dma_wait3A_549 = arith.constant 0 : i32
    %dma_wait3A_550 = tpu.memref_slice %arg12[%dma_wait3A_548, %dma_wait3A_549] : memref<32x128xi32, #tpu.memory_space<vmem>> -> memref<1x128xi32, #tpu.memory_space<vmem>>
    %dma_wait3A_551 = tpu.memref_squeeze %dma_wait3A_550 : memref<1x128xi32, #tpu.memory_space<vmem>> -> memref<128xi32, #tpu.memory_space<vmem>>
    %dma_wait3A_552 = arith.constant 0 : i32
    %dma_wait3A_553 = tpu.memref_slice %arg11[%dma_wait3A_547, %dma_wait3A_552] : memref<32x128xi32, #tpu.memory_space<vmem>> -> memref<1x128xi32, #tpu.memory_space<vmem>>
    %dma_wait3A_554 = tpu.memref_squeeze %dma_wait3A_553 : memref<1x128xi32, #tpu.memory_space<vmem>> -> memref<128xi32, #tpu.memory_space<vmem>>
    %dma_wait3A_555 = arith.constant 0 : i32
    %dma_wait3A_556 = tpu.memref_slice %arg7[%dma_wait3A_555] : memref<2097152xi32, #tpu.memory_space<hbm>> -> memref<2097152xi32, #tpu.memory_space<hbm>>
    tpu.wait_indirect_dma semaphore(%arg30 : memref<!tpu.dma_semaphore, #tpu.memory_space<semaphore_mem>>) src(%dma_wait3A_556 : memref<2097152xi32, #tpu.memory_space<hbm>>) dst(%dma_wait3A_551 : memref<128xi32, #tpu.memory_space<vmem>>)
    %dma_wait3A_557 = arith.constant 20 : i32
    %dma_wait3A_558 = arith.constant 20 : i32
    %dma_wait3A_559 = arith.constant 0 : i32
    %dma_wait3A_560 = tpu.memref_slice %arg12[%dma_wait3A_558, %dma_wait3A_559] : memref<32x128xi32, #tpu.memory_space<vmem>> -> memref<1x128xi32, #tpu.memory_space<vmem>>
    %dma_wait3A_561 = tpu.memref_squeeze %dma_wait3A_560 : memref<1x128xi32, #tpu.memory_space<vmem>> -> memref<128xi32, #tpu.memory_space<vmem>>
    %dma_wait3A_562 = arith.constant 0 : i32
    %dma_wait3A_563 = tpu.memref_slice %arg11[%dma_wait3A_557, %dma_wait3A_562] : memref<32x128xi32, #tpu.memory_space<vmem>> -> memref<1x128xi32, #tpu.memory_space<vmem>>
    %dma_wait3A_564 = tpu.memref_squeeze %dma_wait3A_563 : memref<1x128xi32, #tpu.memory_space<vmem>> -> memref<128xi32, #tpu.memory_space<vmem>>
    %dma_wait3A_565 = arith.constant 0 : i32
    %dma_wait3A_566 = tpu.memref_slice %arg7[%dma_wait3A_565] : memref<2097152xi32, #tpu.memory_space<hbm>> -> memref<2097152xi32, #tpu.memory_space<hbm>>
    tpu.wait_indirect_dma semaphore(%arg30 : memref<!tpu.dma_semaphore, #tpu.memory_space<semaphore_mem>>) src(%dma_wait3A_566 : memref<2097152xi32, #tpu.memory_space<hbm>>) dst(%dma_wait3A_561 : memref<128xi32, #tpu.memory_space<vmem>>)
    %dma_wait3A_567 = arith.constant 21 : i32
    %dma_wait3A_568 = arith.constant 21 : i32
    %dma_wait3A_569 = arith.constant 0 : i32
    %dma_wait3A_570 = tpu.memref_slice %arg12[%dma_wait3A_568, %dma_wait3A_569] : memref<32x128xi32, #tpu.memory_space<vmem>> -> memref<1x128xi32, #tpu.memory_space<vmem>>
    %dma_wait3A_571 = tpu.memref_squeeze %dma_wait3A_570 : memref<1x128xi32, #tpu.memory_space<vmem>> -> memref<128xi32, #tpu.memory_space<vmem>>
    %dma_wait3A_572 = arith.constant 0 : i32
    %dma_wait3A_573 = tpu.memref_slice %arg11[%dma_wait3A_567, %dma_wait3A_572] : memref<32x128xi32, #tpu.memory_space<vmem>> -> memref<1x128xi32, #tpu.memory_space<vmem>>
    %dma_wait3A_574 = tpu.memref_squeeze %dma_wait3A_573 : memref<1x128xi32, #tpu.memory_space<vmem>> -> memref<128xi32, #tpu.memory_space<vmem>>
    %dma_wait3A_575 = arith.constant 0 : i32
    %dma_wait3A_576 = tpu.memref_slice %arg7[%dma_wait3A_575] : memref<2097152xi32, #tpu.memory_space<hbm>> -> memref<2097152xi32, #tpu.memory_space<hbm>>
    tpu.wait_indirect_dma semaphore(%arg30 : memref<!tpu.dma_semaphore, #tpu.memory_space<semaphore_mem>>) src(%dma_wait3A_576 : memref<2097152xi32, #tpu.memory_space<hbm>>) dst(%dma_wait3A_571 : memref<128xi32, #tpu.memory_space<vmem>>)
    %dma_wait3A_577 = arith.constant 22 : i32
    %dma_wait3A_578 = arith.constant 22 : i32
    %dma_wait3A_579 = arith.constant 0 : i32
    %dma_wait3A_580 = tpu.memref_slice %arg12[%dma_wait3A_578, %dma_wait3A_579] : memref<32x128xi32, #tpu.memory_space<vmem>> -> memref<1x128xi32, #tpu.memory_space<vmem>>
    %dma_wait3A_581 = tpu.memref_squeeze %dma_wait3A_580 : memref<1x128xi32, #tpu.memory_space<vmem>> -> memref<128xi32, #tpu.memory_space<vmem>>
    %dma_wait3A_582 = arith.constant 0 : i32
    %dma_wait3A_583 = tpu.memref_slice %arg11[%dma_wait3A_577, %dma_wait3A_582] : memref<32x128xi32, #tpu.memory_space<vmem>> -> memref<1x128xi32, #tpu.memory_space<vmem>>
    %dma_wait3A_584 = tpu.memref_squeeze %dma_wait3A_583 : memref<1x128xi32, #tpu.memory_space<vmem>> -> memref<128xi32, #tpu.memory_space<vmem>>
    %dma_wait3A_585 = arith.constant 0 : i32
    %dma_wait3A_586 = tpu.memref_slice %arg7[%dma_wait3A_585] : memref<2097152xi32, #tpu.memory_space<hbm>> -> memref<2097152xi32, #tpu.memory_space<hbm>>
    tpu.wait_indirect_dma semaphore(%arg30 : memref<!tpu.dma_semaphore, #tpu.memory_space<semaphore_mem>>) src(%dma_wait3A_586 : memref<2097152xi32, #tpu.memory_space<hbm>>) dst(%dma_wait3A_581 : memref<128xi32, #tpu.memory_space<vmem>>)
    %dma_wait3A_587 = arith.constant 23 : i32
    %dma_wait3A_588 = arith.constant 23 : i32
    %dma_wait3A_589 = arith.constant 0 : i32
    %dma_wait3A_590 = tpu.memref_slice %arg12[%dma_wait3A_588, %dma_wait3A_589] : memref<32x128xi32, #tpu.memory_space<vmem>> -> memref<1x128xi32, #tpu.memory_space<vmem>>
    %dma_wait3A_591 = tpu.memref_squeeze %dma_wait3A_590 : memref<1x128xi32, #tpu.memory_space<vmem>> -> memref<128xi32, #tpu.memory_space<vmem>>
    %dma_wait3A_592 = arith.constant 0 : i32
    %dma_wait3A_593 = tpu.memref_slice %arg11[%dma_wait3A_587, %dma_wait3A_592] : memref<32x128xi32, #tpu.memory_space<vmem>> -> memref<1x128xi32, #tpu.memory_space<vmem>>
    %dma_wait3A_594 = tpu.memref_squeeze %dma_wait3A_593 : memref<1x128xi32, #tpu.memory_space<vmem>> -> memref<128xi32, #tpu.memory_space<vmem>>
    %dma_wait3A_595 = arith.constant 0 : i32
    %dma_wait3A_596 = tpu.memref_slice %arg7[%dma_wait3A_595] : memref<2097152xi32, #tpu.memory_space<hbm>> -> memref<2097152xi32, #tpu.memory_space<hbm>>
    tpu.wait_indirect_dma semaphore(%arg30 : memref<!tpu.dma_semaphore, #tpu.memory_space<semaphore_mem>>) src(%dma_wait3A_596 : memref<2097152xi32, #tpu.memory_space<hbm>>) dst(%dma_wait3A_591 : memref<128xi32, #tpu.memory_space<vmem>>)
    %dma_wait3A_597 = arith.constant 24 : i32
    %dma_wait3A_598 = arith.constant 24 : i32
    %dma_wait3A_599 = arith.constant 0 : i32
    %dma_wait3A_600 = tpu.memref_slice %arg12[%dma_wait3A_598, %dma_wait3A_599] : memref<32x128xi32, #tpu.memory_space<vmem>> -> memref<1x128xi32, #tpu.memory_space<vmem>>
    %dma_wait3A_601 = tpu.memref_squeeze %dma_wait3A_600 : memref<1x128xi32, #tpu.memory_space<vmem>> -> memref<128xi32, #tpu.memory_space<vmem>>
    %dma_wait3A_602 = arith.constant 0 : i32
    %dma_wait3A_603 = tpu.memref_slice %arg11[%dma_wait3A_597, %dma_wait3A_602] : memref<32x128xi32, #tpu.memory_space<vmem>> -> memref<1x128xi32, #tpu.memory_space<vmem>>
    %dma_wait3A_604 = tpu.memref_squeeze %dma_wait3A_603 : memref<1x128xi32, #tpu.memory_space<vmem>> -> memref<128xi32, #tpu.memory_space<vmem>>
    %dma_wait3A_605 = arith.constant 0 : i32
    %dma_wait3A_606 = tpu.memref_slice %arg7[%dma_wait3A_605] : memref<2097152xi32, #tpu.memory_space<hbm>> -> memref<2097152xi32, #tpu.memory_space<hbm>>
    tpu.wait_indirect_dma semaphore(%arg30 : memref<!tpu.dma_semaphore, #tpu.memory_space<semaphore_mem>>) src(%dma_wait3A_606 : memref<2097152xi32, #tpu.memory_space<hbm>>) dst(%dma_wait3A_601 : memref<128xi32, #tpu.memory_space<vmem>>)
    %dma_wait3A_607 = arith.constant 25 : i32
    %dma_wait3A_608 = arith.constant 25 : i32
    %dma_wait3A_609 = arith.constant 0 : i32
    %dma_wait3A_610 = tpu.memref_slice %arg12[%dma_wait3A_608, %dma_wait3A_609] : memref<32x128xi32, #tpu.memory_space<vmem>> -> memref<1x128xi32, #tpu.memory_space<vmem>>
    %dma_wait3A_611 = tpu.memref_squeeze %dma_wait3A_610 : memref<1x128xi32, #tpu.memory_space<vmem>> -> memref<128xi32, #tpu.memory_space<vmem>>
    %dma_wait3A_612 = arith.constant 0 : i32
    %dma_wait3A_613 = tpu.memref_slice %arg11[%dma_wait3A_607, %dma_wait3A_612] : memref<32x128xi32, #tpu.memory_space<vmem>> -> memref<1x128xi32, #tpu.memory_space<vmem>>
    %dma_wait3A_614 = tpu.memref_squeeze %dma_wait3A_613 : memref<1x128xi32, #tpu.memory_space<vmem>> -> memref<128xi32, #tpu.memory_space<vmem>>
    %dma_wait3A_615 = arith.constant 0 : i32
    %dma_wait3A_616 = tpu.memref_slice %arg7[%dma_wait3A_615] : memref<2097152xi32, #tpu.memory_space<hbm>> -> memref<2097152xi32, #tpu.memory_space<hbm>>
    tpu.wait_indirect_dma semaphore(%arg30 : memref<!tpu.dma_semaphore, #tpu.memory_space<semaphore_mem>>) src(%dma_wait3A_616 : memref<2097152xi32, #tpu.memory_space<hbm>>) dst(%dma_wait3A_611 : memref<128xi32, #tpu.memory_space<vmem>>)
    %dma_wait3A_617 = arith.constant 26 : i32
    %dma_wait3A_618 = arith.constant 26 : i32
    %dma_wait3A_619 = arith.constant 0 : i32
    %dma_wait3A_620 = tpu.memref_slice %arg12[%dma_wait3A_618, %dma_wait3A_619] : memref<32x128xi32, #tpu.memory_space<vmem>> -> memref<1x128xi32, #tpu.memory_space<vmem>>
    %dma_wait3A_621 = tpu.memref_squeeze %dma_wait3A_620 : memref<1x128xi32, #tpu.memory_space<vmem>> -> memref<128xi32, #tpu.memory_space<vmem>>
    %dma_wait3A_622 = arith.constant 0 : i32
    %dma_wait3A_623 = tpu.memref_slice %arg11[%dma_wait3A_617, %dma_wait3A_622] : memref<32x128xi32, #tpu.memory_space<vmem>> -> memref<1x128xi32, #tpu.memory_space<vmem>>
    %dma_wait3A_624 = tpu.memref_squeeze %dma_wait3A_623 : memref<1x128xi32, #tpu.memory_space<vmem>> -> memref<128xi32, #tpu.memory_space<vmem>>
    %dma_wait3A_625 = arith.constant 0 : i32
    %dma_wait3A_626 = tpu.memref_slice %arg7[%dma_wait3A_625] : memref<2097152xi32, #tpu.memory_space<hbm>> -> memref<2097152xi32, #tpu.memory_space<hbm>>
    tpu.wait_indirect_dma semaphore(%arg30 : memref<!tpu.dma_semaphore, #tpu.memory_space<semaphore_mem>>) src(%dma_wait3A_626 : memref<2097152xi32, #tpu.memory_space<hbm>>) dst(%dma_wait3A_621 : memref<128xi32, #tpu.memory_space<vmem>>)
    %dma_wait3A_627 = arith.constant 27 : i32
    %dma_wait3A_628 = arith.constant 27 : i32
    %dma_wait3A_629 = arith.constant 0 : i32
    %dma_wait3A_630 = tpu.memref_slice %arg12[%dma_wait3A_628, %dma_wait3A_629] : memref<32x128xi32, #tpu.memory_space<vmem>> -> memref<1x128xi32, #tpu.memory_space<vmem>>
    %dma_wait3A_631 = tpu.memref_squeeze %dma_wait3A_630 : memref<1x128xi32, #tpu.memory_space<vmem>> -> memref<128xi32, #tpu.memory_space<vmem>>
    %dma_wait3A_632 = arith.constant 0 : i32
    %dma_wait3A_633 = tpu.memref_slice %arg11[%dma_wait3A_627, %dma_wait3A_632] : memref<32x128xi32, #tpu.memory_space<vmem>> -> memref<1x128xi32, #tpu.memory_space<vmem>>
    %dma_wait3A_634 = tpu.memref_squeeze %dma_wait3A_633 : memref<1x128xi32, #tpu.memory_space<vmem>> -> memref<128xi32, #tpu.memory_space<vmem>>
    %dma_wait3A_635 = arith.constant 0 : i32
    %dma_wait3A_636 = tpu.memref_slice %arg7[%dma_wait3A_635] : memref<2097152xi32, #tpu.memory_space<hbm>> -> memref<2097152xi32, #tpu.memory_space<hbm>>
    tpu.wait_indirect_dma semaphore(%arg30 : memref<!tpu.dma_semaphore, #tpu.memory_space<semaphore_mem>>) src(%dma_wait3A_636 : memref<2097152xi32, #tpu.memory_space<hbm>>) dst(%dma_wait3A_631 : memref<128xi32, #tpu.memory_space<vmem>>)
    %dma_wait3A_637 = arith.constant 28 : i32
    %dma_wait3A_638 = arith.constant 28 : i32
    %dma_wait3A_639 = arith.constant 0 : i32
    %dma_wait3A_640 = tpu.memref_slice %arg12[%dma_wait3A_638, %dma_wait3A_639] : memref<32x128xi32, #tpu.memory_space<vmem>> -> memref<1x128xi32, #tpu.memory_space<vmem>>
    %dma_wait3A_641 = tpu.memref_squeeze %dma_wait3A_640 : memref<1x128xi32, #tpu.memory_space<vmem>> -> memref<128xi32, #tpu.memory_space<vmem>>
    %dma_wait3A_642 = arith.constant 0 : i32
    %dma_wait3A_643 = tpu.memref_slice %arg11[%dma_wait3A_637, %dma_wait3A_642] : memref<32x128xi32, #tpu.memory_space<vmem>> -> memref<1x128xi32, #tpu.memory_space<vmem>>
    %dma_wait3A_644 = tpu.memref_squeeze %dma_wait3A_643 : memref<1x128xi32, #tpu.memory_space<vmem>> -> memref<128xi32, #tpu.memory_space<vmem>>
    %dma_wait3A_645 = arith.constant 0 : i32
    %dma_wait3A_646 = tpu.memref_slice %arg7[%dma_wait3A_645] : memref<2097152xi32, #tpu.memory_space<hbm>> -> memref<2097152xi32, #tpu.memory_space<hbm>>
    tpu.wait_indirect_dma semaphore(%arg30 : memref<!tpu.dma_semaphore, #tpu.memory_space<semaphore_mem>>) src(%dma_wait3A_646 : memref<2097152xi32, #tpu.memory_space<hbm>>) dst(%dma_wait3A_641 : memref<128xi32, #tpu.memory_space<vmem>>)
    %dma_wait3A_647 = arith.constant 29 : i32
    %dma_wait3A_648 = arith.constant 29 : i32
    %dma_wait3A_649 = arith.constant 0 : i32
    %dma_wait3A_650 = tpu.memref_slice %arg12[%dma_wait3A_648, %dma_wait3A_649] : memref<32x128xi32, #tpu.memory_space<vmem>> -> memref<1x128xi32, #tpu.memory_space<vmem>>
    %dma_wait3A_651 = tpu.memref_squeeze %dma_wait3A_650 : memref<1x128xi32, #tpu.memory_space<vmem>> -> memref<128xi32, #tpu.memory_space<vmem>>
    %dma_wait3A_652 = arith.constant 0 : i32
    %dma_wait3A_653 = tpu.memref_slice %arg11[%dma_wait3A_647, %dma_wait3A_652] : memref<32x128xi32, #tpu.memory_space<vmem>> -> memref<1x128xi32, #tpu.memory_space<vmem>>
    %dma_wait3A_654 = tpu.memref_squeeze %dma_wait3A_653 : memref<1x128xi32, #tpu.memory_space<vmem>> -> memref<128xi32, #tpu.memory_space<vmem>>
    %dma_wait3A_655 = arith.constant 0 : i32
    %dma_wait3A_656 = tpu.memref_slice %arg7[%dma_wait3A_655] : memref<2097152xi32, #tpu.memory_space<hbm>> -> memref<2097152xi32, #tpu.memory_space<hbm>>
    tpu.wait_indirect_dma semaphore(%arg30 : memref<!tpu.dma_semaphore, #tpu.memory_space<semaphore_mem>>) src(%dma_wait3A_656 : memref<2097152xi32, #tpu.memory_space<hbm>>) dst(%dma_wait3A_651 : memref<128xi32, #tpu.memory_space<vmem>>)
    %dma_wait3A_657 = arith.constant 30 : i32
    %dma_wait3A_658 = arith.constant 30 : i32
    %dma_wait3A_659 = arith.constant 0 : i32
    %dma_wait3A_660 = tpu.memref_slice %arg12[%dma_wait3A_658, %dma_wait3A_659] : memref<32x128xi32, #tpu.memory_space<vmem>> -> memref<1x128xi32, #tpu.memory_space<vmem>>
    %dma_wait3A_661 = tpu.memref_squeeze %dma_wait3A_660 : memref<1x128xi32, #tpu.memory_space<vmem>> -> memref<128xi32, #tpu.memory_space<vmem>>
    %dma_wait3A_662 = arith.constant 0 : i32
    %dma_wait3A_663 = tpu.memref_slice %arg11[%dma_wait3A_657, %dma_wait3A_662] : memref<32x128xi32, #tpu.memory_space<vmem>> -> memref<1x128xi32, #tpu.memory_space<vmem>>
    %dma_wait3A_664 = tpu.memref_squeeze %dma_wait3A_663 : memref<1x128xi32, #tpu.memory_space<vmem>> -> memref<128xi32, #tpu.memory_space<vmem>>
    %dma_wait3A_665 = arith.constant 0 : i32
    %dma_wait3A_666 = tpu.memref_slice %arg7[%dma_wait3A_665] : memref<2097152xi32, #tpu.memory_space<hbm>> -> memref<2097152xi32, #tpu.memory_space<hbm>>
    tpu.wait_indirect_dma semaphore(%arg30 : memref<!tpu.dma_semaphore, #tpu.memory_space<semaphore_mem>>) src(%dma_wait3A_666 : memref<2097152xi32, #tpu.memory_space<hbm>>) dst(%dma_wait3A_661 : memref<128xi32, #tpu.memory_space<vmem>>)
    %dma_wait3A_667 = arith.constant 31 : i32
    %dma_wait3A_668 = arith.constant 31 : i32
    %dma_wait3A_669 = arith.constant 0 : i32
    %dma_wait3A_670 = tpu.memref_slice %arg12[%dma_wait3A_668, %dma_wait3A_669] : memref<32x128xi32, #tpu.memory_space<vmem>> -> memref<1x128xi32, #tpu.memory_space<vmem>>
    %dma_wait3A_671 = tpu.memref_squeeze %dma_wait3A_670 : memref<1x128xi32, #tpu.memory_space<vmem>> -> memref<128xi32, #tpu.memory_space<vmem>>
    %dma_wait3A_672 = arith.constant 0 : i32
    %dma_wait3A_673 = tpu.memref_slice %arg11[%dma_wait3A_667, %dma_wait3A_672] : memref<32x128xi32, #tpu.memory_space<vmem>> -> memref<1x128xi32, #tpu.memory_space<vmem>>
    %dma_wait3A_674 = tpu.memref_squeeze %dma_wait3A_673 : memref<1x128xi32, #tpu.memory_space<vmem>> -> memref<128xi32, #tpu.memory_space<vmem>>
    %dma_wait3A_675 = arith.constant 0 : i32
    %dma_wait3A_676 = tpu.memref_slice %arg7[%dma_wait3A_675] : memref<2097152xi32, #tpu.memory_space<hbm>> -> memref<2097152xi32, #tpu.memory_space<hbm>>
    tpu.wait_indirect_dma semaphore(%arg30 : memref<!tpu.dma_semaphore, #tpu.memory_space<semaphore_mem>>) src(%dma_wait3A_676 : memref<2097152xi32, #tpu.memory_space<hbm>>) dst(%dma_wait3A_671 : memref<128xi32, #tpu.memory_space<vmem>>)
    %scan3A_677 = arith.constant 0 : i32
    %scan3A_678 = arith.constant 16 : i32
    %scan3A_679 = arith.addi %scan3A_677, %scan3A_678 : i32
    %scan3A_680 = arith.constant 1 : i32
    scf.for %scan3A_698 = %scan3A_677 to %scan3A_679 step %scan3A_680  : i32 {
      %mul3A_699 = arith.constant 2 : i32
      %mul3A_700 = arith.muli %scan3A_698, %mul3A_699 : i32
      %add3A_701 = arith.constant 0 : i32
      %add3A_702 = arith.addi %add3A_701, %mul3A_700 : i32
      %add3A_703 = arith.constant 0 : i32
      %add3A_704 = arith.addi %add3A_702, %add3A_703 : i32
      %ge3A = arith.constant 2 : i32
      %ge3A_705 = arith.cmpi sge, %add3A_704, %ge3A : i32
      %convert_element_type3A = arith.extui %ge3A_705 : i1 to i32
      %cond3A = arith.constant 0 : i32
      %cond3A_706 = arith.cmpi ne, %convert_element_type3A, %cond3A : i32
      scf.if %cond3A_706 {
        %sub3A = arith.constant 2 : i32
        %sub3A_752 = arith.subi %add3A_704, %sub3A : i32
        %add3A_753 = arith.constant 131072 : i32
        %add3A_754 = arith.addi %add3A_753, %mul3A_8 : i32
        %mul3A_755 = arith.constant 128 : i32
        %mul3A_756 = arith.muli %sub3A_752, %mul3A_755 : i32
        %add3A_757 = arith.addi %add3A_754, %mul3A_756 : i32
        %dma_wait3A_758 = arith.constant 0 : i32
        %dma_wait3A_759 = tpu.memref_slice %arg6[%add3A_757, %dma_wait3A_758] : memref<262144x128xf32, #tpu.memory_space<hbm>> -> memref<128x128xf32, #tpu.memory_space<hbm>>
        %dma_wait3A_760 = arith.constant 0 : i32
        %dma_wait3A_761 = tpu.memref_slice %arg6[%add3A_757, %dma_wait3A_760] : memref<262144x128xf32, #tpu.memory_space<hbm>> -> memref<128x128xf32, #tpu.memory_space<hbm>>
        tpu.wait_dma2 semaphore(%arg24 : memref<!tpu.dma_semaphore, #tpu.memory_space<semaphore_mem>>) src(%arg16 : memref<128x128xf32, #tpu.memory_space<vmem>>) dst(%dma_wait3A_761 : memref<128x128xf32, #tpu.memory_space<hbm>>)
      } else {
      }
      "tpu.region"() ({
        %run_scoped3A = tpu.sem_alloc : memref<!tpu.dma_semaphore, #tpu.memory_space<semaphore_mem>>
        %dma_start3A_752 = arith.constant 0 : i32
        %dma_start3A_753 = tpu.memref_slice %arg11[%add3A_704, %dma_start3A_752] : memref<32x128xi32, #tpu.memory_space<vmem>> -> memref<1x128xi32, #tpu.memory_space<vmem>>
        %dma_start3A_754 = arith.constant 0 : i32
        %dma_start3A_755 = arith.constant 0 : i32
        %dma_start3A_756 = tpu.memref_slice %arg15[%arg1, %dma_start3A_754, %dma_start3A_755] : memref<16x2x128xi32, #tpu.memory_space<vmem_shared>> -> memref<1x1x128xi32, #tpu.memory_space<vmem_shared>>
        %dma_start3A_757 = tpu.memref_squeeze %dma_start3A_756 : memref<1x1x128xi32, #tpu.memory_space<vmem_shared>> -> memref<1x128xi32, #tpu.memory_space<vmem_shared>>
        %dma_start3A_758 = arith.constant 0 : i32
        %dma_start3A_759 = arith.constant 0 : i32
        %dma_start3A_760 = tpu.memref_slice %arg15[%arg1, %dma_start3A_758, %dma_start3A_759] : memref<16x2x128xi32, #tpu.memory_space<vmem_shared>> -> memref<1x1x128xi32, #tpu.memory_space<vmem_shared>>
        %dma_start3A_761 = tpu.memref_squeeze %dma_start3A_760 : memref<1x1x128xi32, #tpu.memory_space<vmem_shared>> -> memref<1x128xi32, #tpu.memory_space<vmem_shared>>
        %dma_start3A_762 = arith.constant 0 : i32
        %dma_start3A_763 = tpu.memref_slice %arg11[%add3A_704, %dma_start3A_762] : memref<32x128xi32, #tpu.memory_space<vmem>> -> memref<1x128xi32, #tpu.memory_space<vmem>>
        tpu.enqueue_dma source(%dma_start3A_763 : memref<1x128xi32, #tpu.memory_space<vmem>>) target(%dma_start3A_761 : memref<1x128xi32, #tpu.memory_space<vmem_shared>>) target_semaphore(%run_scoped3A : memref<!tpu.dma_semaphore, #tpu.memory_space<semaphore_mem>>)
        %dma_wait3A_764 = arith.constant 0 : i32
        %dma_wait3A_765 = tpu.memref_slice %arg11[%add3A_704, %dma_wait3A_764] : memref<32x128xi32, #tpu.memory_space<vmem>> -> memref<1x128xi32, #tpu.memory_space<vmem>>
        %dma_wait3A_766 = arith.constant 0 : i32
        %dma_wait3A_767 = arith.constant 0 : i32
        %dma_wait3A_768 = tpu.memref_slice %arg15[%arg1, %dma_wait3A_766, %dma_wait3A_767] : memref<16x2x128xi32, #tpu.memory_space<vmem_shared>> -> memref<1x1x128xi32, #tpu.memory_space<vmem_shared>>
        %dma_wait3A_769 = tpu.memref_squeeze %dma_wait3A_768 : memref<1x1x128xi32, #tpu.memory_space<vmem_shared>> -> memref<1x128xi32, #tpu.memory_space<vmem_shared>>
        %dma_wait3A_770 = arith.constant 0 : i32
        %dma_wait3A_771 = arith.constant 0 : i32
        %dma_wait3A_772 = tpu.memref_slice %arg15[%arg1, %dma_wait3A_770, %dma_wait3A_771] : memref<16x2x128xi32, #tpu.memory_space<vmem_shared>> -> memref<1x1x128xi32, #tpu.memory_space<vmem_shared>>
        %dma_wait3A_773 = tpu.memref_squeeze %dma_wait3A_772 : memref<1x1x128xi32, #tpu.memory_space<vmem_shared>> -> memref<1x128xi32, #tpu.memory_space<vmem_shared>>
        %dma_wait3A_774 = arith.constant 0 : i32
        %dma_wait3A_775 = tpu.memref_slice %arg11[%add3A_704, %dma_wait3A_774] : memref<32x128xi32, #tpu.memory_space<vmem>> -> memref<1x128xi32, #tpu.memory_space<vmem>>
        tpu.wait_dma2 semaphore(%run_scoped3A : memref<!tpu.dma_semaphore, #tpu.memory_space<semaphore_mem>>) src(%dma_wait3A_775 : memref<1x128xi32, #tpu.memory_space<vmem>>) dst(%dma_wait3A_773 : memref<1x128xi32, #tpu.memory_space<vmem_shared>>)
        tpu.yield
      }) : () -> ()
      "tpu.region"() ({
        %run_scoped3A = tpu.sem_alloc : memref<!tpu.dma_semaphore, #tpu.memory_space<semaphore_mem>>
        %dma_start3A_752 = arith.constant 0 : i32
        %dma_start3A_753 = tpu.memref_slice %arg12[%add3A_704, %dma_start3A_752] : memref<32x128xi32, #tpu.memory_space<vmem>> -> memref<1x128xi32, #tpu.memory_space<vmem>>
        %dma_start3A_754 = arith.constant 1 : i32
        %dma_start3A_755 = arith.constant 0 : i32
        %dma_start3A_756 = tpu.memref_slice %arg15[%arg1, %dma_start3A_754, %dma_start3A_755] : memref<16x2x128xi32, #tpu.memory_space<vmem_shared>> -> memref<1x1x128xi32, #tpu.memory_space<vmem_shared>>
        %dma_start3A_757 = tpu.memref_squeeze %dma_start3A_756 : memref<1x1x128xi32, #tpu.memory_space<vmem_shared>> -> memref<1x128xi32, #tpu.memory_space<vmem_shared>>
        %dma_start3A_758 = arith.constant 1 : i32
        %dma_start3A_759 = arith.constant 0 : i32
        %dma_start3A_760 = tpu.memref_slice %arg15[%arg1, %dma_start3A_758, %dma_start3A_759] : memref<16x2x128xi32, #tpu.memory_space<vmem_shared>> -> memref<1x1x128xi32, #tpu.memory_space<vmem_shared>>
        %dma_start3A_761 = tpu.memref_squeeze %dma_start3A_760 : memref<1x1x128xi32, #tpu.memory_space<vmem_shared>> -> memref<1x128xi32, #tpu.memory_space<vmem_shared>>
        %dma_start3A_762 = arith.constant 0 : i32
        %dma_start3A_763 = tpu.memref_slice %arg12[%add3A_704, %dma_start3A_762] : memref<32x128xi32, #tpu.memory_space<vmem>> -> memref<1x128xi32, #tpu.memory_space<vmem>>
        tpu.enqueue_dma source(%dma_start3A_763 : memref<1x128xi32, #tpu.memory_space<vmem>>) target(%dma_start3A_761 : memref<1x128xi32, #tpu.memory_space<vmem_shared>>) target_semaphore(%run_scoped3A : memref<!tpu.dma_semaphore, #tpu.memory_space<semaphore_mem>>)
        %dma_wait3A_764 = arith.constant 0 : i32
        %dma_wait3A_765 = tpu.memref_slice %arg12[%add3A_704, %dma_wait3A_764] : memref<32x128xi32, #tpu.memory_space<vmem>> -> memref<1x128xi32, #tpu.memory_space<vmem>>
        %dma_wait3A_766 = arith.constant 1 : i32
        %dma_wait3A_767 = arith.constant 0 : i32
        %dma_wait3A_768 = tpu.memref_slice %arg15[%arg1, %dma_wait3A_766, %dma_wait3A_767] : memref<16x2x128xi32, #tpu.memory_space<vmem_shared>> -> memref<1x1x128xi32, #tpu.memory_space<vmem_shared>>
        %dma_wait3A_769 = tpu.memref_squeeze %dma_wait3A_768 : memref<1x1x128xi32, #tpu.memory_space<vmem_shared>> -> memref<1x128xi32, #tpu.memory_space<vmem_shared>>
        %dma_wait3A_770 = arith.constant 1 : i32
        %dma_wait3A_771 = arith.constant 0 : i32
        %dma_wait3A_772 = tpu.memref_slice %arg15[%arg1, %dma_wait3A_770, %dma_wait3A_771] : memref<16x2x128xi32, #tpu.memory_space<vmem_shared>> -> memref<1x1x128xi32, #tpu.memory_space<vmem_shared>>
        %dma_wait3A_773 = tpu.memref_squeeze %dma_wait3A_772 : memref<1x1x128xi32, #tpu.memory_space<vmem_shared>> -> memref<1x128xi32, #tpu.memory_space<vmem_shared>>
        %dma_wait3A_774 = arith.constant 0 : i32
        %dma_wait3A_775 = tpu.memref_slice %arg12[%add3A_704, %dma_wait3A_774] : memref<32x128xi32, #tpu.memory_space<vmem>> -> memref<1x128xi32, #tpu.memory_space<vmem>>
        tpu.wait_dma2 semaphore(%run_scoped3A : memref<!tpu.dma_semaphore, #tpu.memory_space<semaphore_mem>>) src(%dma_wait3A_775 : memref<1x128xi32, #tpu.memory_space<vmem>>) dst(%dma_wait3A_773 : memref<1x128xi32, #tpu.memory_space<vmem_shared>>)
        tpu.yield
      }) : () -> ()
      "tpu.region"() ({
        %run_scoped3A = tpu.sem_alloc : memref<!tpu.dma_semaphore, #tpu.memory_space<semaphore_mem>>
        %dma_start3A_752 = arith.constant 0 : i32
        %dma_start3A_753 = arith.constant 0 : i32
        %dma_start3A_754 = tpu.memref_slice %arg15[%arg1, %dma_start3A_752, %dma_start3A_753] : memref<16x2x128xi32, #tpu.memory_space<vmem_shared>> -> memref<1x1x128xi32, #tpu.memory_space<vmem_shared>>
        %dma_start3A_755 = tpu.memref_squeeze %dma_start3A_754 : memref<1x1x128xi32, #tpu.memory_space<vmem_shared>> -> memref<1x128xi32, #tpu.memory_space<vmem_shared>>
        tpu.enqueue_dma source(%dma_start3A_755 : memref<1x128xi32, #tpu.memory_space<vmem_shared>>) target(%arg13 : memref<1x128xi32, #tpu.memory_space<smem>>) target_semaphore(%run_scoped3A : memref<!tpu.dma_semaphore, #tpu.memory_space<semaphore_mem>>)
        %dma_wait3A_756 = arith.constant 0 : i32
        %dma_wait3A_757 = arith.constant 0 : i32
        %dma_wait3A_758 = tpu.memref_slice %arg15[%arg1, %dma_wait3A_756, %dma_wait3A_757] : memref<16x2x128xi32, #tpu.memory_space<vmem_shared>> -> memref<1x1x128xi32, #tpu.memory_space<vmem_shared>>
        %dma_wait3A_759 = tpu.memref_squeeze %dma_wait3A_758 : memref<1x1x128xi32, #tpu.memory_space<vmem_shared>> -> memref<1x128xi32, #tpu.memory_space<vmem_shared>>
        tpu.wait_dma2 semaphore(%run_scoped3A : memref<!tpu.dma_semaphore, #tpu.memory_space<semaphore_mem>>) src(%dma_wait3A_759 : memref<1x128xi32, #tpu.memory_space<vmem_shared>>) dst(%arg13 : memref<1x128xi32, #tpu.memory_space<smem>>)
        tpu.yield
      }) : () -> ()
      "tpu.region"() ({
        %run_scoped3A = tpu.sem_alloc : memref<!tpu.dma_semaphore, #tpu.memory_space<semaphore_mem>>
        %dma_start3A_752 = arith.constant 1 : i32
        %dma_start3A_753 = arith.constant 0 : i32
        %dma_start3A_754 = tpu.memref_slice %arg15[%arg1, %dma_start3A_752, %dma_start3A_753] : memref<16x2x128xi32, #tpu.memory_space<vmem_shared>> -> memref<1x1x128xi32, #tpu.memory_space<vmem_shared>>
        %dma_start3A_755 = tpu.memref_squeeze %dma_start3A_754 : memref<1x1x128xi32, #tpu.memory_space<vmem_shared>> -> memref<1x128xi32, #tpu.memory_space<vmem_shared>>
        tpu.enqueue_dma source(%dma_start3A_755 : memref<1x128xi32, #tpu.memory_space<vmem_shared>>) target(%arg14 : memref<1x128xi32, #tpu.memory_space<smem>>) target_semaphore(%run_scoped3A : memref<!tpu.dma_semaphore, #tpu.memory_space<semaphore_mem>>)
        %dma_wait3A_756 = arith.constant 1 : i32
        %dma_wait3A_757 = arith.constant 0 : i32
        %dma_wait3A_758 = tpu.memref_slice %arg15[%arg1, %dma_wait3A_756, %dma_wait3A_757] : memref<16x2x128xi32, #tpu.memory_space<vmem_shared>> -> memref<1x1x128xi32, #tpu.memory_space<vmem_shared>>
        %dma_wait3A_759 = tpu.memref_squeeze %dma_wait3A_758 : memref<1x1x128xi32, #tpu.memory_space<vmem_shared>> -> memref<1x128xi32, #tpu.memory_space<vmem_shared>>
        tpu.wait_dma2 semaphore(%run_scoped3A : memref<!tpu.dma_semaphore, #tpu.memory_space<semaphore_mem>>) src(%dma_wait3A_759 : memref<1x128xi32, #tpu.memory_space<vmem_shared>>) dst(%arg14 : memref<1x128xi32, #tpu.memory_space<smem>>)
        tpu.yield
      }) : () -> ()
      %scan3A_707 = arith.constant 0 : i32
      %scan3A_708 = arith.constant 128 : i32
      %scan3A_709 = arith.addi %scan3A_707, %scan3A_708 : i32
      %scan3A_710 = arith.constant 1 : i32
      scf.for %scan3A_752 = %scan3A_707 to %scan3A_709 step %scan3A_710  : i32 {
        %mul3A_753 = arith.constant 1 : i32
        %mul3A_754 = arith.muli %scan3A_752, %mul3A_753 : i32
        %add3A_755 = arith.constant 0 : i32
        %add3A_756 = arith.addi %add3A_755, %mul3A_754 : i32
        %get3A = arith.constant 0 : i32
        %get3A_757 = arith.index_cast %get3A : i32 to index
        %get3A_758 = arith.index_cast %add3A_756 : i32 to index
        %get3A_759 = memref.load %arg14[%get3A_757, %get3A_758] : memref<1x128xi32, #tpu.memory_space<smem>>
        %ge3A_760 = arith.constant 0 : i32
        %ge3A_761 = arith.cmpi sge, %get3A_759, %ge3A_760 : i32
        %convert_element_type3A_762 = arith.extui %ge3A_761 : i1 to i32
        %cond3A_763 = arith.constant 0 : i32
        %cond3A_764 = arith.cmpi ne, %convert_element_type3A_762, %cond3A_763 : i32
        scf.if %cond3A_764 {
          %dma_start3A_769 = arith.constant 0 : i32
          %dma_start3A_770 = tpu.memref_slice %arg16[%add3A_756, %dma_start3A_769] : memref<128x128xf32, #tpu.memory_space<vmem>> -> memref<1x128xf32, #tpu.memory_space<vmem>>
          %dma_start3A_771 = arith.constant 0 : i32
          %dma_start3A_772 = tpu.memref_slice %arg5[%get3A_759, %dma_start3A_771] : memref<262144x128xf32, #tpu.memory_space<hbm>> -> memref<1x128xf32, #tpu.memory_space<hbm>>
          %dma_start3A_773 = arith.constant 0 : i32
          %dma_start3A_774 = tpu.memref_slice %arg16[%add3A_756, %dma_start3A_773] : memref<128x128xf32, #tpu.memory_space<vmem>> -> memref<1x128xf32, #tpu.memory_space<vmem>>
          %dma_start3A_775 = arith.constant 0 : i32
          %dma_start3A_776 = tpu.memref_slice %arg5[%get3A_759, %dma_start3A_775] : memref<262144x128xf32, #tpu.memory_space<hbm>> -> memref<1x128xf32, #tpu.memory_space<hbm>>
          tpu.enqueue_dma source(%dma_start3A_776 : memref<1x128xf32, #tpu.memory_space<hbm>>) target(%dma_start3A_774 : memref<1x128xf32, #tpu.memory_space<vmem>>) target_semaphore(%arg22 : memref<!tpu.dma_semaphore, #tpu.memory_space<semaphore_mem>>)
        } else {
        }
        %lt3A = arith.constant 0 : i32
        %lt3A_765 = arith.cmpi slt, %get3A_759, %lt3A : i32
        %convert_element_type3A_766 = arith.extui %lt3A_765 : i1 to i32
        %cond3A_767 = arith.constant 0 : i32
        %cond3A_768 = arith.cmpi ne, %convert_element_type3A_766, %cond3A_767 : i32
        scf.if %cond3A_768 {
          %get3A_769 = arith.constant 0 : i32
          %get3A_770 = arith.index_cast %get3A_769 : i32 to index
          %get3A_771 = arith.index_cast %add3A_756 : i32 to index
          %get3A_772 = memref.load %arg13[%get3A_770, %get3A_771] : memref<1x128xi32, #tpu.memory_space<smem>>
          %sub3A = arith.subi %get3A_772, %mul3A_6 : i32
          %dma_start3A_773 = arith.constant 0 : i32
          %dma_start3A_774 = tpu.memref_slice %arg16[%add3A_756, %dma_start3A_773] : memref<128x128xf32, #tpu.memory_space<vmem>> -> memref<1x128xf32, #tpu.memory_space<vmem>>
          %dma_start3A_775 = arith.constant 0 : i32
          %dma_start3A_776 = tpu.memref_slice %arg4[%sub3A, %dma_start3A_775] : memref<1000000x128xf32, #tpu.memory_space<hbm>> -> memref<1x128xf32, #tpu.memory_space<hbm>>
          %dma_start3A_777 = arith.constant 0 : i32
          %dma_start3A_778 = tpu.memref_slice %arg16[%add3A_756, %dma_start3A_777] : memref<128x128xf32, #tpu.memory_space<vmem>> -> memref<1x128xf32, #tpu.memory_space<vmem>>
          %dma_start3A_779 = arith.constant 0 : i32
          %dma_start3A_780 = tpu.memref_slice %arg4[%sub3A, %dma_start3A_779] : memref<1000000x128xf32, #tpu.memory_space<hbm>> -> memref<1x128xf32, #tpu.memory_space<hbm>>
          tpu.enqueue_dma source(%dma_start3A_780 : memref<1x128xf32, #tpu.memory_space<hbm>>) target(%dma_start3A_778 : memref<1x128xf32, #tpu.memory_space<vmem>>) target_semaphore(%arg22 : memref<!tpu.dma_semaphore, #tpu.memory_space<semaphore_mem>>)
        } else {
        }
      }
      %scan3A_711 = arith.constant 128 : i32
      %scan3A_712 = arith.constant 0 : i32
      %scan3A_713 = arith.constant 128 : i32
      %scan3A_714 = arith.addi %scan3A_712, %scan3A_713 : i32
      %scan3A_715 = arith.constant 1 : i32
      scf.for %scan3A_752 = %scan3A_712 to %scan3A_714 step %scan3A_715  : i32 {
        %mul3A_753 = arith.constant 1 : i32
        %mul3A_754 = arith.muli %scan3A_752, %mul3A_753 : i32
        %add3A_755 = arith.constant 0 : i32
        %add3A_756 = arith.addi %add3A_755, %mul3A_754 : i32
        %dma_wait3A_757 = arith.constant 0 : i32
        %dma_wait3A_758 = arith.constant 0 : i32
        %dma_wait3A_759 = tpu.memref_slice %arg16[%dma_wait3A_757, %dma_wait3A_758] : memref<128x128xf32, #tpu.memory_space<vmem>> -> memref<1x128xf32, #tpu.memory_space<vmem>>
        %dma_wait3A_760 = arith.constant 0 : i32
        %dma_wait3A_761 = arith.constant 0 : i32
        %dma_wait3A_762 = tpu.memref_slice %arg4[%dma_wait3A_760, %dma_wait3A_761] : memref<1000000x128xf32, #tpu.memory_space<hbm>> -> memref<1x128xf32, #tpu.memory_space<hbm>>
        %dma_wait3A_763 = arith.constant 0 : i32
        %dma_wait3A_764 = arith.constant 0 : i32
        %dma_wait3A_765 = tpu.memref_slice %arg16[%dma_wait3A_763, %dma_wait3A_764] : memref<128x128xf32, #tpu.memory_space<vmem>> -> memref<1x128xf32, #tpu.memory_space<vmem>>
        %dma_wait3A_766 = arith.constant 0 : i32
        %dma_wait3A_767 = arith.constant 0 : i32
        %dma_wait3A_768 = tpu.memref_slice %arg4[%dma_wait3A_766, %dma_wait3A_767] : memref<1000000x128xf32, #tpu.memory_space<hbm>> -> memref<1x128xf32, #tpu.memory_space<hbm>>
        tpu.wait_dma2 semaphore(%arg22 : memref<!tpu.dma_semaphore, #tpu.memory_space<semaphore_mem>>) src(%dma_wait3A_768 : memref<1x128xf32, #tpu.memory_space<hbm>>) dst(%dma_wait3A_765 : memref<1x128xf32, #tpu.memory_space<vmem>>)
      }
      %scan3A_716 = arith.constant 128 : i32
      %add3A_717 = arith.constant 131072 : i32
      %add3A_718 = arith.addi %add3A_717, %mul3A_8 : i32
      %mul3A_719 = arith.constant 128 : i32
      %mul3A_720 = arith.muli %add3A_704, %mul3A_719 : i32
      %add3A_721 = arith.addi %add3A_718, %mul3A_720 : i32
      %dma_start3A_722 = arith.constant 0 : i32
      %dma_start3A_723 = tpu.memref_slice %arg6[%add3A_721, %dma_start3A_722] : memref<262144x128xf32, #tpu.memory_space<hbm>> -> memref<128x128xf32, #tpu.memory_space<hbm>>
      %dma_start3A_724 = arith.constant 0 : i32
      %dma_start3A_725 = tpu.memref_slice %arg6[%add3A_721, %dma_start3A_724] : memref<262144x128xf32, #tpu.memory_space<hbm>> -> memref<128x128xf32, #tpu.memory_space<hbm>>
      tpu.enqueue_dma source(%arg16 : memref<128x128xf32, #tpu.memory_space<vmem>>) target(%dma_start3A_725 : memref<128x128xf32, #tpu.memory_space<hbm>>) target_semaphore(%arg24 : memref<!tpu.dma_semaphore, #tpu.memory_space<semaphore_mem>>)
      %add3A_726 = arith.constant 1 : i32
      %add3A_727 = arith.addi %add3A_702, %add3A_726 : i32
      %ge3A_728 = arith.constant 2 : i32
      %ge3A_729 = arith.cmpi sge, %add3A_727, %ge3A_728 : i32
      %convert_element_type3A_730 = arith.extui %ge3A_729 : i1 to i32
      %cond3A_731 = arith.constant 0 : i32
      %cond3A_732 = arith.cmpi ne, %convert_element_type3A_730, %cond3A_731 : i32
      scf.if %cond3A_732 {
        %sub3A = arith.constant 2 : i32
        %sub3A_752 = arith.subi %add3A_727, %sub3A : i32
        %add3A_753 = arith.constant 131072 : i32
        %add3A_754 = arith.addi %add3A_753, %mul3A_8 : i32
        %mul3A_755 = arith.constant 128 : i32
        %mul3A_756 = arith.muli %sub3A_752, %mul3A_755 : i32
        %add3A_757 = arith.addi %add3A_754, %mul3A_756 : i32
        %dma_wait3A_758 = arith.constant 0 : i32
        %dma_wait3A_759 = tpu.memref_slice %arg6[%add3A_757, %dma_wait3A_758] : memref<262144x128xf32, #tpu.memory_space<hbm>> -> memref<128x128xf32, #tpu.memory_space<hbm>>
        %dma_wait3A_760 = arith.constant 0 : i32
        %dma_wait3A_761 = tpu.memref_slice %arg6[%add3A_757, %dma_wait3A_760] : memref<262144x128xf32, #tpu.memory_space<hbm>> -> memref<128x128xf32, #tpu.memory_space<hbm>>
        tpu.wait_dma2 semaphore(%arg25 : memref<!tpu.dma_semaphore, #tpu.memory_space<semaphore_mem>>) src(%arg17 : memref<128x128xf32, #tpu.memory_space<vmem>>) dst(%dma_wait3A_761 : memref<128x128xf32, #tpu.memory_space<hbm>>)
      } else {
      }
      "tpu.region"() ({
        %run_scoped3A = tpu.sem_alloc : memref<!tpu.dma_semaphore, #tpu.memory_space<semaphore_mem>>
        %dma_start3A_752 = arith.constant 0 : i32
        %dma_start3A_753 = tpu.memref_slice %arg11[%add3A_727, %dma_start3A_752] : memref<32x128xi32, #tpu.memory_space<vmem>> -> memref<1x128xi32, #tpu.memory_space<vmem>>
        %dma_start3A_754 = arith.constant 0 : i32
        %dma_start3A_755 = arith.constant 0 : i32
        %dma_start3A_756 = tpu.memref_slice %arg15[%arg1, %dma_start3A_754, %dma_start3A_755] : memref<16x2x128xi32, #tpu.memory_space<vmem_shared>> -> memref<1x1x128xi32, #tpu.memory_space<vmem_shared>>
        %dma_start3A_757 = tpu.memref_squeeze %dma_start3A_756 : memref<1x1x128xi32, #tpu.memory_space<vmem_shared>> -> memref<1x128xi32, #tpu.memory_space<vmem_shared>>
        %dma_start3A_758 = arith.constant 0 : i32
        %dma_start3A_759 = arith.constant 0 : i32
        %dma_start3A_760 = tpu.memref_slice %arg15[%arg1, %dma_start3A_758, %dma_start3A_759] : memref<16x2x128xi32, #tpu.memory_space<vmem_shared>> -> memref<1x1x128xi32, #tpu.memory_space<vmem_shared>>
        %dma_start3A_761 = tpu.memref_squeeze %dma_start3A_760 : memref<1x1x128xi32, #tpu.memory_space<vmem_shared>> -> memref<1x128xi32, #tpu.memory_space<vmem_shared>>
        %dma_start3A_762 = arith.constant 0 : i32
        %dma_start3A_763 = tpu.memref_slice %arg11[%add3A_727, %dma_start3A_762] : memref<32x128xi32, #tpu.memory_space<vmem>> -> memref<1x128xi32, #tpu.memory_space<vmem>>
        tpu.enqueue_dma source(%dma_start3A_763 : memref<1x128xi32, #tpu.memory_space<vmem>>) target(%dma_start3A_761 : memref<1x128xi32, #tpu.memory_space<vmem_shared>>) target_semaphore(%run_scoped3A : memref<!tpu.dma_semaphore, #tpu.memory_space<semaphore_mem>>)
        %dma_wait3A_764 = arith.constant 0 : i32
        %dma_wait3A_765 = tpu.memref_slice %arg11[%add3A_727, %dma_wait3A_764] : memref<32x128xi32, #tpu.memory_space<vmem>> -> memref<1x128xi32, #tpu.memory_space<vmem>>
        %dma_wait3A_766 = arith.constant 0 : i32
        %dma_wait3A_767 = arith.constant 0 : i32
        %dma_wait3A_768 = tpu.memref_slice %arg15[%arg1, %dma_wait3A_766, %dma_wait3A_767] : memref<16x2x128xi32, #tpu.memory_space<vmem_shared>> -> memref<1x1x128xi32, #tpu.memory_space<vmem_shared>>
        %dma_wait3A_769 = tpu.memref_squeeze %dma_wait3A_768 : memref<1x1x128xi32, #tpu.memory_space<vmem_shared>> -> memref<1x128xi32, #tpu.memory_space<vmem_shared>>
        %dma_wait3A_770 = arith.constant 0 : i32
        %dma_wait3A_771 = arith.constant 0 : i32
        %dma_wait3A_772 = tpu.memref_slice %arg15[%arg1, %dma_wait3A_770, %dma_wait3A_771] : memref<16x2x128xi32, #tpu.memory_space<vmem_shared>> -> memref<1x1x128xi32, #tpu.memory_space<vmem_shared>>
        %dma_wait3A_773 = tpu.memref_squeeze %dma_wait3A_772 : memref<1x1x128xi32, #tpu.memory_space<vmem_shared>> -> memref<1x128xi32, #tpu.memory_space<vmem_shared>>
        %dma_wait3A_774 = arith.constant 0 : i32
        %dma_wait3A_775 = tpu.memref_slice %arg11[%add3A_727, %dma_wait3A_774] : memref<32x128xi32, #tpu.memory_space<vmem>> -> memref<1x128xi32, #tpu.memory_space<vmem>>
        tpu.wait_dma2 semaphore(%run_scoped3A : memref<!tpu.dma_semaphore, #tpu.memory_space<semaphore_mem>>) src(%dma_wait3A_775 : memref<1x128xi32, #tpu.memory_space<vmem>>) dst(%dma_wait3A_773 : memref<1x128xi32, #tpu.memory_space<vmem_shared>>)
        tpu.yield
      }) : () -> ()
      "tpu.region"() ({
        %run_scoped3A = tpu.sem_alloc : memref<!tpu.dma_semaphore, #tpu.memory_space<semaphore_mem>>
        %dma_start3A_752 = arith.constant 0 : i32
        %dma_start3A_753 = tpu.memref_slice %arg12[%add3A_727, %dma_start3A_752] : memref<32x128xi32, #tpu.memory_space<vmem>> -> memref<1x128xi32, #tpu.memory_space<vmem>>
        %dma_start3A_754 = arith.constant 1 : i32
        %dma_start3A_755 = arith.constant 0 : i32
        %dma_start3A_756 = tpu.memref_slice %arg15[%arg1, %dma_start3A_754, %dma_start3A_755] : memref<16x2x128xi32, #tpu.memory_space<vmem_shared>> -> memref<1x1x128xi32, #tpu.memory_space<vmem_shared>>
        %dma_start3A_757 = tpu.memref_squeeze %dma_start3A_756 : memref<1x1x128xi32, #tpu.memory_space<vmem_shared>> -> memref<1x128xi32, #tpu.memory_space<vmem_shared>>
        %dma_start3A_758 = arith.constant 1 : i32
        %dma_start3A_759 = arith.constant 0 : i32
        %dma_start3A_760 = tpu.memref_slice %arg15[%arg1, %dma_start3A_758, %dma_start3A_759] : memref<16x2x128xi32, #tpu.memory_space<vmem_shared>> -> memref<1x1x128xi32, #tpu.memory_space<vmem_shared>>
        %dma_start3A_761 = tpu.memref_squeeze %dma_start3A_760 : memref<1x1x128xi32, #tpu.memory_space<vmem_shared>> -> memref<1x128xi32, #tpu.memory_space<vmem_shared>>
        %dma_start3A_762 = arith.constant 0 : i32
        %dma_start3A_763 = tpu.memref_slice %arg12[%add3A_727, %dma_start3A_762] : memref<32x128xi32, #tpu.memory_space<vmem>> -> memref<1x128xi32, #tpu.memory_space<vmem>>
        tpu.enqueue_dma source(%dma_start3A_763 : memref<1x128xi32, #tpu.memory_space<vmem>>) target(%dma_start3A_761 : memref<1x128xi32, #tpu.memory_space<vmem_shared>>) target_semaphore(%run_scoped3A : memref<!tpu.dma_semaphore, #tpu.memory_space<semaphore_mem>>)
        %dma_wait3A_764 = arith.constant 0 : i32
        %dma_wait3A_765 = tpu.memref_slice %arg12[%add3A_727, %dma_wait3A_764] : memref<32x128xi32, #tpu.memory_space<vmem>> -> memref<1x128xi32, #tpu.memory_space<vmem>>
        %dma_wait3A_766 = arith.constant 1 : i32
        %dma_wait3A_767 = arith.constant 0 : i32
        %dma_wait3A_768 = tpu.memref_slice %arg15[%arg1, %dma_wait3A_766, %dma_wait3A_767] : memref<16x2x128xi32, #tpu.memory_space<vmem_shared>> -> memref<1x1x128xi32, #tpu.memory_space<vmem_shared>>
        %dma_wait3A_769 = tpu.memref_squeeze %dma_wait3A_768 : memref<1x1x128xi32, #tpu.memory_space<vmem_shared>> -> memref<1x128xi32, #tpu.memory_space<vmem_shared>>
        %dma_wait3A_770 = arith.constant 1 : i32
        %dma_wait3A_771 = arith.constant 0 : i32
        %dma_wait3A_772 = tpu.memref_slice %arg15[%arg1, %dma_wait3A_770, %dma_wait3A_771] : memref<16x2x128xi32, #tpu.memory_space<vmem_shared>> -> memref<1x1x128xi32, #tpu.memory_space<vmem_shared>>
        %dma_wait3A_773 = tpu.memref_squeeze %dma_wait3A_772 : memref<1x1x128xi32, #tpu.memory_space<vmem_shared>> -> memref<1x128xi32, #tpu.memory_space<vmem_shared>>
        %dma_wait3A_774 = arith.constant 0 : i32
        %dma_wait3A_775 = tpu.memref_slice %arg12[%add3A_727, %dma_wait3A_774] : memref<32x128xi32, #tpu.memory_space<vmem>> -> memref<1x128xi32, #tpu.memory_space<vmem>>
        tpu.wait_dma2 semaphore(%run_scoped3A : memref<!tpu.dma_semaphore, #tpu.memory_space<semaphore_mem>>) src(%dma_wait3A_775 : memref<1x128xi32, #tpu.memory_space<vmem>>) dst(%dma_wait3A_773 : memref<1x128xi32, #tpu.memory_space<vmem_shared>>)
        tpu.yield
      }) : () -> ()
      "tpu.region"() ({
        %run_scoped3A = tpu.sem_alloc : memref<!tpu.dma_semaphore, #tpu.memory_space<semaphore_mem>>
        %dma_start3A_752 = arith.constant 0 : i32
        %dma_start3A_753 = arith.constant 0 : i32
        %dma_start3A_754 = tpu.memref_slice %arg15[%arg1, %dma_start3A_752, %dma_start3A_753] : memref<16x2x128xi32, #tpu.memory_space<vmem_shared>> -> memref<1x1x128xi32, #tpu.memory_space<vmem_shared>>
        %dma_start3A_755 = tpu.memref_squeeze %dma_start3A_754 : memref<1x1x128xi32, #tpu.memory_space<vmem_shared>> -> memref<1x128xi32, #tpu.memory_space<vmem_shared>>
        tpu.enqueue_dma source(%dma_start3A_755 : memref<1x128xi32, #tpu.memory_space<vmem_shared>>) target(%arg13 : memref<1x128xi32, #tpu.memory_space<smem>>) target_semaphore(%run_scoped3A : memref<!tpu.dma_semaphore, #tpu.memory_space<semaphore_mem>>)
        %dma_wait3A_756 = arith.constant 0 : i32
        %dma_wait3A_757 = arith.constant 0 : i32
        %dma_wait3A_758 = tpu.memref_slice %arg15[%arg1, %dma_wait3A_756, %dma_wait3A_757] : memref<16x2x128xi32, #tpu.memory_space<vmem_shared>> -> memref<1x1x128xi32, #tpu.memory_space<vmem_shared>>
        %dma_wait3A_759 = tpu.memref_squeeze %dma_wait3A_758 : memref<1x1x128xi32, #tpu.memory_space<vmem_shared>> -> memref<1x128xi32, #tpu.memory_space<vmem_shared>>
        tpu.wait_dma2 semaphore(%run_scoped3A : memref<!tpu.dma_semaphore, #tpu.memory_space<semaphore_mem>>) src(%dma_wait3A_759 : memref<1x128xi32, #tpu.memory_space<vmem_shared>>) dst(%arg13 : memref<1x128xi32, #tpu.memory_space<smem>>)
        tpu.yield
      }) : () -> ()
      "tpu.region"() ({
        %run_scoped3A = tpu.sem_alloc : memref<!tpu.dma_semaphore, #tpu.memory_space<semaphore_mem>>
        %dma_start3A_752 = arith.constant 1 : i32
        %dma_start3A_753 = arith.constant 0 : i32
        %dma_start3A_754 = tpu.memref_slice %arg15[%arg1, %dma_start3A_752, %dma_start3A_753] : memref<16x2x128xi32, #tpu.memory_space<vmem_shared>> -> memref<1x1x128xi32, #tpu.memory_space<vmem_shared>>
        %dma_start3A_755 = tpu.memref_squeeze %dma_start3A_754 : memref<1x1x128xi32, #tpu.memory_space<vmem_shared>> -> memref<1x128xi32, #tpu.memory_space<vmem_shared>>
        tpu.enqueue_dma source(%dma_start3A_755 : memref<1x128xi32, #tpu.memory_space<vmem_shared>>) target(%arg14 : memref<1x128xi32, #tpu.memory_space<smem>>) target_semaphore(%run_scoped3A : memref<!tpu.dma_semaphore, #tpu.memory_space<semaphore_mem>>)
        %dma_wait3A_756 = arith.constant 1 : i32
        %dma_wait3A_757 = arith.constant 0 : i32
        %dma_wait3A_758 = tpu.memref_slice %arg15[%arg1, %dma_wait3A_756, %dma_wait3A_757] : memref<16x2x128xi32, #tpu.memory_space<vmem_shared>> -> memref<1x1x128xi32, #tpu.memory_space<vmem_shared>>
        %dma_wait3A_759 = tpu.memref_squeeze %dma_wait3A_758 : memref<1x1x128xi32, #tpu.memory_space<vmem_shared>> -> memref<1x128xi32, #tpu.memory_space<vmem_shared>>
        tpu.wait_dma2 semaphore(%run_scoped3A : memref<!tpu.dma_semaphore, #tpu.memory_space<semaphore_mem>>) src(%dma_wait3A_759 : memref<1x128xi32, #tpu.memory_space<vmem_shared>>) dst(%arg14 : memref<1x128xi32, #tpu.memory_space<smem>>)
        tpu.yield
      }) : () -> ()
      %scan3A_733 = arith.constant 0 : i32
      %scan3A_734 = arith.constant 128 : i32
      %scan3A_735 = arith.addi %scan3A_733, %scan3A_734 : i32
      %scan3A_736 = arith.constant 1 : i32
      scf.for %scan3A_752 = %scan3A_733 to %scan3A_735 step %scan3A_736  : i32 {
        %mul3A_753 = arith.constant 1 : i32
        %mul3A_754 = arith.muli %scan3A_752, %mul3A_753 : i32
        %add3A_755 = arith.constant 0 : i32
        %add3A_756 = arith.addi %add3A_755, %mul3A_754 : i32
        %get3A = arith.constant 0 : i32
        %get3A_757 = arith.index_cast %get3A : i32 to index
        %get3A_758 = arith.index_cast %add3A_756 : i32 to index
        %get3A_759 = memref.load %arg14[%get3A_757, %get3A_758] : memref<1x128xi32, #tpu.memory_space<smem>>
        %ge3A_760 = arith.constant 0 : i32
        %ge3A_761 = arith.cmpi sge, %get3A_759, %ge3A_760 : i32
        %convert_element_type3A_762 = arith.extui %ge3A_761 : i1 to i32
        %cond3A_763 = arith.constant 0 : i32
        %cond3A_764 = arith.cmpi ne, %convert_element_type3A_762, %cond3A_763 : i32
        scf.if %cond3A_764 {
          %dma_start3A_769 = arith.constant 0 : i32
          %dma_start3A_770 = tpu.memref_slice %arg17[%add3A_756, %dma_start3A_769] : memref<128x128xf32, #tpu.memory_space<vmem>> -> memref<1x128xf32, #tpu.memory_space<vmem>>
          %dma_start3A_771 = arith.constant 0 : i32
          %dma_start3A_772 = tpu.memref_slice %arg5[%get3A_759, %dma_start3A_771] : memref<262144x128xf32, #tpu.memory_space<hbm>> -> memref<1x128xf32, #tpu.memory_space<hbm>>
          %dma_start3A_773 = arith.constant 0 : i32
          %dma_start3A_774 = tpu.memref_slice %arg17[%add3A_756, %dma_start3A_773] : memref<128x128xf32, #tpu.memory_space<vmem>> -> memref<1x128xf32, #tpu.memory_space<vmem>>
          %dma_start3A_775 = arith.constant 0 : i32
          %dma_start3A_776 = tpu.memref_slice %arg5[%get3A_759, %dma_start3A_775] : memref<262144x128xf32, #tpu.memory_space<hbm>> -> memref<1x128xf32, #tpu.memory_space<hbm>>
          tpu.enqueue_dma source(%dma_start3A_776 : memref<1x128xf32, #tpu.memory_space<hbm>>) target(%dma_start3A_774 : memref<1x128xf32, #tpu.memory_space<vmem>>) target_semaphore(%arg23 : memref<!tpu.dma_semaphore, #tpu.memory_space<semaphore_mem>>)
        } else {
        }
        %lt3A = arith.constant 0 : i32
        %lt3A_765 = arith.cmpi slt, %get3A_759, %lt3A : i32
        %convert_element_type3A_766 = arith.extui %lt3A_765 : i1 to i32
        %cond3A_767 = arith.constant 0 : i32
        %cond3A_768 = arith.cmpi ne, %convert_element_type3A_766, %cond3A_767 : i32
        scf.if %cond3A_768 {
          %get3A_769 = arith.constant 0 : i32
          %get3A_770 = arith.index_cast %get3A_769 : i32 to index
          %get3A_771 = arith.index_cast %add3A_756 : i32 to index
          %get3A_772 = memref.load %arg13[%get3A_770, %get3A_771] : memref<1x128xi32, #tpu.memory_space<smem>>
          %sub3A = arith.subi %get3A_772, %mul3A_6 : i32
          %dma_start3A_773 = arith.constant 0 : i32
          %dma_start3A_774 = tpu.memref_slice %arg17[%add3A_756, %dma_start3A_773] : memref<128x128xf32, #tpu.memory_space<vmem>> -> memref<1x128xf32, #tpu.memory_space<vmem>>
          %dma_start3A_775 = arith.constant 0 : i32
          %dma_start3A_776 = tpu.memref_slice %arg4[%sub3A, %dma_start3A_775] : memref<1000000x128xf32, #tpu.memory_space<hbm>> -> memref<1x128xf32, #tpu.memory_space<hbm>>
          %dma_start3A_777 = arith.constant 0 : i32
          %dma_start3A_778 = tpu.memref_slice %arg17[%add3A_756, %dma_start3A_777] : memref<128x128xf32, #tpu.memory_space<vmem>> -> memref<1x128xf32, #tpu.memory_space<vmem>>
          %dma_start3A_779 = arith.constant 0 : i32
          %dma_start3A_780 = tpu.memref_slice %arg4[%sub3A, %dma_start3A_779] : memref<1000000x128xf32, #tpu.memory_space<hbm>> -> memref<1x128xf32, #tpu.memory_space<hbm>>
          tpu.enqueue_dma source(%dma_start3A_780 : memref<1x128xf32, #tpu.memory_space<hbm>>) target(%dma_start3A_778 : memref<1x128xf32, #tpu.memory_space<vmem>>) target_semaphore(%arg23 : memref<!tpu.dma_semaphore, #tpu.memory_space<semaphore_mem>>)
        } else {
        }
      }
      %scan3A_737 = arith.constant 128 : i32
      %scan3A_738 = arith.constant 0 : i32
      %scan3A_739 = arith.constant 128 : i32
      %scan3A_740 = arith.addi %scan3A_738, %scan3A_739 : i32
      %scan3A_741 = arith.constant 1 : i32
      scf.for %scan3A_752 = %scan3A_738 to %scan3A_740 step %scan3A_741  : i32 {
        %mul3A_753 = arith.constant 1 : i32
        %mul3A_754 = arith.muli %scan3A_752, %mul3A_753 : i32
        %add3A_755 = arith.constant 0 : i32
        %add3A_756 = arith.addi %add3A_755, %mul3A_754 : i32
        %dma_wait3A_757 = arith.constant 0 : i32
        %dma_wait3A_758 = arith.constant 0 : i32
        %dma_wait3A_759 = tpu.memref_slice %arg17[%dma_wait3A_757, %dma_wait3A_758] : memref<128x128xf32, #tpu.memory_space<vmem>> -> memref<1x128xf32, #tpu.memory_space<vmem>>
        %dma_wait3A_760 = arith.constant 0 : i32
        %dma_wait3A_761 = arith.constant 0 : i32
        %dma_wait3A_762 = tpu.memref_slice %arg4[%dma_wait3A_760, %dma_wait3A_761] : memref<1000000x128xf32, #tpu.memory_space<hbm>> -> memref<1x128xf32, #tpu.memory_space<hbm>>
        %dma_wait3A_763 = arith.constant 0 : i32
        %dma_wait3A_764 = arith.constant 0 : i32
        %dma_wait3A_765 = tpu.memref_slice %arg17[%dma_wait3A_763, %dma_wait3A_764] : memref<128x128xf32, #tpu.memory_space<vmem>> -> memref<1x128xf32, #tpu.memory_space<vmem>>
        %dma_wait3A_766 = arith.constant 0 : i32
        %dma_wait3A_767 = arith.constant 0 : i32
        %dma_wait3A_768 = tpu.memref_slice %arg4[%dma_wait3A_766, %dma_wait3A_767] : memref<1000000x128xf32, #tpu.memory_space<hbm>> -> memref<1x128xf32, #tpu.memory_space<hbm>>
        tpu.wait_dma2 semaphore(%arg23 : memref<!tpu.dma_semaphore, #tpu.memory_space<semaphore_mem>>) src(%dma_wait3A_768 : memref<1x128xf32, #tpu.memory_space<hbm>>) dst(%dma_wait3A_765 : memref<1x128xf32, #tpu.memory_space<vmem>>)
      }
      %scan3A_742 = arith.constant 128 : i32
      %add3A_743 = arith.constant 131072 : i32
      %add3A_744 = arith.addi %add3A_743, %mul3A_8 : i32
      %mul3A_745 = arith.constant 128 : i32
      %mul3A_746 = arith.muli %add3A_727, %mul3A_745 : i32
      %add3A_747 = arith.addi %add3A_744, %mul3A_746 : i32
      %dma_start3A_748 = arith.constant 0 : i32
      %dma_start3A_749 = tpu.memref_slice %arg6[%add3A_747, %dma_start3A_748] : memref<262144x128xf32, #tpu.memory_space<hbm>> -> memref<128x128xf32, #tpu.memory_space<hbm>>
      %dma_start3A_750 = arith.constant 0 : i32
      %dma_start3A_751 = tpu.memref_slice %arg6[%add3A_747, %dma_start3A_750] : memref<262144x128xf32, #tpu.memory_space<hbm>> -> memref<128x128xf32, #tpu.memory_space<hbm>>
      tpu.enqueue_dma source(%arg17 : memref<128x128xf32, #tpu.memory_space<vmem>>) target(%dma_start3A_751 : memref<128x128xf32, #tpu.memory_space<hbm>>) target_semaphore(%arg25 : memref<!tpu.dma_semaphore, #tpu.memory_space<semaphore_mem>>)
    }
    %scan3A_681 = arith.constant 16 : i32
    %add3A_682 = arith.constant 131072 : i32
    %add3A_683 = arith.addi %add3A_682, %mul3A_8 : i32
    %add3A_684 = arith.constant 3840 : i32
    %add3A_685 = arith.addi %add3A_683, %add3A_684 : i32
    %dma_wait3A_686 = arith.constant 0 : i32
    %dma_wait3A_687 = tpu.memref_slice %arg6[%add3A_685, %dma_wait3A_686] : memref<262144x128xf32, #tpu.memory_space<hbm>> -> memref<128x128xf32, #tpu.memory_space<hbm>>
    %dma_wait3A_688 = arith.constant 0 : i32
    %dma_wait3A_689 = tpu.memref_slice %arg6[%add3A_685, %dma_wait3A_688] : memref<262144x128xf32, #tpu.memory_space<hbm>> -> memref<128x128xf32, #tpu.memory_space<hbm>>
    tpu.wait_dma2 semaphore(%arg24 : memref<!tpu.dma_semaphore, #tpu.memory_space<semaphore_mem>>) src(%arg16 : memref<128x128xf32, #tpu.memory_space<vmem>>) dst(%dma_wait3A_689 : memref<128x128xf32, #tpu.memory_space<hbm>>)
    %add3A_690 = arith.constant 131072 : i32
    %add3A_691 = arith.addi %add3A_690, %mul3A_8 : i32
    %add3A_692 = arith.constant 3968 : i32
    %add3A_693 = arith.addi %add3A_691, %add3A_692 : i32
    %dma_wait3A_694 = arith.constant 0 : i32
    %dma_wait3A_695 = tpu.memref_slice %arg6[%add3A_693, %dma_wait3A_694] : memref<262144x128xf32, #tpu.memory_space<hbm>> -> memref<128x128xf32, #tpu.memory_space<hbm>>
    %dma_wait3A_696 = arith.constant 0 : i32
    %dma_wait3A_697 = tpu.memref_slice %arg6[%add3A_693, %dma_wait3A_696] : memref<262144x128xf32, #tpu.memory_space<hbm>> -> memref<128x128xf32, #tpu.memory_space<hbm>>
    tpu.wait_dma2 semaphore(%arg25 : memref<!tpu.dma_semaphore, #tpu.memory_space<semaphore_mem>>) src(%arg17 : memref<128x128xf32, #tpu.memory_space<vmem>>) dst(%dma_wait3A_697 : memref<128x128xf32, #tpu.memory_space<hbm>>)
    return
  }
}

</mosaic_0001>

<sc_bundles>
// kernel: kernel.3.cloned.1.call-start
scs
__scs_entry_jumppad:
0x0: {  	(pc) =	sbr.rel $0x88, $3  }
0x1: {  	(tag) =	ssettag $0x0;
	lr =	simm.s32 $0x1  }
0x2: {  	[smem:$0x3F9D] =	sst lr;
	_ =	strace $0xD0000000  }
0x3: {  	_ = 	snop  }
0x4: {  	_ = 	snop  }
0x5: {  	_ = 	snop  }
0x6: {  	_ = 	snop  }
0x7: {  	_ = 	snop  }
__scs_overlays_trampoline_lowered:
0x8: {  	[smem:$0x3FAC] =	sst s0  }
0x9: {  	[smem:$0x3FAD] =	sst s1  }
0xa: {  	[smem:$0x3FAE] =	sst s2  }
0xb: {  	[smem:$0x3FAF] =	sst s3  }
0xc: {  	[smem:$0x3FB0] =	sst s4  }
0xd: {  	[smem:$0x3FB1] =	sst s5  }
0xe: {  	[smem:$0x3FB2] =	sst s6  }
0xf: {  	[smem:$0x3FB3] =	sst s7  }
0x10: {  	[smem:$0x3FB4] =	sst s8  }
0x11: {  	[smem:$0x3FB5] =	sst s9;
	s0 =	simm.s32 @!p0 $0x0  }
0x12: {  	s1 =	sld [smem:$0x3F9B];
	s0 =	simm.s32 @p0 $0x1  }
0x13: {  	[smem:$0x3FB6] =	sst s0;
	s0 =	simm.s32 @!p1 $0x0  }
0x14: {  	s2 =	sld [smem:$0x3F9A];
	s0 =	simm.s32 @p1 $0x1  }
0x15: {  	[smem:$0x3FB7] =	sst s0;
	s0 =	simm.s32 @!p2 $0x0  }
0x16: {  	s3 =	sld [smem:$0x3FDB];
	s0 =	simm.s32 @p2 $0x1  }
0x17: {  	s4 =	simm.s32 $0x1BF5;
	[smem:$0x3FB9] =	sst s0  }
0x18: {  	s0 =	sld [smem:$0x3F9C];
	_ =	swait.ge [sflag:s4], $0x0  }
0x19: {  	s7 =	sld [smem:$0x3F9D]  }
0x1a: {  	s8 =	sadd.s32 $0xFFFFE003, lr  }
0x1b: {  	s9 =	sadd.s32 $0xFFFFFEF7, lr;
	s5 =	simm.s32 $0xFFFFFFFF;
	p2 =	slt.u32 s8, $0xFFFFF086  }
0x1c: {  	p1 =	slt.u32 s9, $0xF7A;
	s5 =	simm.s32 @!p2 $0x0  }
0x1d: {  	s5 =	simm.s32 @p1 $0x1;
	p0 =	seq.s32 s7, s2  }
0x1e: {  	s7 =	smul.u32 @!p0 $0xF7A, s2;
	p2 =	seq.s32 @!p0 s5, $0x0  }
0x1f: {  	s9 =	smul.u32 $0xF7A, s1;
	s8 =	simm.s32 @!p0 $0x1BF5;
	p2 =	por !p2, p0  }
0x20: {  	[sflag:s8] =	ssyncset.s32 @!p0 $0xFFFFF086;
	s6 =	sadd.s32 @!p0 s3, s7;
	s7 =	simm.s32 @!p0 $0x108  }
0x21: {  	s3 =	sadd.s32 s3, s9;
	s6 =	sadd.s32 @!p0 $0x88, s6;
	s7 =	simm.s32 @p2 $0x1082  }
0x22: {  	[simem:s7], [sflag:s8] =	dma.local @!p0 [hbm:s6], $0xF7A  }
0x23: {  	s9 =	sor.u32 $0xD0000000, s2;
	s6 =	simm.s32 $0x108;
	_ =	swait.ge @!p0 [sflag:s8], $0x0  }
0x24: {  	s3 =	sadd.s32 $0x88, s3;
	s6 =	simm.s32 @!p1 $0x1082;
	[sflag:s4] =	ssyncset.s32 $0xFFFFF086  }
0x25: {  	[simem:s6], [sflag:s4] =	dma.local [hbm:s3], $0xF7A  }
0x26: {  	[smem:$0x3F9D] =	sst s1;
	(tag) =	ssettag s2;
	_ =	strace s9  }
0x27: {  	s1 =	sld [smem:$0x3FAD]  }
0x28: {  	s2 =	sld [smem:$0x3FAE]  }
0x29: {  	s4 =	sld [smem:$0x3FB0]  }
0x2a: {  	p0 =	seq.s32 s5, $0x0;
	s5 =	sld [smem:$0x3FB1]  }
0x2b: {  	s6 =	sld [smem:$0x3FB2]  }
0x2c: {  	s7 =	sld [smem:$0x3FB3]  }
0x2d: {  	s3 =	simm.s32 $0x108;
	s8 =	sld [smem:$0x3FB4]  }
0x2e: {  	s3 =	simm.s32 @!p0 $0x1082;
	s9 =	sld [smem:$0x3FB5]  }
0x2f: {  	lr =	sadd.s32 s0, s3;
	s0 =	sld [smem:$0x3FAC]  }
0x30: {  	s3 =	sld [smem:$0x3FAF]  }
0x31: {  	[smem:$0x3FB8] =	sst s10  }
0x32: {  	s10 =	sld [smem:$0x3FB6];
	_ =	sdelay $0x3  }
0x33: {  	p0 =	seq.s32 s10, $0x1;
	s10 =	sld [smem:$0x3FB8];
	_ =	sdelay $0x3  }
0x34: {  	[smem:$0x3FB8] =	sst s10  }
0x35: {  	s10 =	sld [smem:$0x3FB7];
	_ =	sdelay $0x3  }
0x36: {  	p1 =	seq.s32 s10, $0x1;
	s10 =	sld [smem:$0x3FB8];
	_ =	sdelay $0x3  }
0x37: {  	[smem:$0x3FB8] =	sst s10  }
0x38: {  	s10 =	sld [smem:$0x3FB9]  }
0x39: {  	_ = 	snop;
	(pc) =	sbr.ind lr, $3  }
0x3a: {  	_ = 	snop  }
0x3b: {  	_ = 	snop  }
0x3c: {  	p2 =	seq.s32 s10, $0x1;
	s10 =	sld [smem:$0x3FB8]  }
0x3d: {  	_ =	shalt  }
0x3e: {  	_ =	shalt  }
0x3f: {  	_ =	shalt  }
0x40: {  	_ =	shalt  }
0x41: {  	_ =	shalt  }
0x42: {  	_ =	shalt  }
0x43: {  	_ =	shalt  }
0x44: {  	_ =	shalt  }
0x45: {  	_ =	shalt  }
0x46: {  	_ =	shalt  }
0x47: {  	_ =	shalt  }
0x48: {  	_ =	shalt  }
0x49: {  	_ =	shalt  }
0x4a: {  	_ =	shalt  }
0x4b: {  	_ =	shalt  }
0x4c: {  	_ =	shalt  }
0x4d: {  	_ =	shalt  }
0x4e: {  	_ =	shalt  }
0x4f: {  	_ =	shalt  }
0x50: {  	_ =	shalt  }
0x51: {  	_ =	shalt  }
0x52: {  	_ =	shalt  }
0x53: {  	_ =	shalt  }
0x54: {  	_ =	shalt  }
0x55: {  	_ =	shalt  }
0x56: {  	_ =	shalt  }
0x57: {  	_ =	shalt  }
0x58: {  	_ =	shalt  }
0x59: {  	_ =	shalt  }
0x5a: {  	_ =	shalt  }
0x5b: {  	_ =	shalt  }
0x5c: {  	_ =	shalt  }
0x5d: {  	_ =	shalt  }
0x5e: {  	_ =	shalt  }
0x5f: {  	_ =	shalt  }
0x60: {  	_ =	shalt  }
0x61: {  	_ =	shalt  }
0x62: {  	_ =	shalt  }
0x63: {  	_ =	shalt  }
0x64: {  	_ =	shalt  }
0x65: {  	_ =	shalt  }
0x66: {  	_ =	shalt  }
0x67: {  	_ =	shalt  }
0x68: {  	_ =	shalt  }
0x69: {  	_ =	shalt  }
0x6a: {  	_ =	shalt  }
0x6b: {  	_ =	shalt  }
0x6c: {  	_ =	shalt  }
0x6d: {  	_ =	shalt  }
0x6e: {  	_ =	shalt  }
0x6f: {  	_ =	shalt  }
0x70: {  	_ =	shalt  }
0x71: {  	_ =	shalt  }
0x72: {  	_ =	shalt  }
0x73: {  	_ =	shalt  }
0x74: {  	_ =	shalt  }
0x75: {  	_ =	shalt  }
0x76: {  	_ =	shalt  }
0x77: {  	_ =	shalt  }
0x78: {  	_ =	shalt  }
0x79: {  	_ =	shalt  }
0x7a: {  	_ =	shalt  }
0x7b: {  	_ =	shalt  }
0x7c: {  	_ =	shalt  }
0x7d: {  	_ =	shalt  }
0x7e: {  	_ =	shalt  }
0x7f: {  	_ =	shalt  }
0x80: {  	_ =	shalt  }
0x81: {  	_ =	shalt  }
0x82: {  	_ =	shalt  }
0x83: {  	_ =	shalt  }
0x84: {  	_ =	shalt  }
0x85: {  	_ =	shalt  }
0x86: {  	_ =	shalt  }
0x87: {  	_ =	shalt  }
.Lfunc_end0:
.L_simem_size_0:
called_computation_lowered:
.L_overlay_start_0:
0x88: {  	s2 =	sld [smem:$0x3FD9]  }
0x89: {  	s3 =	sld [smem:$0x3FFE];
	_ =	sdelay $0x1  }
0x8a: {  	s1 =	srdreg.scid  }
0x8b: {  	s0 =	sand.u32 $0x1, s1  }
0x8c: {  	s17 =	sshll.u32 s0, $0xA;
	s2 =	sadd.s32 s3, s2  }
0x8d: {  	s2 =	sadd.s32 s2, s17  }
0x8e: {  	[smem:$0x3FC4] =	sst s2  }
0x8f: {  	_ = 	snop  }
0x90: {  	s2 =	sld [smem:$0x3FC9]  }
0x91: {  	s18 =	sld [smem:$0x3FC8]  }
0x92: {  	s4 =	sld [smem:$0x3FD0];
	(tm) =	ssettm $0x1  }
0x93: {  	s5 =	sld [smem:$0x3FFB];
	_ =	sdelay $0x3  }
0x94: {  	_ =	strace s5  }
0x95: {  	s5 =	sld [smem:$0x3FFC];
	_ =	sdelay $0x3  }
0x96: {  	_ =	strace s5  }
0x97: {  	s5 =	sld [smem:$0x3FFD];
	_ =	sdelay $0x3  }
0x98: {  	_ =	strace s5  }
0x99: {  	_ =	strace $0x8FFFFFFF  }
0x9a: {  	s19 =	sld [smem:$0x3FDB];
	_ =	sdelay $0x1  }
0x9b: {  	s6 =	simm.s32 $_scs_section_size  }
0x9c: {  	s7 =	simm.s32 $_size__tile_overlayer_lowered;
	s8 =	simm.s32 $_tile_overlayer_lowered  }
0x9d: {  	s22 =	simm.s32 $0x1BFF;
	s21 =	sshll.u32 s8, $0x1;
	s5 =	sadd.s32 s6, s19  }
0x9e: {  	s9 =	simm.s32 $0x0;
	s20 =	sshll.u32 s7, $0x1;
	s7 =	sadd.s32 s21, s5  }
0x9f: {  	[timem:s9], [sflag:s22] =	dma.local [hbm:s7], s20  }
0xa0: {  	_ =	swait.ge [sflag:s22], s20  }
0xa1: {  	s6 =	ssub.s32 $0x0, s20;
	[sflag:s22] =	ssyncset.done $0x0  }
0xa2: {  	[sflag:s22] =	ssyncadd.s32 s6;
	_ =	sdelay $0x1  }
0xa3: {  	s23 =	simm.s32 $0x1B8B  }
0xa4: {  	_ =	swait.ge [sflag:s23], $0x1  }
0xa5: {  	[sflag:s23] =	ssyncset.done $0x0  }
0xa6: {  	s25 =	simm.s32 $0x1B8E;
	s24 =	sld [smem:$0x3FFE];
	[sflag:s23] =	ssyncadd.s32 $0xFFFFFFFF  }
0xa7: {  	s26 =	simm.s32 $execute0_lowered;
	[smem:$0x3FD2] =	sst s25  }
0xa8: {  	s7 =	sshll.u32 s26, $0x1;
	_ =	strace $0x80000046;
	[dreg:$0x1] =	wrdreg $0xFFFFFFFF  }
0xa9: {  	s28 =	simm.s32 $_size_execute0_lowered;
	s5 =	sadd.s32 s5, s7;
	[dreg:$0x0] =	wrdreg $0x0  }
0xaa: {  	s7 =	sshll.u32 s28, $0x1;
	[dreg:$0x2] =	wrdreg s5  }
0xab: {  	[dreg:$0x3] =	wrdreg s7  }
0xac: {  	[dreg:$0x4] =	wrdreg $0xC0  }
0xad: {  	_ =	task [dreg:s9], $0x5FFFF  }
0xae: {  	[dreg:$0x1] =	wrdreg $0xFFFFFFFF  }
0xaf: {  	[dreg:$0x0] =	wrdreg $0x60  }
0xb0: {  	[dreg:$0x2] =	wrdreg s24  }
0xb1: {  	[dreg:$0x3] =	wrdreg s2  }
0xb2: {  	[dreg:$0x4] =	wrdreg s18  }
0xb3: {  	[dreg:$0x5] =	wrdreg s4  }
0xb4: {  	[dreg:$0x6] =	wrdreg $0x130000  }
0xb5: {  	[dreg:$0x7] =	wrdreg $0x9  }
0xb6: {  	_ =	task.clear_ibuf [dreg:s9], $0x8FFFF;
	_ =	strace $0x90000046  }
0xb7: {  	s29 =	simm.s32 $0x9;
	_ =	strace $0x80000048  }
0xb8: {  	_ =	swait.ge [sflag:s29], $0x1  }
0xb9: {  	[sflag:s29] =	ssyncadd.s32 $0xFFFFFFFF  }
0xba: {  	_ =	strace $0x90000048  }
0xbb: {  	_ =	sfence  }
0xbc: {  	s30 =	sld [smem:$0x0];
	_ =	sdelay $0x2  }
0xbd: {  	s31 =	sshll.u32 s1, $0xD;
	s1 =	sshrl.u32 s1, $0x2  }
0xbe: {  	s3 =	sand.u32 $0x4000, s31;
	s1 =	sadd.s32 s1, s30  }
0xbf: {  	s0 =	sor.u32 s3, s0;
	s1 =	sshll.u32 s1, $0x11  }
0xc0: {  	s0 =	sor.u32 s1, s0  }
0xc1: {  	s0 =	sadd.s32 $0x8F2B, s0  }
0xc2: {  	[sflag:s0] =	ssyncadd.remote.s32 $0x1  }
0xc3: {  	_ =	sfence.sel $0xFFFF  }
0xc4: {  	[dreg:$0x0] =	wrdreg $0xFFFFFFFF;
	(pc) =	sbr.abs _section_cstart, $3  }
0xc5: {  	[dreg:$0x1] =	wrdreg $0xFFFFFFFF  }
0xc6: {  	_ =	task.clear_ibuf [dreg:s9], $0x2FFFF;
	_ =	strace $0x9FFFFFFF  }
0xc7: {  	(tm) =	ssettm $0x7FFFFFFF  }
tec
execute0_lowered:
.L_overlay_start_1:
0x0: {  	(tag) =	ssettag $0x1  }
0x1: {  	s4 =	rddreg [dreg:$0x0]  }
0x2: {  	s1 =	rddreg [dreg:$0x1]  }
0x3: {  	s2 =	rddreg [dreg:$0x2]  }
0x4: {  	s17 =	rddreg [dreg:$0x3]  }
0x5: {  	s6 =	rddreg [dreg:$0x4]  }
0x6: {  	s0 =	srdreg.scid;
	s13 =	stileid.u32  }
0x7: {  	s5 =	simm.s32 $0x0;
	s20 =	simm.s32 $0x8;
	s22 =	simm.s32 $0x1  }
0x8: {  	s28 =	simm.s32 $0x3;
	s30 =	simm.s32 $0x4;
	s31 =	simm.s32 $0x17100  }
0x9: {  	s8 =	sand.u32 $0x1, s0;
	s16 =	sshll.u32 s13, $0x1;
	[smem:$0x7FF] =	sst s5  }
0xa: {  	s3 =	sadd.s32 $0x800, s4;
	s7 =	sadd.s32 $0x8800, s4;
	s19 =	sshll.u32 s13, $0x10  }
0xb: {  	s23 =	sadd.s32 $0x900, s4;
	s12 =	sadd.s32 $0xB00, s4;
	s25 =	sshll.u32 s13, $0x8  }
0xc: {  	s9 =	sor.u32 s8, s16;
	_ =	strace $0x80000047;
	[dreg:$0x6] =	wrdreg s3  }
0xd: {  	s18 =	ssub.s32 $0x2, s8;
	s21 =	sadd.s32 $0x10000, s19;
	s8 =	sshll.u32 s8, $0x14  }
0xe: {  	[dreg:$0x8] =	wrdreg s23;
	s15 =	sadd.s32 s25, s6;
	s6 =	simm.s32 $0x800  }
0xf: {  	s23 =	simm.s32 $0x1000;
	s25 =	simm.s32 $0x80;
	s0 =	sshll.u32 s9, $0x9  }
0x10: {  	s11 =	sshrl.u32 s18, $0x1;
	s9 =	sshll.u32 s9, $0xC;
	s24 =	sor.u32 s19, s8  }
0x11: {  	s16 =	sadd.s32 $0x80, s15;
	s10 =	sadd.s32 s0, s4;
	s14 =	ssub.s32 s18, s11  }
0x12: {  	s11 =	sadd.s32 $0xA00, s4;
	s4 =	sshrl.u32 s24, $0x3;
	s13 =	sor.u32 $0x20000, s9  }
0x13: {  	s24 =	simm.s32 $0x2;
	s9 =	simm.s32 $0x0;
	s10 =	sadd.s32 $0x4800, s10  }
0x14: {  	s4 =	sadd.s32 s7, s4;
	s26 =	sshll.u32 s13, $0x4;
	[dreg:$0x7] =	wrdreg s10  }
0x15: {  	v3 =	vimm.s32 $0xFFFFFFFF;
	v4 =	vlaneseq.u32;
	s29 =	smax.u32 s14, $0x1;
	[dreg:$0x9] =	wrdreg s4;
	s17 =	sadd.s32 s17, s26  }
0x16: {  	v0 =	vmov s19;
	v1 =	vmov s21;
	v2 =	vmov s8;
	[dreg:$0xa] =	wrdreg s29;
	s4 =	simm.s32 $0x11000;
	s26 =	simm.s32 $0x7  }
.LBB2_1:
0x17: {  	[dreg:$0xb] =	wrdreg s9;
	s0 =	simm.s32 $0x40;
	s3 =	simm.s32 $0x0  }
.LBB2_2:
0x18: {  	p0 =	sne.s32 s0, $0x3FFC0;
	[tilespmem:s3+$0x1000] =	vst v3;
	s3 =	smov.u32 s0;
	s0 =	sadd.s32 $0x40, s0  }
.Ltmp0:
0x19: {  	(pc) =	sbr.rel @p0 .LBB2_2-.Ltmp0, $2  }
0x1a: {  	_ =	sdelay $0x2  }
0x1b: {  	s3 =	sshra.s32 s3, $0x2  }
0x1c: {  	[tilespmem:s3+$0x1000] =	vst v3;
	s0 =	simm.s32 $0x0;
	s29 =	rddreg [dreg:$0x7]  }
0x1d: {  	[tilespmem:s4], [sflag:$0x8] =	stream.linear.gather [hbm4b:s29+s0], $0x1000, $0x38;
	[tilespmem:$0x1B100] =	vst v63  }
0x1e: {  	_ =	swait.ge [sflag:s20], $0x1000  }
0x1f: {  	[sflag:s20] =	ssyncset.done $0x0  }
0x20: {  	s0 =	simm.s32 $0x0;
	[sflag:s20] =	ssyncadd.s32 $0xFFFFF000  }
0x21: {  	v7 =	vld [tilespmem:s0+$0x11000]  }
0x22: {  	v9 =	vld [tilespmem:s0+$0x11010]  }
0x23: {  	v8 =	vld [tilespmem:s0+$0x11020]  }
0x24: {  	v6 =	vld [tilespmem:s0+$0x11030]  }
0x25: {  	v5 =	vld [tilespmem:s0+$0x11040]  }
0x26: {  	v10 =	vadd.s32 v2, v7;
	v7 =	vld [tilespmem:s0+$0x11050]  }
0x27: {  	s9 =	simm.s32 $0x200;
	[tilespmem:s0+$0x11000] =	vst v10;
	v10 =	vadd.s32 v2, v9;
	v9 =	vld [tilespmem:s0+$0x11060]  }
.LBB2_4:
0x28: {  	s3 =	sshra.s32 s9, $0x2;
	p0 =	sne.s32 s9, $0x3E00;
	[tilespmem:s0+$0x11010] =	vst v10;
	v8 =	vadd.s32 v2, v8;
	v10 =	vld [tilespmem:s0+$0x11070]  }
0x29: {  	v11 =	vld [tilespmem:s3+$0x11000];
	[tilespmem:s0+$0x11020] =	vst v8;
	v6 =	vadd.s32 v2, v6  }
0x2a: {  	v12 =	vld [tilespmem:s3+$0x11010];
	[tilespmem:s0+$0x11030] =	vst v6;
	v5 =	vadd.s32 v2, v5  }
.Ltmp1:
0x2b: {  	v8 =	vld [tilespmem:s3+$0x11020];
	[tilespmem:s0+$0x11040] =	vst v5;
	v5 =	vadd.s32 v2, v7;
	(pc) =	sbr.rel @p0 .LBB2_4-.Ltmp1, $4  }
0x2c: {  	v6 =	vld [tilespmem:s3+$0x11030];
	[tilespmem:s0+$0x11050] =	vst v5;
	v7 =	vadd.s32 v2, v9  }
0x2d: {  	v5 =	vld [tilespmem:s3+$0x11040];
	[tilespmem:s0+$0x11060] =	vst v7;
	v9 =	vadd.s32 v2, v10  }
0x2e: {  	v10 =	vadd.s32 v2, v11;
	v7 =	vld [tilespmem:s3+$0x11050];
	[tilespmem:s0+$0x11070] =	vst v9;
	s0 =	smov.u32 s3  }
0x2f: {  	s9 =	sadd.s32 $0x200, s9;
	[tilespmem:s0+$0x11000] =	vst v10;
	v10 =	vadd.s32 v2, v12;
	v9 =	vld [tilespmem:s0+$0x11060]  }
0x30: {  	[tilespmem:s0+$0x11010] =	vst v10;
	v8 =	vadd.s32 v2, v8;
	v63 =	vld [tilespmem:s0+$0x11070]  }
0x31: {  	[tilespmem:s0+$0x11020] =	vst v8;
	v6 =	vadd.s32 v2, v6  }
0x32: {  	[tilespmem:s0+$0x11030] =	vst v6;
	v5 =	vadd.s32 v2, v5  }
0x33: {  	[tilespmem:s0+$0x11040] =	vst v5;
	v5 =	vadd.s32 v2, v7  }
0x34: {  	[tilespmem:s0+$0x11050] =	vst v5;
	v5 =	vadd.s32 v2, v9  }
0x35: {  	[tilespmem:s0+$0x11060] =	vst v5;
	v5 =	vadd.s32 v2, v63  }
0x36: {  	s9 =	simm.s32 $0x0;
	s21 =	rddreg [dreg:$0x6];
	[tilespmem:s0+$0x11070] =	vst v5  }
0x37: {  	[tilespmem:s9], [sflag:$0x1] =	stream.linear.gather [hbm4b:s21+s9], $0x800, $0x38;
	[tilespmem:$0x1B100] =	vst v63  }
0x38: {  	s29 =	rddreg [dreg:$0x8];
	s19 =	simm.s32 $0x0  }
0x39: {  	[tilespmem:s6], [sflag:$0x2] =	stream.linear.gather [hbm4b:s29+s9], $0x800, $0x38;
	[tilespmem:$0x1B100] =	vst v63  }
.LBB2_6:
0x3a: {  	_ =	swait.ge [sflag:s22], $0x800  }
0x3b: {  	[sflag:s22] =	ssyncset.done $0x0  }
0x3c: {  	s10 =	simm.s32 $0x40;
	s14 =	simm.s32 $0x0;
	[sflag:s22] =	ssyncadd.s32 $0xFFFFF800  }
.LBB2_7:
0x3d: {  	v5 =	vld [tilespmem:s10+$0xFFFFFFC0];
	_ =	sdelay $0x4  }
0x3e: {  	vm0 =	vge.s32 v5, v0;
	vm1 =	vlt.s32 v5, v1  }
0x3f: {  	v5 =	vsub.s32 v5, v0;
	vm0 =	vmand vm0, vm1  }
0x40: {  	v5 =	vnsel vm0, $0x0, v5;
	_ =	sdelay $0x2  }
0x41: {  	s0 =	sadd.s32 s14, s9  }
0x42: {  	v6 =	vor.u32 s0, v4  }
0x43: {  	[tilespmem:v5+s23+$0x0] =	vst.idx.msk vm0, v6  }
0x44: {  	v7 =	vld.idx.msk [tilespmem:v5+s23+$0x0], vm0;
	_ =	sdelay $0x4  }
0x45: {  	vm6 =	vlt.s32 v7, v6  }
0x46: {  	vm0 =	vmand vm0, vm6;
	_ =	sdelay $0x5  }
0x47: {  	[tilespmem:v5+s23+$0x0] =	vst.idx.msk vm0, v6  }
0x48: {  	v5 =	vld [tilespmem:s10+$0xFFFFFFD0];
	_ =	sdelay $0x4  }
0x49: {  	vm7 =	vge.s32 v5, v0;
	vm8 =	vlt.s32 v5, v1  }
0x4a: {  	v5 =	vsub.s32 v5, v0;
	vm0 =	vmand vm7, vm8  }
0x4b: {  	v5 =	vnsel vm0, $0x0, v5;
	_ =	sdelay $0x2  }
0x4c: {  	s3 =	sadd.s32 $0x10, s0  }
0x4d: {  	v6 =	vor.u32 s3, v4  }
0x4e: {  	[tilespmem:v5+s23+$0x0] =	vst.idx.msk vm0, v6  }
0x4f: {  	v7 =	vld.idx.msk [tilespmem:v5+s23+$0x0], vm0;
	_ =	sdelay $0x4  }
0x50: {  	vm9 =	vlt.s32 v7, v6  }
0x51: {  	vm0 =	vmand vm0, vm9;
	_ =	sdelay $0x5  }
0x52: {  	[tilespmem:v5+s23+$0x0] =	vst.idx.msk vm0, v6  }
0x53: {  	v5 =	vld [tilespmem:s10+$0xFFFFFFE0];
	_ =	sdelay $0x4  }
0x54: {  	vm10 =	vge.s32 v5, v0;
	vm11 =	vlt.s32 v5, v1  }
0x55: {  	v5 =	vsub.s32 v5, v0;
	vm0 =	vmand vm10, vm11  }
0x56: {  	v5 =	vnsel vm0, $0x0, v5;
	_ =	sdelay $0x2  }
0x57: {  	s21 =	sadd.s32 $0x20, s0  }
0x58: {  	v6 =	vor.u32 s21, v4  }
0x59: {  	[tilespmem:v5+s23+$0x0] =	vst.idx.msk vm0, v6  }
0x5a: {  	v7 =	vld.idx.msk [tilespmem:v5+s23+$0x0], vm0;
	_ =	sdelay $0x4  }
0x5b: {  	vm12 =	vlt.s32 v7, v6  }
0x5c: {  	vm0 =	vmand vm0, vm12;
	_ =	sdelay $0x5  }
0x5d: {  	[tilespmem:v5+s23+$0x0] =	vst.idx.msk vm0, v6  }
0x5e: {  	v5 =	vld [tilespmem:s10+$0xFFFFFFF0];
	_ =	sdelay $0x4  }
0x5f: {  	vm13 =	vge.s32 v5, v0;
	vm14 =	vlt.s32 v5, v1  }
0x60: {  	v5 =	vsub.s32 v5, v0;
	vm0 =	vmand vm13, vm14  }
0x61: {  	v5 =	vnsel vm0, $0x0, v5;
	_ =	sdelay $0x2  }
0x62: {  	s29 =	sadd.s32 $0x30, s0  }
0x63: {  	v6 =	vor.u32 s29, v4  }
0x64: {  	[tilespmem:v5+s23+$0x0] =	vst.idx.msk vm0, v6  }
0x65: {  	v7 =	vld.idx.msk [tilespmem:v5+s23+$0x0], vm0;
	_ =	sdelay $0x4  }
0x66: {  	vm15 =	vlt.s32 v7, v6  }
0x67: {  	vm0 =	vmand vm0, vm15;
	_ =	sdelay $0x5  }
0x68: {  	[tilespmem:v5+s23+$0x0] =	vst.idx.msk vm0, v6  }
0x69: {  	v5 =	vld [tilespmem:s10+$0x0];
	_ =	sdelay $0x4  }
0x6a: {  	vm4 =	vge.s32 v5, v0;
	vm5 =	vlt.s32 v5, v1  }
0x6b: {  	v5 =	vsub.s32 v5, v0;
	vm0 =	vmand vm4, vm5  }
0x6c: {  	v5 =	vnsel vm0, $0x0, v5;
	_ =	sdelay $0x2  }
0x6d: {  	s18 =	sadd.s32 $0x40, s0  }
0x6e: {  	v6 =	vor.u32 s18, v4  }
0x6f: {  	[tilespmem:v5+s23+$0x0] =	vst.idx.msk vm0, v6  }
0x70: {  	v7 =	vld.idx.msk [tilespmem:v5+s23+$0x0], vm0;
	_ =	sdelay $0x4  }
0x71: {  	vm6 =	vlt.s32 v7, v6  }
0x72: {  	vm0 =	vmand vm0, vm6;
	_ =	sdelay $0x5  }
0x73: {  	[tilespmem:v5+s23+$0x0] =	vst.idx.msk vm0, v6  }
0x74: {  	v5 =	vld [tilespmem:s10+$0x10];
	_ =	sdelay $0x4  }
0x75: {  	vm7 =	vge.s32 v5, v0;
	vm8 =	vlt.s32 v5, v1  }
0x76: {  	v5 =	vsub.s32 v5, v0;
	vm0 =	vmand vm7, vm8  }
0x77: {  	v5 =	vnsel vm0, $0x0, v5;
	_ =	sdelay $0x2  }
0x78: {  	s21 =	sadd.s32 $0x50, s0  }
0x79: {  	v6 =	vor.u32 s21, v4  }
0x7a: {  	[tilespmem:v5+s23+$0x0] =	vst.idx.msk vm0, v6  }
0x7b: {  	v7 =	vld.idx.msk [tilespmem:v5+s23+$0x0], vm0;
	_ =	sdelay $0x4  }
0x7c: {  	vm9 =	vlt.s32 v7, v6  }
0x7d: {  	vm0 =	vmand vm0, vm9;
	_ =	sdelay $0x5  }
0x7e: {  	[tilespmem:v5+s23+$0x0] =	vst.idx.msk vm0, v6  }
0x7f: {  	v5 =	vld [tilespmem:s10+$0x20];
	_ =	sdelay $0x4  }
0x80: {  	vm10 =	vge.s32 v5, v0;
	vm11 =	vlt.s32 v5, v1  }
0x81: {  	v5 =	vsub.s32 v5, v0;
	vm0 =	vmand vm10, vm11  }
0x82: {  	v5 =	vnsel vm0, $0x0, v5;
	_ =	sdelay $0x2  }
0x83: {  	s29 =	sadd.s32 $0x60, s0  }
0x84: {  	v6 =	vor.u32 s29, v4  }
0x85: {  	[tilespmem:v5+s23+$0x0] =	vst.idx.msk vm0, v6  }
0x86: {  	v7 =	vld.idx.msk [tilespmem:v5+s23+$0x0], vm0;
	_ =	sdelay $0x4  }
0x87: {  	vm12 =	vlt.s32 v7, v6  }
0x88: {  	vm0 =	vmand vm0, vm12;
	_ =	sdelay $0x5  }
0x89: {  	[tilespmem:v5+s23+$0x0] =	vst.idx.msk vm0, v6  }
0x8a: {  	v5 =	vld [tilespmem:s10+$0x30];
	_ =	sdelay $0x4  }
0x8b: {  	vm13 =	vge.s32 v5, v0;
	vm14 =	vlt.s32 v5, v1  }
0x8c: {  	v5 =	vsub.s32 v5, v0;
	vm0 =	vmand vm13, vm14  }
0x8d: {  	v5 =	vnsel vm0, $0x0, v5;
	_ =	sdelay $0x2  }
0x8e: {  	s0 =	sadd.s32 $0x70, s0  }
0x8f: {  	v6 =	vor.u32 s0, v4  }
0x90: {  	[tilespmem:v5+s23+$0x0] =	vst.idx.msk vm0, v6  }
0x91: {  	v7 =	vld.idx.msk [tilespmem:v5+s23+$0x0], vm0;
	_ =	sdelay $0x4  }
0x92: {  	vm15 =	vlt.s32 v7, v6  }
0x93: {  	vm0 =	vmand vm0, vm15  }
0x94: {  	p0 =	sne.s32 s14, $0x780  }
.Ltmp2:
0x95: {  	_ = 	snop;
	(pc) =	sbr.rel @p0 .LBB2_7-.Ltmp2, $2  }
0x96: {  	_ =	sdelay $0x2  }
0x97: {  	s14 =	sadd.s32 $0x80, s14;
	s10 =	sadd.s32 $0x80, s10;
	[tilespmem:v5+s23+$0x0] =	vst.idx.msk vm0, v6  }
0x98: {  	s10 =	sshll.u32 s19, $0x9;
	p0 =	seq.s32 s19, $0x1F  }
0x99: {  	s0 =	sadd.s32 @!p0 s10, s11;
	s3 =	simm.s32 @!p0 $0x0  }
0x9a: {  	[tilespmem:s3], [sflag:$0x1] =	stream.linear.gather @!p0 [hbm4b:s0+s3], $0x800, $0x38;
	[tilespmem:$0x1B100] =	vst v63  }
0x9b: {  	_ =	swait.ge [sflag:s24], $0x800  }
0x9c: {  	[sflag:s24] =	ssyncset.done $0x0  }
0x9d: {  	s14 =	simm.s32 $0x0;
	s18 =	simm.s32 $0x840;
	[sflag:s24] =	ssyncadd.s32 $0xFFFFF800  }
.LBB2_9:
0x9e: {  	v5 =	vld [tilespmem:s18+$0xFFFFFFC0];
	_ =	sdelay $0x4  }
0x9f: {  	vm0 =	vge.s32 v5, v0;
	vm1 =	vlt.s32 v5, v1  }
0xa0: {  	v5 =	vsub.s32 v5, v0;
	vm0 =	vmand vm0, vm1  }
0xa1: {  	v5 =	vnsel vm0, $0x0, v5;
	_ =	sdelay $0x1  }
0xa2: {  	s0 =	sadd.s32 s14, s9  }
0xa3: {  	s3 =	sadd.s32 $0x800, s0  }
0xa4: {  	v6 =	vor.u32 s3, v4  }
0xa5: {  	[tilespmem:v5+s23+$0x0] =	vst.idx.msk vm0, v6  }
0xa6: {  	v7 =	vld.idx.msk [tilespmem:v5+s23+$0x0], vm0;
	_ =	sdelay $0x4  }
0xa7: {  	vm6 =	vlt.s32 v7, v6  }
0xa8: {  	vm0 =	vmand vm0, vm6;
	_ =	sdelay $0x5  }
0xa9: {  	[tilespmem:v5+s23+$0x0] =	vst.idx.msk vm0, v6  }
0xaa: {  	v5 =	vld [tilespmem:s18+$0xFFFFFFD0];
	_ =	sdelay $0x4  }
0xab: {  	vm7 =	vge.s32 v5, v0;
	vm8 =	vlt.s32 v5, v1  }
0xac: {  	v5 =	vsub.s32 v5, v0;
	vm0 =	vmand vm7, vm8  }
0xad: {  	v5 =	vnsel vm0, $0x0, v5;
	_ =	sdelay $0x2  }
0xae: {  	s21 =	sadd.s32 $0x810, s0  }
0xaf: {  	v6 =	vor.u32 s21, v4  }
0xb0: {  	[tilespmem:v5+s23+$0x0] =	vst.idx.msk vm0, v6  }
0xb1: {  	v7 =	vld.idx.msk [tilespmem:v5+s23+$0x0], vm0;
	_ =	sdelay $0x4  }
0xb2: {  	vm9 =	vlt.s32 v7, v6  }
0xb3: {  	vm0 =	vmand vm0, vm9;
	_ =	sdelay $0x5  }
0xb4: {  	[tilespmem:v5+s23+$0x0] =	vst.idx.msk vm0, v6  }
0xb5: {  	v5 =	vld [tilespmem:s18+$0xFFFFFFE0];
	_ =	sdelay $0x4  }
0xb6: {  	vm10 =	vge.s32 v5, v0;
	vm11 =	vlt.s32 v5, v1  }
0xb7: {  	v5 =	vsub.s32 v5, v0;
	vm0 =	vmand vm10, vm11  }
0xb8: {  	v5 =	vnsel vm0, $0x0, v5;
	_ =	sdelay $0x2  }
0xb9: {  	s29 =	sadd.s32 $0x820, s0  }
0xba: {  	v6 =	vor.u32 s29, v4  }
0xbb: {  	[tilespmem:v5+s23+$0x0] =	vst.idx.msk vm0, v6  }
0xbc: {  	v7 =	vld.idx.msk [tilespmem:v5+s23+$0x0], vm0;
	_ =	sdelay $0x4  }
0xbd: {  	vm12 =	vlt.s32 v7, v6  }
0xbe: {  	vm0 =	vmand vm0, vm12;
	_ =	sdelay $0x5  }
0xbf: {  	[tilespmem:v5+s23+$0x0] =	vst.idx.msk vm0, v6  }
0xc0: {  	v5 =	vld [tilespmem:s18+$0xFFFFFFF0];
	_ =	sdelay $0x4  }
0xc1: {  	vm13 =	vge.s32 v5, v0;
	vm14 =	vlt.s32 v5, v1  }
0xc2: {  	v5 =	vsub.s32 v5, v0;
	vm0 =	vmand vm13, vm14  }
0xc3: {  	v5 =	vnsel vm0, $0x0, v5;
	_ =	sdelay $0x2  }
0xc4: {  	s21 =	sadd.s32 $0x830, s0  }
0xc5: {  	v6 =	vor.u32 s21, v4  }
0xc6: {  	[tilespmem:v5+s23+$0x0] =	vst.idx.msk vm0, v6  }
0xc7: {  	v7 =	vld.idx.msk [tilespmem:v5+s23+$0x0], vm0;
	_ =	sdelay $0x4  }
0xc8: {  	vm15 =	vlt.s32 v7, v6  }
0xc9: {  	vm0 =	vmand vm0, vm15;
	_ =	sdelay $0x5  }
0xca: {  	[tilespmem:v5+s23+$0x0] =	vst.idx.msk vm0, v6  }
0xcb: {  	v5 =	vld [tilespmem:s18+$0x0];
	_ =	sdelay $0x4  }
0xcc: {  	vm4 =	vge.s32 v5, v0;
	vm5 =	vlt.s32 v5, v1  }
0xcd: {  	v5 =	vsub.s32 v5, v0;
	vm0 =	vmand vm4, vm5  }
0xce: {  	v5 =	vnsel vm0, $0x0, v5;
	_ =	sdelay $0x2  }
0xcf: {  	s29 =	sadd.s32 $0x840, s0  }
0xd0: {  	v6 =	vor.u32 s29, v4  }
0xd1: {  	[tilespmem:v5+s23+$0x0] =	vst.idx.msk vm0, v6  }
0xd2: {  	v7 =	vld.idx.msk [tilespmem:v5+s23+$0x0], vm0;
	_ =	sdelay $0x4  }
0xd3: {  	vm6 =	vlt.s32 v7, v6  }
0xd4: {  	vm0 =	vmand vm0, vm6;
	_ =	sdelay $0x5  }
0xd5: {  	[tilespmem:v5+s23+$0x0] =	vst.idx.msk vm0, v6  }
0xd6: {  	v5 =	vld [tilespmem:s18+$0x10];
	_ =	sdelay $0x4  }
0xd7: {  	vm7 =	vge.s32 v5, v0;
	vm8 =	vlt.s32 v5, v1  }
0xd8: {  	v5 =	vsub.s32 v5, v0;
	vm0 =	vmand vm7, vm8  }
0xd9: {  	v5 =	vnsel vm0, $0x0, v5;
	_ =	sdelay $0x2  }
0xda: {  	s21 =	sadd.s32 $0x850, s0  }
0xdb: {  	v6 =	vor.u32 s21, v4  }
0xdc: {  	[tilespmem:v5+s23+$0x0] =	vst.idx.msk vm0, v6  }
0xdd: {  	v7 =	vld.idx.msk [tilespmem:v5+s23+$0x0], vm0;
	_ =	sdelay $0x4  }
0xde: {  	vm9 =	vlt.s32 v7, v6  }
0xdf: {  	vm0 =	vmand vm0, vm9;
	_ =	sdelay $0x5  }
0xe0: {  	[tilespmem:v5+s23+$0x0] =	vst.idx.msk vm0, v6  }
0xe1: {  	v5 =	vld [tilespmem:s18+$0x20];
	_ =	sdelay $0x4  }
0xe2: {  	vm10 =	vge.s32 v5, v0;
	vm11 =	vlt.s32 v5, v1  }
0xe3: {  	v5 =	vsub.s32 v5, v0;
	vm0 =	vmand vm10, vm11  }
0xe4: {  	v5 =	vnsel vm0, $0x0, v5;
	_ =	sdelay $0x2  }
0xe5: {  	s29 =	sadd.s32 $0x860, s0  }
0xe6: {  	v6 =	vor.u32 s29, v4  }
0xe7: {  	[tilespmem:v5+s23+$0x0] =	vst.idx.msk vm0, v6  }
0xe8: {  	v7 =	vld.idx.msk [tilespmem:v5+s23+$0x0], vm0;
	_ =	sdelay $0x4  }
0xe9: {  	vm12 =	vlt.s32 v7, v6  }
0xea: {  	vm0 =	vmand vm0, vm12;
	_ =	sdelay $0x5  }
0xeb: {  	[tilespmem:v5+s23+$0x0] =	vst.idx.msk vm0, v6  }
0xec: {  	v5 =	vld [tilespmem:s18+$0x30];
	_ =	sdelay $0x4  }
0xed: {  	vm13 =	vge.s32 v5, v0;
	vm14 =	vlt.s32 v5, v1  }
0xee: {  	v5 =	vsub.s32 v5, v0;
	vm0 =	vmand vm13, vm14  }
0xef: {  	v5 =	vnsel vm0, $0x0, v5;
	_ =	sdelay $0x2  }
0xf0: {  	s0 =	sadd.s32 $0x870, s0  }
0xf1: {  	v6 =	vor.u32 s0, v4  }
0xf2: {  	[tilespmem:v5+s23+$0x0] =	vst.idx.msk vm0, v6  }
0xf3: {  	v7 =	vld.idx.msk [tilespmem:v5+s23+$0x0], vm0;
	_ =	sdelay $0x4  }
0xf4: {  	vm15 =	vlt.s32 v7, v6  }
0xf5: {  	vm0 =	vmand vm0, vm15  }
0xf6: {  	p1 =	sne.s32 s14, $0x780  }
.Ltmp3:
0xf7: {  	_ = 	snop;
	(pc) =	sbr.rel @p1 .LBB2_9-.Ltmp3, $2  }
0xf8: {  	_ =	sdelay $0x2  }
0xf9: {  	s14 =	sadd.s32 $0x80, s14;
	s18 =	sadd.s32 $0x80, s18;
	[tilespmem:v5+s23+$0x0] =	vst.idx.msk vm0, v6  }
.Ltmp4:
0xfa: {  	(pc) =	sbr.rel @p0 .LBB2_12-.Ltmp4, $1  }
0xfb: {  	_ =	sdelay $0x3  }
.Ltmp5:
0xfc: {  	(pc) =	sbr.rel .LBB2_6-.Ltmp5, $3  }
0xfd: {  	_ =	sdelay $0x1  }
0xfe: {  	s0 =	sadd.s32 s10, s12;
	s19 =	sadd.s32 $0x1, s19;
	s9 =	sadd.s32 $0x1000, s9  }
0xff: {  	[tilespmem:s6], [sflag:$0x2] =	stream.linear.gather [hbm4b:s0+s5], $0x800, $0x38;
	[tilespmem:$0x1B100] =	vst v63  }
.LBB2_12:
0x100: {  	s9 =	simm.s32 $0x0;
	s0 =	rddreg [dreg:$0x9]  }
0x101: {  	[hbm4b:s0+s9] =	stream.linear.scatter [tilespmem:s23], [sflag:$0x8], $0x10000, $0x38;
	[tilespmem:$0x1B100] =	vst v63  }
0x102: {  	_ =	swait.ge [sflag:s20], $0x10000  }
0x103: {  	[sflag:s20] =	ssyncset.done $0x0  }
0x104: {  	[sflag:s20] =	ssyncadd.s32 $0xFFFF0000  }
0x105: {  	s10 =	simm.s32 $0x12000;
	[bflag:$0x0] =	sbarrier.arrive $0xFFFF  }
0x106: {  	[tilespmem:s10], [sflag:$0x7] =	stream.indirect.gather [hbm4b:s7+s25], $0x1, s4, s25, $0xb8;
	[tilespmem:$0x1B100] =	vst v63  }
0x107: {  	s14 =	simm.s32 $0x11080;
	s3 =	simm.s32 $0x12080  }
0x108: {  	[tilespmem:s3], [sflag:$0x7] =	stream.indirect.gather [hbm4b:s7+s25], $0x1, s14, s25, $0xb8;
	[tilespmem:$0x1B100] =	vst v63  }
0x109: {  	s18 =	simm.s32 $0x11100;
	s19 =	simm.s32 $0x12100  }
0x10a: {  	[tilespmem:s19], [sflag:$0x7] =	stream.indirect.gather [hbm4b:s7+s25], $0x1, s18, s25, $0xb8;
	[tilespmem:$0x1B100] =	vst v63  }
0x10b: {  	s21 =	simm.s32 $0x11180;
	s29 =	simm.s32 $0x12180  }
0x10c: {  	[tilespmem:s29], [sflag:$0x7] =	stream.indirect.gather [hbm4b:s7+s25], $0x1, s21, s25, $0xb8;
	[tilespmem:$0x1B100] =	vst v63  }
0x10d: {  	s6 =	simm.s32 $0x12200;
	s4 =	simm.s32 $0x11200  }
0x10e: {  	[tilespmem:s6], [sflag:$0x7] =	stream.indirect.gather [hbm4b:s7+s25], $0x1, s4, s25, $0xb8;
	[tilespmem:$0x1B100] =	vst v63  }
0x10f: {  	s10 =	simm.s32 $0x11280;
	s14 =	simm.s32 $0x12280  }
0x110: {  	[tilespmem:s14], [sflag:$0x7] =	stream.indirect.gather [hbm4b:s7+s25], $0x1, s10, s25, $0xb8;
	[tilespmem:$0x1B100] =	vst v63  }
0x111: {  	s18 =	simm.s32 $0x11300;
	s19 =	simm.s32 $0x12300  }
0x112: {  	[tilespmem:s19], [sflag:$0x7] =	stream.indirect.gather [hbm4b:s7+s25], $0x1, s18, s25, $0xb8;
	[tilespmem:$0x1B100] =	vst v63  }
0x113: {  	s21 =	simm.s32 $0x11380;
	s29 =	simm.s32 $0x12380  }
0x114: {  	[tilespmem:s29], [sflag:$0x7] =	stream.indirect.gather [hbm4b:s7+s25], $0x1, s21, s25, $0xb8;
	[tilespmem:$0x1B100] =	vst v63  }
0x115: {  	s4 =	simm.s32 $0x11400;
	s6 =	simm.s32 $0x12400  }
0x116: {  	[tilespmem:s6], [sflag:$0x7] =	stream.indirect.gather [hbm4b:s7+s25], $0x1, s4, s25, $0xb8;
	[tilespmem:$0x1B100] =	vst v63  }
0x117: {  	s10 =	simm.s32 $0x11480;
	s14 =	simm.s32 $0x12480  }
0x118: {  	[tilespmem:s14], [sflag:$0x7] =	stream.indirect.gather [hbm4b:s7+s25], $0x1, s10, s25, $0xb8;
	[tilespmem:$0x1B100] =	vst v63  }
0x119: {  	s18 =	simm.s32 $0x11500;
	s19 =	simm.s32 $0x12500  }
0x11a: {  	[tilespmem:s19], [sflag:$0x7] =	stream.indirect.gather [hbm4b:s7+s25], $0x1, s18, s25, $0xb8;
	[tilespmem:$0x1B100] =	vst v63  }
0x11b: {  	s21 =	simm.s32 $0x11580;
	s29 =	simm.s32 $0x12580  }
0x11c: {  	[tilespmem:s29], [sflag:$0x7] =	stream.indirect.gather [hbm4b:s7+s25], $0x1, s21, s25, $0xb8;
	[tilespmem:$0x1B100] =	vst v63  }
0x11d: {  	s4 =	simm.s32 $0x11600;
	s6 =	simm.s32 $0x12600  }
0x11e: {  	[tilespmem:s6], [sflag:$0x7] =	stream.indirect.gather [hbm4b:s7+s25], $0x1, s4, s25, $0xb8;
	[tilespmem:$0x1B100] =	vst v63  }
0x11f: {  	s10 =	simm.s32 $0x11680;
	s14 =	simm.s32 $0x12680  }
0x120: {  	[tilespmem:s14], [sflag:$0x7] =	stream.indirect.gather [hbm4b:s7+s25], $0x1, s10, s25, $0xb8;
	[tilespmem:$0x1B100] =	vst v63  }
0x121: {  	s18 =	simm.s32 $0x11700;
	s19 =	simm.s32 $0x12700  }
0x122: {  	[tilespmem:s19], [sflag:$0x7] =	stream.indirect.gather [hbm4b:s7+s25], $0x1, s18, s25, $0xb8;
	[tilespmem:$0x1B100] =	vst v63  }
0x123: {  	s21 =	simm.s32 $0x11780;
	s29 =	simm.s32 $0x12780  }
0x124: {  	[tilespmem:s29], [sflag:$0x7] =	stream.indirect.gather [hbm4b:s7+s25], $0x1, s21, s25, $0xb8;
	[tilespmem:$0x1B100] =	vst v63  }
0x125: {  	s4 =	simm.s32 $0x11800;
	s6 =	simm.s32 $0x12800  }
0x126: {  	[tilespmem:s6], [sflag:$0x7] =	stream.indirect.gather [hbm4b:s7+s25], $0x1, s4, s25, $0xb8;
	[tilespmem:$0x1B100] =	vst v63  }
0x127: {  	s10 =	simm.s32 $0x11880;
	s14 =	simm.s32 $0x12880  }
0x128: {  	[tilespmem:s14], [sflag:$0x7] =	stream.indirect.gather [hbm4b:s7+s25], $0x1, s10, s25, $0xb8;
	[tilespmem:$0x1B100] =	vst v63  }
0x129: {  	s18 =	simm.s32 $0x11900;
	s19 =	simm.s32 $0x12900  }
0x12a: {  	[tilespmem:s19], [sflag:$0x7] =	stream.indirect.gather [hbm4b:s7+s25], $0x1, s18, s25, $0xb8;
	[tilespmem:$0x1B100] =	vst v63  }
0x12b: {  	s21 =	simm.s32 $0x11980;
	s29 =	simm.s32 $0x12980  }
0x12c: {  	[tilespmem:s29], [sflag:$0x7] =	stream.indirect.gather [hbm4b:s7+s25], $0x1, s21, s25, $0xb8;
	[tilespmem:$0x1B100] =	vst v63  }
0x12d: {  	s4 =	simm.s32 $0x11A00;
	s6 =	simm.s32 $0x12A00  }
0x12e: {  	[tilespmem:s6], [sflag:$0x7] =	stream.indirect.gather [hbm4b:s7+s25], $0x1, s4, s25, $0xb8;
	[tilespmem:$0x1B100] =	vst v63  }
0x12f: {  	s10 =	simm.s32 $0x11A80;
	s14 =	simm.s32 $0x12A80  }
0x130: {  	[tilespmem:s14], [sflag:$0x7] =	stream.indirect.gather [hbm4b:s7+s25], $0x1, s10, s25, $0xb8;
	[tilespmem:$0x1B100] =	vst v63  }
0x131: {  	s18 =	simm.s32 $0x11B00;
	s19 =	simm.s32 $0x12B00  }
0x132: {  	[tilespmem:s19], [sflag:$0x7] =	stream.indirect.gather [hbm4b:s7+s25], $0x1, s18, s25, $0xb8;
	[tilespmem:$0x1B100] =	vst v63  }
0x133: {  	s21 =	simm.s32 $0x11B80;
	s29 =	simm.s32 $0x12B80  }
0x134: {  	[tilespmem:s29], [sflag:$0x7] =	stream.indirect.gather [hbm4b:s7+s25], $0x1, s21, s25, $0xb8;
	[tilespmem:$0x1B100] =	vst v63  }
0x135: {  	s4 =	simm.s32 $0x11C00;
	s6 =	simm.s32 $0x12C00  }
0x136: {  	[tilespmem:s6], [sflag:$0x7] =	stream.indirect.gather [hbm4b:s7+s25], $0x1, s4, s25, $0xb8;
	[tilespmem:$0x1B100] =	vst v63  }
0x137: {  	s10 =	simm.s32 $0x11C80;
	s14 =	simm.s32 $0x12C80  }
0x138: {  	[tilespmem:s14], [sflag:$0x7] =	stream.indirect.gather [hbm4b:s7+s25], $0x1, s10, s25, $0xb8;
	[tilespmem:$0x1B100] =	vst v63  }
0x139: {  	s18 =	simm.s32 $0x11D00;
	s19 =	simm.s32 $0x12D00  }
0x13a: {  	[tilespmem:s19], [sflag:$0x7] =	stream.indirect.gather [hbm4b:s7+s25], $0x1, s18, s25, $0xb8;
	[tilespmem:$0x1B100] =	vst v63  }
0x13b: {  	s21 =	simm.s32 $0x11D80;
	s29 =	simm.s32 $0x12D80  }
0x13c: {  	[tilespmem:s29], [sflag:$0x7] =	stream.indirect.gather [hbm4b:s7+s25], $0x1, s21, s25, $0xb8;
	[tilespmem:$0x1B100] =	vst v63  }
0x13d: {  	s4 =	simm.s32 $0x11E00;
	s6 =	simm.s32 $0x12E00  }
0x13e: {  	[tilespmem:s6], [sflag:$0x7] =	stream.indirect.gather [hbm4b:s7+s25], $0x1, s4, s25, $0xb8;
	[tilespmem:$0x1B100] =	vst v63  }
0x13f: {  	s10 =	simm.s32 $0x11E80;
	s14 =	simm.s32 $0x12E80  }
0x140: {  	[tilespmem:s14], [sflag:$0x7] =	stream.indirect.gather [hbm4b:s7+s25], $0x1, s10, s25, $0xb8;
	[tilespmem:$0x1B100] =	vst v63  }
0x141: {  	s18 =	simm.s32 $0x11F00;
	s19 =	simm.s32 $0x12F00  }
0x142: {  	[tilespmem:s19], [sflag:$0x7] =	stream.indirect.gather [hbm4b:s7+s25], $0x1, s18, s25, $0xb8;
	[tilespmem:$0x1B100] =	vst v63  }
0x143: {  	s21 =	simm.s32 $0x11F80;
	s29 =	simm.s32 $0x12F80  }
0x144: {  	[tilespmem:s29], [sflag:$0x7] =	stream.indirect.gather [hbm4b:s7+s25], $0x1, s21, s25, $0xb8;
	[tilespmem:$0x1B100] =	vst v63  }
0x145: {  	_ =	swait.ge [sflag:s26], $0x80  }
0x146: {  	[sflag:s26] =	ssyncset.done $0x0  }
0x147: {  	[sflag:s26] =	ssyncadd.s32 $0xFFFFFF80  }
0x148: {  	_ =	swait.ge [sflag:s26], $0x80  }
0x149: {  	[sflag:s26] =	ssyncset.done $0x0  }
0x14a: {  	[sflag:s26] =	ssyncadd.s32 $0xFFFFFF80  }
0x14b: {  	_ =	swait.ge [sflag:s26], $0x80  }
0x14c: {  	[sflag:s26] =	ssyncset.done $0x0  }
0x14d: {  	[sflag:s26] =	ssyncadd.s32 $0xFFFFFF80  }
0x14e: {  	_ =	swait.ge [sflag:s26], $0x80  }
0x14f: {  	[sflag:s26] =	ssyncset.done $0x0  }
0x150: {  	[sflag:s26] =	ssyncadd.s32 $0xFFFFFF80  }
0x151: {  	_ =	swait.ge [sflag:s26], $0x80  }
0x152: {  	[sflag:s26] =	ssyncset.done $0x0  }
0x153: {  	[sflag:s26] =	ssyncadd.s32 $0xFFFFFF80  }
0x154: {  	_ =	swait.ge [sflag:s26], $0x80  }
0x155: {  	[sflag:s26] =	ssyncset.done $0x0  }
0x156: {  	[sflag:s26] =	ssyncadd.s32 $0xFFFFFF80  }
0x157: {  	_ =	swait.ge [sflag:s26], $0x80  }
0x158: {  	[sflag:s26] =	ssyncset.done $0x0  }
0x159: {  	[sflag:s26] =	ssyncadd.s32 $0xFFFFFF80  }
0x15a: {  	_ =	swait.ge [sflag:s26], $0x80  }
0x15b: {  	[sflag:s26] =	ssyncset.done $0x0  }
0x15c: {  	[sflag:s26] =	ssyncadd.s32 $0xFFFFFF80  }
0x15d: {  	_ =	swait.ge [sflag:s26], $0x80  }
0x15e: {  	[sflag:s26] =	ssyncset.done $0x0  }
0x15f: {  	[sflag:s26] =	ssyncadd.s32 $0xFFFFFF80  }
0x160: {  	_ =	swait.ge [sflag:s26], $0x80  }
0x161: {  	[sflag:s26] =	ssyncset.done $0x0  }
0x162: {  	[sflag:s26] =	ssyncadd.s32 $0xFFFFFF80  }
0x163: {  	_ =	swait.ge [sflag:s26], $0x80  }
0x164: {  	[sflag:s26] =	ssyncset.done $0x0  }
0x165: {  	[sflag:s26] =	ssyncadd.s32 $0xFFFFFF80  }
0x166: {  	_ =	swait.ge [sflag:s26], $0x80  }
0x167: {  	[sflag:s26] =	ssyncset.done $0x0  }
0x168: {  	[sflag:s26] =	ssyncadd.s32 $0xFFFFFF80  }
0x169: {  	_ =	swait.ge [sflag:s26], $0x80  }
0x16a: {  	[sflag:s26] =	ssyncset.done $0x0  }
0x16b: {  	[sflag:s26] =	ssyncadd.s32 $0xFFFFFF80  }
0x16c: {  	_ =	swait.ge [sflag:s26], $0x80  }
0x16d: {  	[sflag:s26] =	ssyncset.done $0x0  }
0x16e: {  	[sflag:s26] =	ssyncadd.s32 $0xFFFFFF80  }
0x16f: {  	_ =	swait.ge [sflag:s26], $0x80  }
0x170: {  	[sflag:s26] =	ssyncset.done $0x0  }
0x171: {  	[sflag:s26] =	ssyncadd.s32 $0xFFFFFF80  }
0x172: {  	_ =	swait.ge [sflag:s26], $0x80  }
0x173: {  	[sflag:s26] =	ssyncset.done $0x0  }
0x174: {  	[sflag:s26] =	ssyncadd.s32 $0xFFFFFF80  }
0x175: {  	_ =	swait.ge [sflag:s26], $0x80  }
0x176: {  	[sflag:s26] =	ssyncset.done $0x0  }
0x177: {  	[sflag:s26] =	ssyncadd.s32 $0xFFFFFF80  }
0x178: {  	_ =	swait.ge [sflag:s26], $0x80  }
0x179: {  	[sflag:s26] =	ssyncset.done $0x0  }
0x17a: {  	[sflag:s26] =	ssyncadd.s32 $0xFFFFFF80  }
0x17b: {  	_ =	swait.ge [sflag:s26], $0x80  }
0x17c: {  	[sflag:s26] =	ssyncset.done $0x0  }
0x17d: {  	[sflag:s26] =	ssyncadd.s32 $0xFFFFFF80  }
0x17e: {  	_ =	swait.ge [sflag:s26], $0x80  }
0x17f: {  	[sflag:s26] =	ssyncset.done $0x0  }
0x180: {  	[sflag:s26] =	ssyncadd.s32 $0xFFFFFF80  }
0x181: {  	_ =	swait.ge [sflag:s26], $0x80  }
0x182: {  	[sflag:s26] =	ssyncset.done $0x0  }
0x183: {  	[sflag:s26] =	ssyncadd.s32 $0xFFFFFF80  }
0x184: {  	_ =	swait.ge [sflag:s26], $0x80  }
0x185: {  	[sflag:s26] =	ssyncset.done $0x0  }
0x186: {  	[sflag:s26] =	ssyncadd.s32 $0xFFFFFF80  }
0x187: {  	_ =	swait.ge [sflag:s26], $0x80  }
0x188: {  	[sflag:s26] =	ssyncset.done $0x0  }
0x189: {  	[sflag:s26] =	ssyncadd.s32 $0xFFFFFF80  }
0x18a: {  	_ =	swait.ge [sflag:s26], $0x80  }
0x18b: {  	[sflag:s26] =	ssyncset.done $0x0  }
0x18c: {  	[sflag:s26] =	ssyncadd.s32 $0xFFFFFF80  }
0x18d: {  	_ =	swait.ge [sflag:s26], $0x80  }
0x18e: {  	[sflag:s26] =	ssyncset.done $0x0  }
0x18f: {  	[sflag:s26] =	ssyncadd.s32 $0xFFFFFF80  }
0x190: {  	_ =	swait.ge [sflag:s26], $0x80  }
0x191: {  	[sflag:s26] =	ssyncset.done $0x0  }
0x192: {  	[sflag:s26] =	ssyncadd.s32 $0xFFFFFF80  }
0x193: {  	_ =	swait.ge [sflag:s26], $0x80  }
0x194: {  	[sflag:s26] =	ssyncset.done $0x0  }
0x195: {  	[sflag:s26] =	ssyncadd.s32 $0xFFFFFF80  }
0x196: {  	_ =	swait.ge [sflag:s26], $0x80  }
0x197: {  	[sflag:s26] =	ssyncset.done $0x0  }
0x198: {  	[sflag:s26] =	ssyncadd.s32 $0xFFFFFF80  }
0x199: {  	_ =	swait.ge [sflag:s26], $0x80  }
0x19a: {  	[sflag:s26] =	ssyncset.done $0x0  }
0x19b: {  	[sflag:s26] =	ssyncadd.s32 $0xFFFFFF80  }
0x19c: {  	_ =	swait.ge [sflag:s26], $0x80  }
0x19d: {  	[sflag:s26] =	ssyncset.done $0x0  }
0x19e: {  	[sflag:s26] =	ssyncadd.s32 $0xFFFFFF80  }
0x19f: {  	_ =	swait.ge [sflag:s26], $0x80  }
0x1a0: {  	[sflag:s26] =	ssyncset.done $0x0  }
0x1a1: {  	[sflag:s26] =	ssyncadd.s32 $0xFFFFFF80  }
0x1a2: {  	_ =	swait.ge [sflag:s26], $0x80  }
0x1a3: {  	[sflag:s26] =	ssyncset.done $0x0  }
0x1a4: {  	s19 =	simm.s32 $0x0;
	[sflag:s26] =	ssyncadd.s32 $0xFFFFFF80  }
.LBB2_13:
0x1a5: {  	p0 =	seq.s32 s19, $0x0  }
0x1a6: {  	s0 =	simm.s32 @!p0 $0x5  }
0x1a7: {  	_ =	swait.ge @!p0 [sflag:s0], $0x4000  }
0x1a8: {  	s10 =	sshll.u32 s19, $0x8;
	[sflag:s0] =	ssyncset.done @!p0 $0x0  }
0x1a9: {  	s21 =	sadd.s32 $0x11000, s10;
	[sflag:s0] =	ssyncadd.s32 @!p0 $0xFFFFC000  }
0x1aa: {  	[spmem:s15] =	stream.linear.scatter [tilespmem:s21], [sflag:$0x8], $0x80, $0x38;
	[tilespmem:$0x1B100] =	vst v63  }
0x1ab: {  	_ =	swait.ge [sflag:s20], $0x80  }
0x1ac: {  	[sflag:s20] =	ssyncset.done $0x0  }
0x1ad: {  	s29 =	sadd.s32 $0x12000, s10;
	[sflag:s20] =	ssyncadd.s32 $0xFFFFFF80  }
0x1ae: {  	[spmem:s16] =	stream.linear.scatter [tilespmem:s29], [sflag:$0x8], $0x80, $0x38;
	[tilespmem:$0x1B100] =	vst v63  }
0x1af: {  	_ =	swait.ge [sflag:s20], $0x80  }
0x1b0: {  	[sflag:s20] =	ssyncset.done $0x0  }
0x1b1: {  	[sflag:s20] =	ssyncadd.s32 $0xFFFFFF80  }
0x1b2: {  	[smem:s9], [sflag:$0x8] =	stream.linear.gather [spmem:s15], $0x80, $0x38;
	[tilespmem:$0x1B100] =	vst v63  }
0x1b3: {  	_ =	swait.ge [sflag:s20], $0x80  }
0x1b4: {  	[sflag:s20] =	ssyncset.done $0x0  }
0x1b5: {  	[sflag:s20] =	ssyncadd.s32 $0xFFFFFF80  }
0x1b6: {  	[smem:s25], [sflag:$0x8] =	stream.linear.gather [spmem:s16], $0x80, $0x38;
	[tilespmem:$0x1B100] =	vst v63  }
0x1b7: {  	_ =	swait.ge [sflag:s20], $0x80  }
0x1b8: {  	[sflag:s20] =	ssyncset.done $0x0  }
0x1b9: {  	[sflag:s20] =	ssyncadd.s32 $0xFFFFFF80  }
0x1ba: {  	s0 =	sld [smem:$0x80];
	_ =	sdelay $0x2  }
0x1bb: {  	p1 =	slt.s32 s0, $0x0  }
0x1bc: {  	s3 =	sld @p1 [smem:$0x0];
	_ =	sdelay $0x1  }
0x1bd: {  	p1 =	por p1, p1  }
0x1be: {  	s4 =	ssub.s32 @p1 s3, s8  }
0x1bf: {  	s6 =	sld [smem:$0x81];
	s3 =	sshll.u32 @p1 s3, $0x7;
	s4 =	sshll.u32 @p1 s4, $0x7  }
0x1c0: {  	s3 =	sand.u32 @p1 $0x380, s3;
	s4 =	sand.u32 @p1 $0xFFFFFC00, s4  }
0x1c1: {  	s0 =	sshll.u32 @!p1 s0, $0x4;
	s3 =	sor.u32 @p1 s3, s4  }
0x1c2: {  	s0 =	sand.u32 @!p1 $0x1FFFFFF0, s0;
	p2 =	slt.s32 s6, $0x0;
	s3 =	sshrl.u32 @p1 s3, $0x3  }
0x1c3: {  	s14 =	sadd.s32 @!p1 s2, s0;
	s4 =	sld @p2 [smem:$0x1];
	s3 =	sadd.s32 @p1 s1, s3  }
0x1c4: {  	s0 =	simm.s32 $0x13100;
	s14 =	smov.u32 @p1 s3;
	p1 =	por p2, p2  }
0x1c5: {  	[tilespmem:s0], [sflag:$0x3] =	stream.linear.gather [hbm4b:s14+s5], $0x80, $0x38;
	[tilespmem:$0x1B100] =	vst v63  }
0x1c6: {  	s3 =	ssub.s32 @p1 s4, s8  }
0x1c7: {  	s4 =	sshll.u32 @p1 s4, $0x7;
	s14 =	sld [smem:$0x82];
	s3 =	sshll.u32 @p1 s3, $0x7  }
0x1c8: {  	s4 =	sand.u32 @p1 $0x380, s4;
	s3 =	sand.u32 @p1 $0xFFFFFC00, s3  }
0x1c9: {  	s18 =	simm.s32 $0xC;
	s3 =	sor.u32 @p1 s4, s3;
	s4 =	sshll.u32 @!p1 s6, $0x4  }
0x1ca: {  	p2 =	slt.s32 s14, $0x0;
	s6 =	sshrl.u32 @p1 s3, $0x3;
	s21 =	sand.u32 @!p1 $0x1FFFFFF0, s4  }
0x1cb: {  	s3 =	sld @p2 [smem:$0x2];
	s4 =	sadd.s32 @p1 s1, s6;
	s6 =	sadd.s32 @!p1 s2, s21  }
.LBB2_14:
0x1cc: {  	s21 =	sshra.s32 s18, $0x2  }
0x1cd: {  	s6 =	smov.u32 @p1 s4;
	s0 =	sadd.s32 $0x80, s0;
	s4 =	smov.u32 s14  }
0x1ce: {  	s29 =	smov.u32 s18;
	p1 =	por p2, p2;
	s18 =	sadd.s32 $0x4, s18  }
0x1cf: {  	[tilespmem:s0], [sflag:$0x3] =	stream.linear.gather [hbm4b:s6+s5], $0x80, $0x38;
	[tilespmem:$0x1B100] =	vst v63  }
0x1d0: {  	p3 =	sne.s32 s18, $0x200;
	s14 =	sld [smem:s21+$0x80];
	s6 =	ssub.s32 @p1 s3, s8  }
.Ltmp6:
0x1d1: {  	s3 =	sshll.u32 @p1 s3, $0x7;
	s6 =	sshll.u32 @p1 s6, $0x7;
	(pc) =	sbr.rel @p3 .LBB2_14-.Ltmp6, $4  }
0x1d2: {  	s3 =	sand.u32 @p1 $0x380, s3;
	s6 =	sand.u32 @p1 $0xFFFFFC00, s6  }
0x1d3: {  	s4 =	sshll.u32 @!p1 s4, $0x4;
	p2 =	slt.s32 s14, $0x0;
	s3 =	sor.u32 @p1 s3, s6  }
0x1d4: {  	s6 =	sshra.s32 @p2 s29, $0x2;
	s21 =	sshrl.u32 @p1 s3, $0x3;
	s29 =	sand.u32 @!p1 $0x1FFFFFF0, s4  }
0x1d5: {  	s3 =	sld @p2 [smem:s6+$0x0];
	s4 =	sadd.s32 @p1 s1, s21;
	s6 =	sadd.s32 @!p1 s2, s29  }
0x1d6: {  	s6 =	smov.u32 @p1 s4;
	s0 =	sadd.s32 $0x80, s0;
	p1 =	por p2, p2  }
0x1d7: {  	[tilespmem:s0], [sflag:$0x3] =	stream.linear.gather [hbm4b:s6+s5], $0x80, $0x38;
	[tilespmem:$0x1B100] =	vst v63  }
0x1d8: {  	s4 =	ssub.s32 @p1 s3, s8  }
0x1d9: {  	s3 =	sshll.u32 @p1 s3, $0x7;
	s4 =	sshll.u32 @p1 s4, $0x7  }
0x1da: {  	s3 =	sand.u32 @p1 $0x380, s3;
	s4 =	sand.u32 @p1 $0xFFFFFC00, s4  }
0x1db: {  	s3 =	sor.u32 @p1 s3, s4;
	s4 =	sshll.u32 @!p1 s14, $0x4  }
0x1dc: {  	s3 =	sshrl.u32 @p1 s3, $0x3;
	s4 =	sand.u32 @!p1 $0x1FFFFFF0, s4  }
0x1dd: {  	s3 =	sadd.s32 @p1 s1, s3;
	s4 =	sadd.s32 @!p1 s2, s4  }
0x1de: {  	s0 =	sadd.s32 $0x80, s0;
	s4 =	smov.u32 @p1 s3  }
0x1df: {  	[tilespmem:s0], [sflag:$0x3] =	stream.linear.gather [hbm4b:s4+s5], $0x80, $0x38;
	[tilespmem:$0x1B100] =	vst v63  }
0x1e0: {  	_ =	swait.ge [sflag:s28], $0x80  }
0x1e1: {  	s0 =	simm.s32 $0x7F;
	[sflag:s28] =	ssyncset.done $0x0  }
.LBB2_16:
0x1e2: {  	p1 =	sne.s32 s0, $0x1;
	s0 =	sadd.s32 $0xFFFFFFFF, s0;
	[sflag:s28] =	ssyncadd.s32 $0xFFFFFF80  }
.Ltmp7:
0x1e3: {  	(pc) =	sbr.rel @p1 .LBB2_16-.Ltmp7, $3  }
0x1e4: {  	_ =	sdelay $0x1  }
0x1e5: {  	_ =	swait.ge [sflag:s28], $0x80  }
0x1e6: {  	[sflag:s28] =	ssyncset.done $0x0  }
0x1e7: {  	s0 =	sshll.u32 s19, $0xC  }
0x1e8: {  	[sflag:s28] =	ssyncadd.s32 $0xFFFFFF80;
	s3 =	simm.s32 $0x13100;
	s0 =	sadd.s32 s0, s17  }
0x1e9: {  	[hbm4b:s0+s5] =	stream.linear.scatter [tilespmem:s3], [sflag:$0x5], $0x4000, $0x38;
	[tilespmem:$0x1B100] =	vst v63  }
0x1ea: {  	s0 =	simm.s32 @!p0 $0x6  }
0x1eb: {  	_ =	swait.ge @!p0 [sflag:s0], $0x4000  }
0x1ec: {  	[sflag:s0] =	ssyncset.done @!p0 $0x0  }
0x1ed: {  	s18 =	sadd.s32 $0x11080, s10;
	[sflag:s0] =	ssyncadd.s32 @!p0 $0xFFFFC000  }
0x1ee: {  	[spmem:s15] =	stream.linear.scatter [tilespmem:s18], [sflag:$0x8], $0x80, $0x38;
	[tilespmem:$0x1B100] =	vst v63  }
0x1ef: {  	_ =	swait.ge [sflag:s20], $0x80  }
0x1f0: {  	[sflag:s20] =	ssyncset.done $0x0  }
0x1f1: {  	s21 =	sadd.s32 $0x12080, s10;
	[sflag:s20] =	ssyncadd.s32 $0xFFFFFF80  }
0x1f2: {  	[spmem:s16] =	stream.linear.scatter [tilespmem:s21], [sflag:$0x8], $0x80, $0x38;
	[tilespmem:$0x1B100] =	vst v63  }
0x1f3: {  	_ =	swait.ge [sflag:s20], $0x80  }
0x1f4: {  	[sflag:s20] =	ssyncset.done $0x0  }
0x1f5: {  	s29 =	simm.s32 $0x0;
	[sflag:s20] =	ssyncadd.s32 $0xFFFFFF80  }
0x1f6: {  	[smem:s29], [sflag:$0x8] =	stream.linear.gather [spmem:s15], $0x80, $0x38;
	[tilespmem:$0x1B100] =	vst v63  }
0x1f7: {  	_ =	swait.ge [sflag:s20], $0x80  }
0x1f8: {  	[sflag:s20] =	ssyncset.done $0x0  }
0x1f9: {  	[sflag:s20] =	ssyncadd.s32 $0xFFFFFF80  }
0x1fa: {  	[smem:s25], [sflag:$0x8] =	stream.linear.gather [spmem:s16], $0x80, $0x38;
	[tilespmem:$0x1B100] =	vst v63  }
0x1fb: {  	_ =	swait.ge [sflag:s20], $0x80  }
0x1fc: {  	[sflag:s20] =	ssyncset.done $0x0  }
0x1fd: {  	[sflag:s20] =	ssyncadd.s32 $0xFFFFFF80  }
0x1fe: {  	s0 =	sld [smem:$0x80];
	_ =	sdelay $0x2  }
0x1ff: {  	p0 =	slt.s32 s0, $0x0  }
0x200: {  	s3 =	sld @p0 [smem:$0x0];
	_ =	sdelay $0x1  }
0x201: {  	p0 =	por p0, p0  }
0x202: {  	s4 =	ssub.s32 @p0 s3, s8  }
0x203: {  	s6 =	sld [smem:$0x81];
	s3 =	sshll.u32 @p0 s3, $0x7;
	s4 =	sshll.u32 @p0 s4, $0x7  }
0x204: {  	s3 =	sand.u32 @p0 $0x380, s3;
	s4 =	sand.u32 @p0 $0xFFFFFC00, s4  }
0x205: {  	s0 =	sshll.u32 @!p0 s0, $0x4;
	s3 =	sor.u32 @p0 s3, s4  }
0x206: {  	s0 =	sand.u32 @!p0 $0x1FFFFFF0, s0;
	p1 =	slt.s32 s6, $0x0;
	s3 =	sshrl.u32 @p0 s3, $0x3  }
0x207: {  	s0 =	sadd.s32 @!p0 s2, s0;
	s4 =	sld @p1 [smem:$0x1];
	s3 =	sadd.s32 @p0 s1, s3  }
0x208: {  	s14 =	simm.s32 $0x17100;
	s0 =	smov.u32 @p0 s3;
	p0 =	por p1, p1  }
0x209: {  	[tilespmem:s14], [sflag:$0x4] =	stream.linear.gather [hbm4b:s0+s5], $0x80, $0x38;
	[tilespmem:$0x1B100] =	vst v63  }
0x20a: {  	s0 =	ssub.s32 @p0 s4, s8  }
0x20b: {  	s4 =	sshll.u32 @p0 s4, $0x7;
	s18 =	sld [smem:$0x82];
	s3 =	sshll.u32 @p0 s0, $0x7  }
0x20c: {  	s0 =	sor.u32 $0x80, s10;
	s4 =	sand.u32 @p0 $0x380, s4;
	s3 =	sand.u32 @p0 $0xFFFFFC00, s3  }
0x20d: {  	s10 =	simm.s32 $0xC;
	s3 =	sor.u32 @p0 s4, s3;
	s4 =	sshll.u32 @!p0 s6, $0x4  }
0x20e: {  	p1 =	slt.s32 s18, $0x0;
	s6 =	sshrl.u32 @p0 s3, $0x3;
	s21 =	sand.u32 @!p0 $0x1FFFFFF0, s4  }
0x20f: {  	s3 =	sld @p1 [smem:$0x2];
	s4 =	sadd.s32 @p0 s1, s6;
	s6 =	sadd.s32 @!p0 s2, s21  }
.LBB2_18:
0x210: {  	s21 =	sshra.s32 s10, $0x2  }
0x211: {  	s6 =	smov.u32 @p0 s4;
	s14 =	sadd.s32 $0x80, s14;
	s4 =	smov.u32 s18  }
0x212: {  	s29 =	smov.u32 s10;
	p0 =	por p1, p1;
	s10 =	sadd.s32 $0x4, s10  }
0x213: {  	[tilespmem:s14], [sflag:$0x4] =	stream.linear.gather [hbm4b:s6+s5], $0x80, $0x38;
	[tilespmem:$0x1B100] =	vst v63  }
0x214: {  	p2 =	sne.s32 s10, $0x200;
	s18 =	sld [smem:s21+$0x80];
	s6 =	ssub.s32 @p0 s3, s8  }
.Ltmp8:
0x215: {  	s3 =	sshll.u32 @p0 s3, $0x7;
	s6 =	sshll.u32 @p0 s6, $0x7;
	(pc) =	sbr.rel @p2 .LBB2_18-.Ltmp8, $4  }
0x216: {  	s3 =	sand.u32 @p0 $0x380, s3;
	s6 =	sand.u32 @p0 $0xFFFFFC00, s6  }
0x217: {  	s4 =	sshll.u32 @!p0 s4, $0x4;
	p1 =	slt.s32 s18, $0x0;
	s3 =	sor.u32 @p0 s3, s6  }
0x218: {  	s6 =	sshra.s32 @p1 s29, $0x2;
	s21 =	sshrl.u32 @p0 s3, $0x3;
	s29 =	sand.u32 @!p0 $0x1FFFFFF0, s4  }
0x219: {  	s3 =	sld @p1 [smem:s6+$0x0];
	s4 =	sadd.s32 @p0 s1, s21;
	s6 =	sadd.s32 @!p0 s2, s29  }
0x21a: {  	s6 =	smov.u32 @p0 s4;
	s21 =	sadd.s32 $0x80, s14;
	p0 =	por p1, p1  }
0x21b: {  	[tilespmem:s21], [sflag:$0x4] =	stream.linear.gather [hbm4b:s6+s5], $0x80, $0x38;
	[tilespmem:$0x1B100] =	vst v63  }
0x21c: {  	s6 =	ssub.s32 @p0 s3, s8  }
0x21d: {  	s3 =	sshll.u32 @p0 s3, $0x7;
	s6 =	sshll.u32 @p0 s6, $0x7  }
0x21e: {  	s3 =	sand.u32 @p0 $0x380, s3;
	s6 =	sand.u32 @p0 $0xFFFFFC00, s6  }
0x21f: {  	s3 =	sor.u32 @p0 s3, s6;
	s6 =	sshll.u32 @!p0 s18, $0x4  }
0x220: {  	s3 =	sshrl.u32 @p0 s3, $0x3;
	s6 =	sand.u32 @!p0 $0x1FFFFFF0, s6  }
0x221: {  	s3 =	sadd.s32 @p0 s1, s3;
	s6 =	sadd.s32 @!p0 s2, s6  }
0x222: {  	s29 =	sadd.s32 $0x80, s21;
	s6 =	smov.u32 @p0 s3  }
0x223: {  	[tilespmem:s29], [sflag:$0x4] =	stream.linear.gather [hbm4b:s6+s5], $0x80, $0x38;
	[tilespmem:$0x1B100] =	vst v63  }
0x224: {  	_ =	swait.ge [sflag:s30], $0x80  }
0x225: {  	s3 =	simm.s32 $0x7F;
	[sflag:s30] =	ssyncset.done $0x0  }
.LBB2_20:
0x226: {  	p0 =	sne.s32 s3, $0x1;
	s3 =	sadd.s32 $0xFFFFFFFF, s3;
	[sflag:s30] =	ssyncadd.s32 $0xFFFFFF80  }
.Ltmp9:
0x227: {  	(pc) =	sbr.rel @p0 .LBB2_20-.Ltmp9, $3  }
0x228: {  	_ =	sdelay $0x1  }
0x229: {  	_ =	swait.ge [sflag:s30], $0x80  }
0x22a: {  	[sflag:s30] =	ssyncset.done $0x0  }
0x22b: {  	s19 =	sadd.s32 $0x1, s19  }
0x22c: {  	p0 =	sne.s32 s19, $0x10  }
.Ltmp10:
0x22d: {  	_ = 	snop;
	(pc) =	sbr.rel @p0 .LBB2_13-.Ltmp10, $4  }
0x22e: {  	s0 =	sadd.s32 s13, s0;
	[sflag:s30] =	ssyncadd.s32 $0xFFFFFF80  }
0x22f: {  	s0 =	sshll.u32 s0, $0x4;
	s3 =	rddreg [dreg:$0x3]  }
0x230: {  	s0 =	sadd.s32 s3, s0  }
0x231: {  	[hbm4b:s0+s5] =	stream.linear.scatter [tilespmem:s31], [sflag:$0x6], $0x4000, $0x38;
	[tilespmem:$0x1B100] =	vst v63  }
0x232: {  	s0 =	simm.s32 $0x5  }
0x233: {  	_ =	swait.ge [sflag:s0], $0x4000  }
0x234: {  	[sflag:s0] =	ssyncset.done $0x0  }
0x235: {  	s3 =	simm.s32 $0x6;
	[sflag:s0] =	ssyncadd.s32 $0xFFFFC000  }
0x236: {  	_ =	swait.ge [sflag:s3], $0x4000  }
0x237: {  	s9 =	rddreg [dreg:$0xb]  }
0x238: {  	s29 =	rddreg [dreg:$0xa];
	s9 =	sadd.s32 $0x1, s9  }
0x239: {  	p0 =	sne.s32 s9, s29  }
.Ltmp11:
0x23a: {  	_ = 	snop;
	(pc) =	sbr.rel @p0 .LBB2_1-.Ltmp11, $3  }
0x23b: {  	_ =	sdelay $0x1  }
0x23c: {  	[sflag:s3] =	ssyncset.done $0x0  }
0x23d: {  	s4 =	simm.s32 $0x11000;
	s6 =	simm.s32 $0x800;
	[sflag:s3] =	ssyncadd.s32 $0xFFFFC000  }
0x23e: {  	_ =	sfence.sel $0x180000  }
0x23f: {  	[bflag:$0x0] =	sbarrier.arrive $0xFFFF  }
0x240: {  	_ =	strace $0x90000047  }
0x241: {  	s0 =	stileid.u32;
	[bflag:$0x2] =	sbarrier.arrive $0xFFFF  }
0x242: {  	p0 =	sne.s32 s0, $0x0;
	s0 =	rddreg [dreg:$0x5]  }
0x243: {  	s0 =	sadd.s32 @!p0 $0x100000, s0  }
0x244: {  	[sflag:s0] =	ssyncadd.tile.s32 @!p0 $0x1;
	_ =	shalt  }
.Lfunc_end2:
_tile_overlayer_lowered:
.L_overlay_start_2:
0x245: {  	(tag) =	ssettag $0x2  }
0x246: {  	s0 =	rddreg [dreg:$0x0];
	s2 =	stileid.u32  }
0x247: {  	s1 =	rddreg [dreg:$0x1];
	p0 =	sne.s32 s2, $0x0  }
0x248: {  	s3 =	rddreg [dreg:$0x2];
	[bflag:$0x3] =	sbarrier.arrive $0xFFFF;
	s2 =	simm.s32 @!p0 $0x1C08  }
0x249: {  	[timem:s3], [sflag:s2] =	dma.local @!p0 [hbm:s0], s1  }
0x24a: {  	s0 =	simm.s32 @!p0 $0x8  }
0x24b: {  	_ =	swait.ge @!p0 [sflag:s0], s1  }
0x24c: {  	s1 =	ssub.s32 @!p0 $0x0, s1;
	[sflag:s0] =	ssyncset.done @!p0 $0x0  }
0x24d: {  	[sflag:s0] =	ssyncadd.s32 @!p0 s1  }
0x24e: {  	[bflag:$0x3] =	sbarrier.arrive $0xFFFF  }
0x24f: {  	_ =	shalt  }

</sc_bundles>
